<compile_context>
chip_gen: v7x
topology: tpu7x:2x2x1
jax: 0.10.2.dev20260603
libtpu: 0.0.44.dev20260713+nightly
codegen_flags: <defaults>
</compile_context>

<pallas_src>
import functools

import jax
import jax.numpy as jnp
from jax import lax
from jax.experimental import pallas as pl
from jax.experimental.pallas import tpu as pltpu
from jax.experimental.pallas import tpu_sc as plsc

N_NODES = 10000
D = 128
NC = 2
NS = 16
NW = NC * NS
N_PAD = 10240
RPT = N_PAD // NS
CH = 128
IDX_G = 16
GROUPS = 5
CHUNKS = GROUPS * IDX_G
E_TILE = CHUNKS * CH
E_PAD = NW * E_TILE
MBLK = 2048
NCHUNK = E_PAD // CH
PBLK = NCHUNK // 5

_mesh = plsc.VectorSubcoreMesh(
    core_axis_name="c", subcore_axis_name="s", num_cores=NC, num_subcores=NS
)


@functools.partial(
    pl.kernel,
    out_type=jax.ShapeDtypeStruct((NC, N_PAD), jnp.float32),
    mesh=_mesh,
    scratch_types=[
        pltpu.VMEM((CHUNKS, CH), jnp.int32),
        pltpu.VMEM((CH,), jnp.float32),
        pltpu.VMEM((RPT,), jnp.float32),
        pltpu.SemaphoreType.DMA,
        pltpu.VMEM_SHARED((N_PAD,), jnp.float32),
    ],
)
def _deg_kernel(dst_hbm, out_hbm, idx_v, ones_v, zeros_v, dsem, deg_sh):
    c = lax.axis_index("c")
    s = lax.axis_index("s")
    wid = s * NC + c

    @pl.loop(0, CH // 16)
    def _(i):
        ones_v[pl.ds(i * 16, 16)] = jnp.ones((16,), jnp.float32)

    @pl.loop(0, RPT // 16)
    def _(i):
        zeros_v[pl.ds(i * 16, 16)] = jnp.zeros((16,), jnp.float32)

    pltpu.sync_copy(zeros_v, deg_sh.at[pl.ds(s * RPT, RPT)])
    pltpu.sync_copy(dst_hbm.at[pl.ds(wid * CHUNKS, CHUNKS)], idx_v)
    plsc.subcore_barrier()

    @pl.loop(0, GROUPS)
    def _(grp):
        for k in range(IDX_G):
            pltpu.make_async_copy(
                ones_v, deg_sh.at[idx_v.at[grp * IDX_G + k]], dsem
            ).start(add=True)
        for k in range(IDX_G):
            pltpu.make_async_copy(
                ones_v, deg_sh.at[idx_v.at[grp * IDX_G + k]], dsem
            ).wait()

    plsc.subcore_barrier()
    pltpu.sync_copy(
        deg_sh.at[pl.ds(s * RPT, RPT)], out_hbm.at[c, pl.ds(s * RPT, RPT)]
    )


@functools.partial(
    pl.kernel,
    out_type=jax.ShapeDtypeStruct((NC, N_PAD, D), jnp.float32),
    mesh=_mesh,
    scratch_types=[
        pltpu.VMEM((IDX_G, CH), jnp.int32),
        pltpu.VMEM((IDX_G, CH), jnp.int32),
        pltpu.VMEM((IDX_G, CH), jnp.int32),
        pltpu.VMEM((IDX_G, CH), jnp.int32),
        pltpu.VMEM((CH, D), jnp.float32),
        pltpu.VMEM((CH, D), jnp.float32),
        pltpu.SemaphoreType.DMA,
        pltpu.SemaphoreType.DMA,
        pltpu.SemaphoreType.DMA,
        pltpu.SemaphoreType.DMA,
        pltpu.SemaphoreType.DMA,
        pltpu.SemaphoreType.DMA,
        pltpu.VMEM_SHARED((N_PAD, D), jnp.float32),
    ],
)
def _edge_kernel(g_hbm, src_hbm, dst_hbm, out_hbm,
                 srcI0, srcI1, dstI0, dstI1, buf0, buf1,
                 gsem0, gsem1, ssem0, ssem1, isem_s, isem_d, acc_sh):
    c = lax.axis_index("c")
    s = lax.axis_index("s")
    wid = s * NC + c
    srcIs = (srcI0, srcI1)
    dstIs = (dstI0, dstI1)
    bufs = (buf0, buf1)
    gsems = (gsem0, gsem1)
    ssems = (ssem0, ssem1)

    @pl.loop(0, CH)
    def _(i):
        for j in range(D // 16):
            bufs[0][i, pl.ds(j * 16, 16)] = jnp.zeros((16,), jnp.float32)

    @pl.loop(0, RPT // CH)
    def _(k):
        pltpu.sync_copy(bufs[0], acc_sh.at[pl.ds(s * RPT + k * CH, CH)])

    base = wid * CHUNKS
    pltpu.sync_copy(src_hbm.at[pl.ds(base, IDX_G)], srcIs[0])
    pltpu.sync_copy(dst_hbm.at[pl.ds(base, IDX_G)], dstIs[0])
    plsc.subcore_barrier()

    for k in range(2):
        pltpu.async_copy(g_hbm.at[srcIs[0].at[k]], bufs[k], gsems[k])

    for grp in range(GROUPS):
        sI = srcIs[grp % 2]
        dI = dstIs[grp % 2]
        if grp + 1 < GROUPS:
            nbase = base + (grp + 1) * IDX_G
            pltpu.async_copy(src_hbm.at[pl.ds(nbase, IDX_G)],
                             srcIs[(grp + 1) % 2], isem_s)
            pltpu.async_copy(dst_hbm.at[pl.ds(nbase, IDX_G)],
                             dstIs[(grp + 1) % 2], isem_d)

        @pl.loop(0, IDX_G, step=2)
        def _(t):
            for k in range(2):
                pltpu.make_async_copy(
                    g_hbm.at[sI.at[t + k]], bufs[k], gsems[k]
                ).wait()
                pltpu.sync_copy(bufs[k], acc_sh.at[dI.at[t + k]], add=True)

                @pl.when(t + k + 2 < IDX_G)
                def _():
                    pltpu.async_copy(
                        g_hbm.at[sI.at[t + k + 2]], bufs[k], gsems[k]
                    )

        if grp + 1 < GROUPS:
            nbase = base + (grp + 1) * IDX_G
            nsI = srcIs[(grp + 1) % 2]
            pltpu.make_async_copy(src_hbm.at[pl.ds(nbase, IDX_G)],
                                  nsI, isem_s).wait()
            pltpu.make_async_copy(dst_hbm.at[pl.ds(nbase, IDX_G)],
                                  dstIs[(grp + 1) % 2], isem_d).wait()
            for k in range(2):
                pltpu.async_copy(g_hbm.at[nsI.at[k]], bufs[k], gsems[k])

    plsc.subcore_barrier()
    pltpu.sync_copy(
        acc_sh.at[pl.ds(s * RPT, RPT)], out_hbm.at[c, pl.ds(s * RPT, RPT)]
    )


def _prep_body(e_ref, s_ref, d_ref):
    i = pl.program_id(0)
    e = e_ref[...]
    rows = lax.broadcasted_iota(jnp.int32, (PBLK, CH), 0) + i * PBLK
    pad = N_NODES + lax.broadcasted_iota(jnp.int32, (PBLK, CH), 1)
    mask = rows < (320000 // CH)
    s_ref[...] = jnp.where(mask, e[0].reshape(PBLK, CH), pad)
    d_ref[...] = jnp.where(mask, e[1].reshape(PBLK, CH), pad)


_prep = pl.pallas_call(
    _prep_body,
    grid=(NCHUNK // PBLK,),
    in_specs=[pl.BlockSpec((2, PBLK * CH), lambda i: (0, i))],
    out_specs=[
        pl.BlockSpec((PBLK, CH), lambda i: (i, 0)),
        pl.BlockSpec((PBLK, CH), lambda i: (i, 0)),
    ],
    out_shape=[
        jax.ShapeDtypeStruct((NCHUNK, CH), jnp.int32),
        jax.ShapeDtypeStruct((NCHUNK, CH), jnp.int32),
    ],
)


def _mm_body(x_ref, w_ref, degp_ref, g_ref):
    deg = degp_ref[0] + degp_ref[1] + 1.0
    dinv = lax.rsqrt(deg).reshape(MBLK, 1)
    h = jnp.dot(x_ref[...], w_ref[...], preferred_element_type=jnp.float32)
    g_ref[...] = h * dinv


_mm = pl.pallas_call(
    _mm_body,
    grid=(N_PAD // MBLK,),
    in_specs=[
        pl.BlockSpec((MBLK, D), lambda i: (i, 0)),
        pl.BlockSpec((D, D), lambda i: (0, 0)),
        pl.BlockSpec((2, MBLK), lambda i: (0, i)),
    ],
    out_specs=pl.BlockSpec((MBLK, D), lambda i: (i, 0)),
    out_shape=jax.ShapeDtypeStruct((N_PAD, D), jnp.float32),
)


def _fin_body(p_ref, g_ref, degp_ref, b_ref, fcw_ref, fcb_ref, y_ref):
    deg = degp_ref[0] + degp_ref[1] + 1.0
    dinv = lax.rsqrt(deg).reshape(MBLK, 1)
    h = (p_ref[0] + p_ref[1] + g_ref[...]) * dinv + b_ref[...]
    h = jnp.maximum(h, 0.0)
    y = jnp.sum(h * fcw_ref[...], axis=1, keepdims=True) + fcb_ref[...]
    y_ref[...] = jnp.maximum(y, 0.0)


_fin = pl.pallas_call(
    _fin_body,
    grid=(N_PAD // MBLK,),
    in_specs=[
        pl.BlockSpec((2, MBLK, D), lambda i: (0, i, 0)),
        pl.BlockSpec((MBLK, D), lambda i: (i, 0)),
        pl.BlockSpec((2, MBLK), lambda i: (0, i)),
        pl.BlockSpec((1, D), lambda i: (0, 0)),
        pl.BlockSpec((1, D), lambda i: (0, 0)),
        pl.BlockSpec((1, 1), lambda i: (0, 0)),
    ],
    out_specs=pl.BlockSpec((MBLK, 1), lambda i: (i, 0)),
    out_shape=jax.ShapeDtypeStruct((N_NODES, 1), jnp.float32),
)


def kernel(x, edge_index, temporal_features, W, b, fc_W, fc_b):
    del temporal_features
    srcp, dstp = _prep(edge_index.astype(jnp.int32))

    degp = _deg_kernel(dstp)

    g = _mm(x, W, degp)

    parts = _edge_kernel(g, srcp, dstp)

    return _fin(parts, g, degp, b.reshape(1, D), fc_W.reshape(1, D),
                fc_b.reshape(1, 1))

# --- scband reference (transcript-rebuilt; emitter-appended) ---
"""Pipeline reference for scband-stgcn-6158983102575 (READ-ONLY COPY).

The authoritative reference and input builder live on the scoring server;
editing this copy changes nothing except your own understanding.
"""

import jax, jax.numpy as jnp
import numpy as np

N_NODES = 10000
N_EDGES = 320000
D_FEAT = 128
HIDDEN = 128
T_DIM = 10

def setup_inputs(seed: int = 0) -> dict:
    key = jax.random.key(seed)
    k1, k2, k3, k4, k5, k6, k7 = jax.random.split(key, 7)
    x = jax.random.normal(k1, (N_NODES, D_FEAT), dtype=jnp.float32)
    edge_index = jax.random.randint(k2, (2, N_EDGES), 0, N_NODES, dtype=jnp.int64)
    temporal_features = jax.random.normal(k3, (N_NODES, T_DIM), dtype=jnp.float32)
    # GCNConv params (glorot-ish init)
    W = jax.random.normal(k4, (D_FEAT, HIDDEN), dtype=jnp.float32) * (1.0 / np.sqrt(D_FEAT))
    b = jnp.zeros((HIDDEN,), dtype=jnp.float32)
    # fc: Linear(hidden_dim, 1)
    fc_W = jax.random.normal(k5, (HIDDEN, 1), dtype=jnp.float32) * (1.0 / np.sqrt(HIDDEN))
    fc_b = jnp.zeros((1,), dtype=jnp.float32)
    return {"x": x, "edge_index": edge_index, "temporal_features": temporal_features,
            "W": W, "b": b, "fc_W": fc_W, "fc_b": fc_b}

def _gcn_conv(x, edge_index, W, b):
    N = x.shape[0]
    # add self loops (PyG GCNConv default)
    loop = jnp.arange(N, dtype=edge_index.dtype)
    src = jnp.concatenate([edge_index[0], loop])
    dst = jnp.concatenate([edge_index[1], loop])
    # linear transform first
    h = x @ W
    # symmetric normalization D^{-1/2} A_hat D^{-1/2}
    ones = jnp.ones(src.shape[0], dtype=x.dtype)
    deg = jnp.zeros(N, dtype=x.dtype).at[dst].add(ones)
    deg_inv_sqrt = jnp.where(deg > 0, 1.0 / jnp.sqrt(deg), 0.0)
    norm = deg_inv_sqrt[src] * deg_inv_sqrt[dst]
    # gather messages from src, scale, scatter-add to dst
    msg = h[src] * norm[:, None]
    out = jnp.zeros_like(h).at[dst].add(msg)
    return out + b

def reference(x, edge_index, temporal_features, W, b, fc_W, fc_b):
    h = _gcn_conv(x, edge_index, W, b)
    h = jax.nn.relu(h)
    out = h @ fc_W + fc_b
    out = jax.nn.relu(out)
    return out

if __name__ == "__main__":
    import jax
    _d = setup_inputs()
    print(jax.jit(kernel)(*tuple(_d.values())))

</pallas_src>

<mosaic_0001>
#map = affine_map<(d0, d1) -> (0, 0)>
module attributes {stable_mosaic.version = 14 : i64} {
  func.func @_deg_kernel(%arg0: i32, %arg1: i32, %arg2: memref<2560x128xi32, #tpu.memory_space<hbm>>, %arg3: memref<2x10240xf32, #tpu.memory_space<hbm>>, %arg4: memref<80x128xi32, #tpu.memory_space<vmem>>, %arg5: memref<128xf32, #tpu.memory_space<vmem>>, %arg6: memref<640xf32, #tpu.memory_space<vmem>>, %arg7: memref<!tpu.dma_semaphore, #tpu.memory_space<semaphore_mem>>, %arg8: memref<10240xf32, #tpu.memory_space<vmem_shared>>) attributes {dimension_semantics = [#tpu.dimension_semantics<core_parallel>, #tpu.dimension_semantics<subcore_parallel>], iteration_bounds = array<i64: 2, 16>, scalar_prefetch = 0 : i64, scratch_operands = 5 : i64, tpu.core_type = #tpu.core_type<sc_vector_subcore>, window_params = [{transform_indices = #map}, {transform_indices = #map}]} {
    %mul3A = arith.constant 2 : i32
    %mul3A_0 = arith.muli %arg1, %mul3A : i32
    %add3A = arith.addi %mul3A_0, %arg0 : i32
    %scan3A = arith.constant 0 : i32
    %scan3A_1 = arith.constant 8 : i32
    %scan3A_2 = arith.addi %scan3A, %scan3A_1 : i32
    %scan3A_3 = arith.constant 1 : i32
    scf.for %scan3A_24 = %scan3A to %scan3A_2 step %scan3A_3  : i32 {
      %mul3A_25 = arith.constant 1 : i32
      %mul3A_26 = arith.muli %scan3A_24, %mul3A_25 : i32
      %add3A_27 = arith.constant 0 : i32
      %add3A_28 = arith.addi %add3A_27, %mul3A_26 : i32
      %broadcast_in_dim3A = arith.constant 1.000000e+00 : f32
      %broadcast_in_dim3A_29 = vector.broadcast %broadcast_in_dim3A : f32 to vector<16xf32>
      %mul3A_30 = arith.constant 16 : i32
      %mul3A_31 = arith.muli %add3A_28, %mul3A_30 : i32
      %swap3A = arith.index_cast %mul3A_31 : i32 to index
      %swap3A_32 = tpu.vector_load %arg5[%swap3A] {strides = array<i32>} : memref<128xf32, #tpu.memory_space<vmem>>, vector<16xf32>,
      %swap3A_33 = vector.shape_cast %swap3A_32 : vector<16xf32> to vector<16xf32>
      %swap3A_34 = vector.shape_cast %broadcast_in_dim3A_29 : vector<16xf32> to vector<16xf32>
      tpu.vector_store %arg5[%swap3A], %swap3A_34 {strides = array<i32>} : memref<128xf32, #tpu.memory_space<vmem>>, vector<16xf32>,
    }
    %scan3A_4 = arith.constant 8 : i32
    %scan3A_5 = arith.constant 0 : i32
    %scan3A_6 = arith.constant 40 : i32
    %scan3A_7 = arith.addi %scan3A_5, %scan3A_6 : i32
    %scan3A_8 = arith.constant 1 : i32
    scf.for %scan3A_24 = %scan3A_5 to %scan3A_7 step %scan3A_8  : i32 {
      %mul3A_25 = arith.constant 1 : i32
      %mul3A_26 = arith.muli %scan3A_24, %mul3A_25 : i32
      %add3A_27 = arith.constant 0 : i32
      %add3A_28 = arith.addi %add3A_27, %mul3A_26 : i32
      %broadcast_in_dim3A = arith.constant 0.000000e+00 : f32
      %broadcast_in_dim3A_29 = vector.broadcast %broadcast_in_dim3A : f32 to vector<16xf32>
      %mul3A_30 = arith.constant 16 : i32
      %mul3A_31 = arith.muli %add3A_28, %mul3A_30 : i32
      %swap3A = arith.index_cast %mul3A_31 : i32 to index
      %swap3A_32 = tpu.vector_load %arg6[%swap3A] {strides = array<i32>} : memref<640xf32, #tpu.memory_space<vmem>>, vector<16xf32>,
      %swap3A_33 = vector.shape_cast %swap3A_32 : vector<16xf32> to vector<16xf32>
      %swap3A_34 = vector.shape_cast %broadcast_in_dim3A_29 : vector<16xf32> to vector<16xf32>
      tpu.vector_store %arg6[%swap3A], %swap3A_34 {strides = array<i32>} : memref<640xf32, #tpu.memory_space<vmem>>, vector<16xf32>,
    }
    %scan3A_9 = arith.constant 40 : i32
    %mul3A_10 = arith.constant 640 : i32
    %mul3A_11 = arith.muli %arg1, %mul3A_10 : i32
    "tpu.region"() ({
      %run_scoped3A = tpu.sem_alloc : memref<!tpu.dma_semaphore, #tpu.memory_space<semaphore_mem>>
      %dma_start3A = tpu.memref_slice %arg8[%mul3A_11] : memref<10240xf32, #tpu.memory_space<vmem_shared>> -> memref<640xf32, #tpu.memory_space<vmem_shared>>
      %dma_start3A_24 = tpu.memref_slice %arg8[%mul3A_11] : memref<10240xf32, #tpu.memory_space<vmem_shared>> -> memref<640xf32, #tpu.memory_space<vmem_shared>>
      tpu.enqueue_dma source(%arg6 : memref<640xf32, #tpu.memory_space<vmem>>) target(%dma_start3A_24 : memref<640xf32, #tpu.memory_space<vmem_shared>>) target_semaphore(%run_scoped3A : memref<!tpu.dma_semaphore, #tpu.memory_space<semaphore_mem>>)
      %dma_wait3A = tpu.memref_slice %arg8[%mul3A_11] : memref<10240xf32, #tpu.memory_space<vmem_shared>> -> memref<640xf32, #tpu.memory_space<vmem_shared>>
      %dma_wait3A_25 = tpu.memref_slice %arg8[%mul3A_11] : memref<10240xf32, #tpu.memory_space<vmem_shared>> -> memref<640xf32, #tpu.memory_space<vmem_shared>>
      tpu.wait_dma2 semaphore(%run_scoped3A : memref<!tpu.dma_semaphore, #tpu.memory_space<semaphore_mem>>) src(%arg6 : memref<640xf32, #tpu.memory_space<vmem>>) dst(%dma_wait3A_25 : memref<640xf32, #tpu.memory_space<vmem_shared>>)
      tpu.yield
    }) : () -> ()
    %mul3A_12 = arith.constant 80 : i32
    %mul3A_13 = arith.muli %add3A, %mul3A_12 : i32
    "tpu.region"() ({
      %run_scoped3A = tpu.sem_alloc : memref<!tpu.dma_semaphore, #tpu.memory_space<semaphore_mem>>
      %dma_start3A = arith.constant 0 : i32
      %dma_start3A_24 = tpu.memref_slice %arg2[%mul3A_13, %dma_start3A] : memref<2560x128xi32, #tpu.memory_space<hbm>> -> memref<80x128xi32, #tpu.memory_space<hbm>>
      %dma_start3A_25 = arith.constant 0 : i32
      %dma_start3A_26 = tpu.memref_slice %arg2[%mul3A_13, %dma_start3A_25] : memref<2560x128xi32, #tpu.memory_space<hbm>> -> memref<80x128xi32, #tpu.memory_space<hbm>>
      tpu.enqueue_dma source(%dma_start3A_26 : memref<80x128xi32, #tpu.memory_space<hbm>>) target(%arg4 : memref<80x128xi32, #tpu.memory_space<vmem>>) target_semaphore(%run_scoped3A : memref<!tpu.dma_semaphore, #tpu.memory_space<semaphore_mem>>)
      %dma_wait3A = arith.constant 0 : i32
      %dma_wait3A_27 = tpu.memref_slice %arg2[%mul3A_13, %dma_wait3A] : memref<2560x128xi32, #tpu.memory_space<hbm>> -> memref<80x128xi32, #tpu.memory_space<hbm>>
      %dma_wait3A_28 = arith.constant 0 : i32
      %dma_wait3A_29 = tpu.memref_slice %arg2[%mul3A_13, %dma_wait3A_28] : memref<2560x128xi32, #tpu.memory_space<hbm>> -> memref<80x128xi32, #tpu.memory_space<hbm>>
      tpu.wait_dma2 semaphore(%run_scoped3A : memref<!tpu.dma_semaphore, #tpu.memory_space<semaphore_mem>>) src(%dma_wait3A_29 : memref<80x128xi32, #tpu.memory_space<hbm>>) dst(%arg4 : memref<80x128xi32, #tpu.memory_space<vmem>>)
      tpu.yield
    }) : () -> ()
    %barrier3A = arith.constant 0 : index
    tpu.barrier barrier_id(%barrier3A)
    %scan3A_14 = arith.constant 0 : i32
    %scan3A_15 = arith.constant 5 : i32
    %scan3A_16 = arith.addi %scan3A_14, %scan3A_15 : i32
    %scan3A_17 = arith.constant 1 : i32
    scf.for %scan3A_24 = %scan3A_14 to %scan3A_16 step %scan3A_17  : i32 {
      %mul3A_25 = arith.constant 1 : i32
      %mul3A_26 = arith.muli %scan3A_24, %mul3A_25 : i32
      %add3A_27 = arith.constant 0 : i32
      %add3A_28 = arith.addi %add3A_27, %mul3A_26 : i32
      %mul3A_29 = arith.constant 16 : i32
      %mul3A_30 = arith.muli %add3A_28, %mul3A_29 : i32
      %add3A_31 = arith.constant 0 : i32
      %add3A_32 = arith.addi %mul3A_30, %add3A_31 : i32
      %dma_start3A = arith.constant 0 : i32
      %dma_start3A_33 = tpu.memref_slice %arg4[%add3A_32, %dma_start3A] : memref<80x128xi32, #tpu.memory_space<vmem>> -> memref<1x128xi32, #tpu.memory_space<vmem>>
      %dma_start3A_34 = tpu.memref_squeeze %dma_start3A_33 : memref<1x128xi32, #tpu.memory_space<vmem>> -> memref<128xi32, #tpu.memory_space<vmem>>
      %dma_start3A_35 = arith.constant 0 : i32
      %dma_start3A_36 = tpu.memref_slice %arg8[%dma_start3A_35] : memref<10240xf32, #tpu.memory_space<vmem_shared>> -> memref<10240xf32, #tpu.memory_space<vmem_shared>>
      tpu.enqueue_indirect_dma source(%arg5 : memref<128xf32, #tpu.memory_space<vmem>>) target(%dma_start3A_36 : memref<10240xf32, #tpu.memory_space<vmem_shared>>) offsets(%dma_start3A_34 : memref<128xi32, #tpu.memory_space<vmem>>) semaphore(%arg7 : memref<!tpu.dma_semaphore, #tpu.memory_space<semaphore_mem>>) {add = true}
      %mul3A_37 = arith.constant 16 : i32
      %mul3A_38 = arith.muli %add3A_28, %mul3A_37 : i32
      %add3A_39 = arith.constant 1 : i32
      %add3A_40 = arith.addi %mul3A_38, %add3A_39 : i32
      %dma_start3A_41 = arith.constant 0 : i32
      %dma_start3A_42 = tpu.memref_slice %arg4[%add3A_40, %dma_start3A_41] : memref<80x128xi32, #tpu.memory_space<vmem>> -> memref<1x128xi32, #tpu.memory_space<vmem>>
      %dma_start3A_43 = tpu.memref_squeeze %dma_start3A_42 : memref<1x128xi32, #tpu.memory_space<vmem>> -> memref<128xi32, #tpu.memory_space<vmem>>
      %dma_start3A_44 = arith.constant 0 : i32
      %dma_start3A_45 = tpu.memref_slice %arg8[%dma_start3A_44] : memref<10240xf32, #tpu.memory_space<vmem_shared>> -> memref<10240xf32, #tpu.memory_space<vmem_shared>>
      tpu.enqueue_indirect_dma source(%arg5 : memref<128xf32, #tpu.memory_space<vmem>>) target(%dma_start3A_45 : memref<10240xf32, #tpu.memory_space<vmem_shared>>) offsets(%dma_start3A_43 : memref<128xi32, #tpu.memory_space<vmem>>) semaphore(%arg7 : memref<!tpu.dma_semaphore, #tpu.memory_space<semaphore_mem>>) {add = true}
      %mul3A_46 = arith.constant 16 : i32
      %mul3A_47 = arith.muli %add3A_28, %mul3A_46 : i32
      %add3A_48 = arith.constant 2 : i32
      %add3A_49 = arith.addi %mul3A_47, %add3A_48 : i32
      %dma_start3A_50 = arith.constant 0 : i32
      %dma_start3A_51 = tpu.memref_slice %arg4[%add3A_49, %dma_start3A_50] : memref<80x128xi32, #tpu.memory_space<vmem>> -> memref<1x128xi32, #tpu.memory_space<vmem>>
      %dma_start3A_52 = tpu.memref_squeeze %dma_start3A_51 : memref<1x128xi32, #tpu.memory_space<vmem>> -> memref<128xi32, #tpu.memory_space<vmem>>
      %dma_start3A_53 = arith.constant 0 : i32
      %dma_start3A_54 = tpu.memref_slice %arg8[%dma_start3A_53] : memref<10240xf32, #tpu.memory_space<vmem_shared>> -> memref<10240xf32, #tpu.memory_space<vmem_shared>>
      tpu.enqueue_indirect_dma source(%arg5 : memref<128xf32, #tpu.memory_space<vmem>>) target(%dma_start3A_54 : memref<10240xf32, #tpu.memory_space<vmem_shared>>) offsets(%dma_start3A_52 : memref<128xi32, #tpu.memory_space<vmem>>) semaphore(%arg7 : memref<!tpu.dma_semaphore, #tpu.memory_space<semaphore_mem>>) {add = true}
      %mul3A_55 = arith.constant 16 : i32
      %mul3A_56 = arith.muli %add3A_28, %mul3A_55 : i32
      %add3A_57 = arith.constant 3 : i32
      %add3A_58 = arith.addi %mul3A_56, %add3A_57 : i32
      %dma_start3A_59 = arith.constant 0 : i32
      %dma_start3A_60 = tpu.memref_slice %arg4[%add3A_58, %dma_start3A_59] : memref<80x128xi32, #tpu.memory_space<vmem>> -> memref<1x128xi32, #tpu.memory_space<vmem>>
      %dma_start3A_61 = tpu.memref_squeeze %dma_start3A_60 : memref<1x128xi32, #tpu.memory_space<vmem>> -> memref<128xi32, #tpu.memory_space<vmem>>
      %dma_start3A_62 = arith.constant 0 : i32
      %dma_start3A_63 = tpu.memref_slice %arg8[%dma_start3A_62] : memref<10240xf32, #tpu.memory_space<vmem_shared>> -> memref<10240xf32, #tpu.memory_space<vmem_shared>>
      tpu.enqueue_indirect_dma source(%arg5 : memref<128xf32, #tpu.memory_space<vmem>>) target(%dma_start3A_63 : memref<10240xf32, #tpu.memory_space<vmem_shared>>) offsets(%dma_start3A_61 : memref<128xi32, #tpu.memory_space<vmem>>) semaphore(%arg7 : memref<!tpu.dma_semaphore, #tpu.memory_space<semaphore_mem>>) {add = true}
      %mul3A_64 = arith.constant 16 : i32
      %mul3A_65 = arith.muli %add3A_28, %mul3A_64 : i32
      %add3A_66 = arith.constant 4 : i32
      %add3A_67 = arith.addi %mul3A_65, %add3A_66 : i32
      %dma_start3A_68 = arith.constant 0 : i32
      %dma_start3A_69 = tpu.memref_slice %arg4[%add3A_67, %dma_start3A_68] : memref<80x128xi32, #tpu.memory_space<vmem>> -> memref<1x128xi32, #tpu.memory_space<vmem>>
      %dma_start3A_70 = tpu.memref_squeeze %dma_start3A_69 : memref<1x128xi32, #tpu.memory_space<vmem>> -> memref<128xi32, #tpu.memory_space<vmem>>
      %dma_start3A_71 = arith.constant 0 : i32
      %dma_start3A_72 = tpu.memref_slice %arg8[%dma_start3A_71] : memref<10240xf32, #tpu.memory_space<vmem_shared>> -> memref<10240xf32, #tpu.memory_space<vmem_shared>>
      tpu.enqueue_indirect_dma source(%arg5 : memref<128xf32, #tpu.memory_space<vmem>>) target(%dma_start3A_72 : memref<10240xf32, #tpu.memory_space<vmem_shared>>) offsets(%dma_start3A_70 : memref<128xi32, #tpu.memory_space<vmem>>) semaphore(%arg7 : memref<!tpu.dma_semaphore, #tpu.memory_space<semaphore_mem>>) {add = true}
      %mul3A_73 = arith.constant 16 : i32
      %mul3A_74 = arith.muli %add3A_28, %mul3A_73 : i32
      %add3A_75 = arith.constant 5 : i32
      %add3A_76 = arith.addi %mul3A_74, %add3A_75 : i32
      %dma_start3A_77 = arith.constant 0 : i32
      %dma_start3A_78 = tpu.memref_slice %arg4[%add3A_76, %dma_start3A_77] : memref<80x128xi32, #tpu.memory_space<vmem>> -> memref<1x128xi32, #tpu.memory_space<vmem>>
      %dma_start3A_79 = tpu.memref_squeeze %dma_start3A_78 : memref<1x128xi32, #tpu.memory_space<vmem>> -> memref<128xi32, #tpu.memory_space<vmem>>
      %dma_start3A_80 = arith.constant 0 : i32
      %dma_start3A_81 = tpu.memref_slice %arg8[%dma_start3A_80] : memref<10240xf32, #tpu.memory_space<vmem_shared>> -> memref<10240xf32, #tpu.memory_space<vmem_shared>>
      tpu.enqueue_indirect_dma source(%arg5 : memref<128xf32, #tpu.memory_space<vmem>>) target(%dma_start3A_81 : memref<10240xf32, #tpu.memory_space<vmem_shared>>) offsets(%dma_start3A_79 : memref<128xi32, #tpu.memory_space<vmem>>) semaphore(%arg7 : memref<!tpu.dma_semaphore, #tpu.memory_space<semaphore_mem>>) {add = true}
      %mul3A_82 = arith.constant 16 : i32
      %mul3A_83 = arith.muli %add3A_28, %mul3A_82 : i32
      %add3A_84 = arith.constant 6 : i32
      %add3A_85 = arith.addi %mul3A_83, %add3A_84 : i32
      %dma_start3A_86 = arith.constant 0 : i32
      %dma_start3A_87 = tpu.memref_slice %arg4[%add3A_85, %dma_start3A_86] : memref<80x128xi32, #tpu.memory_space<vmem>> -> memref<1x128xi32, #tpu.memory_space<vmem>>
      %dma_start3A_88 = tpu.memref_squeeze %dma_start3A_87 : memref<1x128xi32, #tpu.memory_space<vmem>> -> memref<128xi32, #tpu.memory_space<vmem>>
      %dma_start3A_89 = arith.constant 0 : i32
      %dma_start3A_90 = tpu.memref_slice %arg8[%dma_start3A_89] : memref<10240xf32, #tpu.memory_space<vmem_shared>> -> memref<10240xf32, #tpu.memory_space<vmem_shared>>
      tpu.enqueue_indirect_dma source(%arg5 : memref<128xf32, #tpu.memory_space<vmem>>) target(%dma_start3A_90 : memref<10240xf32, #tpu.memory_space<vmem_shared>>) offsets(%dma_start3A_88 : memref<128xi32, #tpu.memory_space<vmem>>) semaphore(%arg7 : memref<!tpu.dma_semaphore, #tpu.memory_space<semaphore_mem>>) {add = true}
      %mul3A_91 = arith.constant 16 : i32
      %mul3A_92 = arith.muli %add3A_28, %mul3A_91 : i32
      %add3A_93 = arith.constant 7 : i32
      %add3A_94 = arith.addi %mul3A_92, %add3A_93 : i32
      %dma_start3A_95 = arith.constant 0 : i32
      %dma_start3A_96 = tpu.memref_slice %arg4[%add3A_94, %dma_start3A_95] : memref<80x128xi32, #tpu.memory_space<vmem>> -> memref<1x128xi32, #tpu.memory_space<vmem>>
      %dma_start3A_97 = tpu.memref_squeeze %dma_start3A_96 : memref<1x128xi32, #tpu.memory_space<vmem>> -> memref<128xi32, #tpu.memory_space<vmem>>
      %dma_start3A_98 = arith.constant 0 : i32
      %dma_start3A_99 = tpu.memref_slice %arg8[%dma_start3A_98] : memref<10240xf32, #tpu.memory_space<vmem_shared>> -> memref<10240xf32, #tpu.memory_space<vmem_shared>>
      tpu.enqueue_indirect_dma source(%arg5 : memref<128xf32, #tpu.memory_space<vmem>>) target(%dma_start3A_99 : memref<10240xf32, #tpu.memory_space<vmem_shared>>) offsets(%dma_start3A_97 : memref<128xi32, #tpu.memory_space<vmem>>) semaphore(%arg7 : memref<!tpu.dma_semaphore, #tpu.memory_space<semaphore_mem>>) {add = true}
      %mul3A_100 = arith.constant 16 : i32
      %mul3A_101 = arith.muli %add3A_28, %mul3A_100 : i32
      %add3A_102 = arith.constant 8 : i32
      %add3A_103 = arith.addi %mul3A_101, %add3A_102 : i32
      %dma_start3A_104 = arith.constant 0 : i32
      %dma_start3A_105 = tpu.memref_slice %arg4[%add3A_103, %dma_start3A_104] : memref<80x128xi32, #tpu.memory_space<vmem>> -> memref<1x128xi32, #tpu.memory_space<vmem>>
      %dma_start3A_106 = tpu.memref_squeeze %dma_start3A_105 : memref<1x128xi32, #tpu.memory_space<vmem>> -> memref<128xi32, #tpu.memory_space<vmem>>
      %dma_start3A_107 = arith.constant 0 : i32
      %dma_start3A_108 = tpu.memref_slice %arg8[%dma_start3A_107] : memref<10240xf32, #tpu.memory_space<vmem_shared>> -> memref<10240xf32, #tpu.memory_space<vmem_shared>>
      tpu.enqueue_indirect_dma source(%arg5 : memref<128xf32, #tpu.memory_space<vmem>>) target(%dma_start3A_108 : memref<10240xf32, #tpu.memory_space<vmem_shared>>) offsets(%dma_start3A_106 : memref<128xi32, #tpu.memory_space<vmem>>) semaphore(%arg7 : memref<!tpu.dma_semaphore, #tpu.memory_space<semaphore_mem>>) {add = true}
      %mul3A_109 = arith.constant 16 : i32
      %mul3A_110 = arith.muli %add3A_28, %mul3A_109 : i32
      %add3A_111 = arith.constant 9 : i32
      %add3A_112 = arith.addi %mul3A_110, %add3A_111 : i32
      %dma_start3A_113 = arith.constant 0 : i32
      %dma_start3A_114 = tpu.memref_slice %arg4[%add3A_112, %dma_start3A_113] : memref<80x128xi32, #tpu.memory_space<vmem>> -> memref<1x128xi32, #tpu.memory_space<vmem>>
      %dma_start3A_115 = tpu.memref_squeeze %dma_start3A_114 : memref<1x128xi32, #tpu.memory_space<vmem>> -> memref<128xi32, #tpu.memory_space<vmem>>
      %dma_start3A_116 = arith.constant 0 : i32
      %dma_start3A_117 = tpu.memref_slice %arg8[%dma_start3A_116] : memref<10240xf32, #tpu.memory_space<vmem_shared>> -> memref<10240xf32, #tpu.memory_space<vmem_shared>>
      tpu.enqueue_indirect_dma source(%arg5 : memref<128xf32, #tpu.memory_space<vmem>>) target(%dma_start3A_117 : memref<10240xf32, #tpu.memory_space<vmem_shared>>) offsets(%dma_start3A_115 : memref<128xi32, #tpu.memory_space<vmem>>) semaphore(%arg7 : memref<!tpu.dma_semaphore, #tpu.memory_space<semaphore_mem>>) {add = true}
      %mul3A_118 = arith.constant 16 : i32
      %mul3A_119 = arith.muli %add3A_28, %mul3A_118 : i32
      %add3A_120 = arith.constant 10 : i32
      %add3A_121 = arith.addi %mul3A_119, %add3A_120 : i32
      %dma_start3A_122 = arith.constant 0 : i32
      %dma_start3A_123 = tpu.memref_slice %arg4[%add3A_121, %dma_start3A_122] : memref<80x128xi32, #tpu.memory_space<vmem>> -> memref<1x128xi32, #tpu.memory_space<vmem>>
      %dma_start3A_124 = tpu.memref_squeeze %dma_start3A_123 : memref<1x128xi32, #tpu.memory_space<vmem>> -> memref<128xi32, #tpu.memory_space<vmem>>
      %dma_start3A_125 = arith.constant 0 : i32
      %dma_start3A_126 = tpu.memref_slice %arg8[%dma_start3A_125] : memref<10240xf32, #tpu.memory_space<vmem_shared>> -> memref<10240xf32, #tpu.memory_space<vmem_shared>>
      tpu.enqueue_indirect_dma source(%arg5 : memref<128xf32, #tpu.memory_space<vmem>>) target(%dma_start3A_126 : memref<10240xf32, #tpu.memory_space<vmem_shared>>) offsets(%dma_start3A_124 : memref<128xi32, #tpu.memory_space<vmem>>) semaphore(%arg7 : memref<!tpu.dma_semaphore, #tpu.memory_space<semaphore_mem>>) {add = true}
      %mul3A_127 = arith.constant 16 : i32
      %mul3A_128 = arith.muli %add3A_28, %mul3A_127 : i32
      %add3A_129 = arith.constant 11 : i32
      %add3A_130 = arith.addi %mul3A_128, %add3A_129 : i32
      %dma_start3A_131 = arith.constant 0 : i32
      %dma_start3A_132 = tpu.memref_slice %arg4[%add3A_130, %dma_start3A_131] : memref<80x128xi32, #tpu.memory_space<vmem>> -> memref<1x128xi32, #tpu.memory_space<vmem>>
      %dma_start3A_133 = tpu.memref_squeeze %dma_start3A_132 : memref<1x128xi32, #tpu.memory_space<vmem>> -> memref<128xi32, #tpu.memory_space<vmem>>
      %dma_start3A_134 = arith.constant 0 : i32
      %dma_start3A_135 = tpu.memref_slice %arg8[%dma_start3A_134] : memref<10240xf32, #tpu.memory_space<vmem_shared>> -> memref<10240xf32, #tpu.memory_space<vmem_shared>>
      tpu.enqueue_indirect_dma source(%arg5 : memref<128xf32, #tpu.memory_space<vmem>>) target(%dma_start3A_135 : memref<10240xf32, #tpu.memory_space<vmem_shared>>) offsets(%dma_start3A_133 : memref<128xi32, #tpu.memory_space<vmem>>) semaphore(%arg7 : memref<!tpu.dma_semaphore, #tpu.memory_space<semaphore_mem>>) {add = true}
      %mul3A_136 = arith.constant 16 : i32
      %mul3A_137 = arith.muli %add3A_28, %mul3A_136 : i32
      %add3A_138 = arith.constant 12 : i32
      %add3A_139 = arith.addi %mul3A_137, %add3A_138 : i32
      %dma_start3A_140 = arith.constant 0 : i32
      %dma_start3A_141 = tpu.memref_slice %arg4[%add3A_139, %dma_start3A_140] : memref<80x128xi32, #tpu.memory_space<vmem>> -> memref<1x128xi32, #tpu.memory_space<vmem>>
      %dma_start3A_142 = tpu.memref_squeeze %dma_start3A_141 : memref<1x128xi32, #tpu.memory_space<vmem>> -> memref<128xi32, #tpu.memory_space<vmem>>
      %dma_start3A_143 = arith.constant 0 : i32
      %dma_start3A_144 = tpu.memref_slice %arg8[%dma_start3A_143] : memref<10240xf32, #tpu.memory_space<vmem_shared>> -> memref<10240xf32, #tpu.memory_space<vmem_shared>>
      tpu.enqueue_indirect_dma source(%arg5 : memref<128xf32, #tpu.memory_space<vmem>>) target(%dma_start3A_144 : memref<10240xf32, #tpu.memory_space<vmem_shared>>) offsets(%dma_start3A_142 : memref<128xi32, #tpu.memory_space<vmem>>) semaphore(%arg7 : memref<!tpu.dma_semaphore, #tpu.memory_space<semaphore_mem>>) {add = true}
      %mul3A_145 = arith.constant 16 : i32
      %mul3A_146 = arith.muli %add3A_28, %mul3A_145 : i32
      %add3A_147 = arith.constant 13 : i32
      %add3A_148 = arith.addi %mul3A_146, %add3A_147 : i32
      %dma_start3A_149 = arith.constant 0 : i32
      %dma_start3A_150 = tpu.memref_slice %arg4[%add3A_148, %dma_start3A_149] : memref<80x128xi32, #tpu.memory_space<vmem>> -> memref<1x128xi32, #tpu.memory_space<vmem>>
      %dma_start3A_151 = tpu.memref_squeeze %dma_start3A_150 : memref<1x128xi32, #tpu.memory_space<vmem>> -> memref<128xi32, #tpu.memory_space<vmem>>
      %dma_start3A_152 = arith.constant 0 : i32
      %dma_start3A_153 = tpu.memref_slice %arg8[%dma_start3A_152] : memref<10240xf32, #tpu.memory_space<vmem_shared>> -> memref<10240xf32, #tpu.memory_space<vmem_shared>>
      tpu.enqueue_indirect_dma source(%arg5 : memref<128xf32, #tpu.memory_space<vmem>>) target(%dma_start3A_153 : memref<10240xf32, #tpu.memory_space<vmem_shared>>) offsets(%dma_start3A_151 : memref<128xi32, #tpu.memory_space<vmem>>) semaphore(%arg7 : memref<!tpu.dma_semaphore, #tpu.memory_space<semaphore_mem>>) {add = true}
      %mul3A_154 = arith.constant 16 : i32
      %mul3A_155 = arith.muli %add3A_28, %mul3A_154 : i32
      %add3A_156 = arith.constant 14 : i32
      %add3A_157 = arith.addi %mul3A_155, %add3A_156 : i32
      %dma_start3A_158 = arith.constant 0 : i32
      %dma_start3A_159 = tpu.memref_slice %arg4[%add3A_157, %dma_start3A_158] : memref<80x128xi32, #tpu.memory_space<vmem>> -> memref<1x128xi32, #tpu.memory_space<vmem>>
      %dma_start3A_160 = tpu.memref_squeeze %dma_start3A_159 : memref<1x128xi32, #tpu.memory_space<vmem>> -> memref<128xi32, #tpu.memory_space<vmem>>
      %dma_start3A_161 = arith.constant 0 : i32
      %dma_start3A_162 = tpu.memref_slice %arg8[%dma_start3A_161] : memref<10240xf32, #tpu.memory_space<vmem_shared>> -> memref<10240xf32, #tpu.memory_space<vmem_shared>>
      tpu.enqueue_indirect_dma source(%arg5 : memref<128xf32, #tpu.memory_space<vmem>>) target(%dma_start3A_162 : memref<10240xf32, #tpu.memory_space<vmem_shared>>) offsets(%dma_start3A_160 : memref<128xi32, #tpu.memory_space<vmem>>) semaphore(%arg7 : memref<!tpu.dma_semaphore, #tpu.memory_space<semaphore_mem>>) {add = true}
      %mul3A_163 = arith.constant 16 : i32
      %mul3A_164 = arith.muli %add3A_28, %mul3A_163 : i32
      %add3A_165 = arith.constant 15 : i32
      %add3A_166 = arith.addi %mul3A_164, %add3A_165 : i32
      %dma_start3A_167 = arith.constant 0 : i32
      %dma_start3A_168 = tpu.memref_slice %arg4[%add3A_166, %dma_start3A_167] : memref<80x128xi32, #tpu.memory_space<vmem>> -> memref<1x128xi32, #tpu.memory_space<vmem>>
      %dma_start3A_169 = tpu.memref_squeeze %dma_start3A_168 : memref<1x128xi32, #tpu.memory_space<vmem>> -> memref<128xi32, #tpu.memory_space<vmem>>
      %dma_start3A_170 = arith.constant 0 : i32
      %dma_start3A_171 = tpu.memref_slice %arg8[%dma_start3A_170] : memref<10240xf32, #tpu.memory_space<vmem_shared>> -> memref<10240xf32, #tpu.memory_space<vmem_shared>>
      tpu.enqueue_indirect_dma source(%arg5 : memref<128xf32, #tpu.memory_space<vmem>>) target(%dma_start3A_171 : memref<10240xf32, #tpu.memory_space<vmem_shared>>) offsets(%dma_start3A_169 : memref<128xi32, #tpu.memory_space<vmem>>) semaphore(%arg7 : memref<!tpu.dma_semaphore, #tpu.memory_space<semaphore_mem>>) {add = true}
      %mul3A_172 = arith.constant 16 : i32
      %mul3A_173 = arith.muli %add3A_28, %mul3A_172 : i32
      %add3A_174 = arith.constant 0 : i32
      %add3A_175 = arith.addi %mul3A_173, %add3A_174 : i32
      %dma_wait3A = arith.constant 0 : i32
      %dma_wait3A_176 = tpu.memref_slice %arg4[%add3A_175, %dma_wait3A] : memref<80x128xi32, #tpu.memory_space<vmem>> -> memref<1x128xi32, #tpu.memory_space<vmem>>
      %dma_wait3A_177 = tpu.memref_squeeze %dma_wait3A_176 : memref<1x128xi32, #tpu.memory_space<vmem>> -> memref<128xi32, #tpu.memory_space<vmem>>
      %dma_wait3A_178 = arith.constant 0 : i32
      %dma_wait3A_179 = tpu.memref_slice %arg8[%dma_wait3A_178] : memref<10240xf32, #tpu.memory_space<vmem_shared>> -> memref<10240xf32, #tpu.memory_space<vmem_shared>>
      tpu.wait_indirect_dma semaphore(%arg7 : memref<!tpu.dma_semaphore, #tpu.memory_space<semaphore_mem>>) src(%arg5 : memref<128xf32, #tpu.memory_space<vmem>>) dst(%dma_wait3A_179 : memref<10240xf32, #tpu.memory_space<vmem_shared>>)
      %mul3A_180 = arith.constant 16 : i32
      %mul3A_181 = arith.muli %add3A_28, %mul3A_180 : i32
      %add3A_182 = arith.constant 1 : i32
      %add3A_183 = arith.addi %mul3A_181, %add3A_182 : i32
      %dma_wait3A_184 = arith.constant 0 : i32
      %dma_wait3A_185 = tpu.memref_slice %arg4[%add3A_183, %dma_wait3A_184] : memref<80x128xi32, #tpu.memory_space<vmem>> -> memref<1x128xi32, #tpu.memory_space<vmem>>
      %dma_wait3A_186 = tpu.memref_squeeze %dma_wait3A_185 : memref<1x128xi32, #tpu.memory_space<vmem>> -> memref<128xi32, #tpu.memory_space<vmem>>
      %dma_wait3A_187 = arith.constant 0 : i32
      %dma_wait3A_188 = tpu.memref_slice %arg8[%dma_wait3A_187] : memref<10240xf32, #tpu.memory_space<vmem_shared>> -> memref<10240xf32, #tpu.memory_space<vmem_shared>>
      tpu.wait_indirect_dma semaphore(%arg7 : memref<!tpu.dma_semaphore, #tpu.memory_space<semaphore_mem>>) src(%arg5 : memref<128xf32, #tpu.memory_space<vmem>>) dst(%dma_wait3A_188 : memref<10240xf32, #tpu.memory_space<vmem_shared>>)
      %mul3A_189 = arith.constant 16 : i32
      %mul3A_190 = arith.muli %add3A_28, %mul3A_189 : i32
      %add3A_191 = arith.constant 2 : i32
      %add3A_192 = arith.addi %mul3A_190, %add3A_191 : i32
      %dma_wait3A_193 = arith.constant 0 : i32
      %dma_wait3A_194 = tpu.memref_slice %arg4[%add3A_192, %dma_wait3A_193] : memref<80x128xi32, #tpu.memory_space<vmem>> -> memref<1x128xi32, #tpu.memory_space<vmem>>
      %dma_wait3A_195 = tpu.memref_squeeze %dma_wait3A_194 : memref<1x128xi32, #tpu.memory_space<vmem>> -> memref<128xi32, #tpu.memory_space<vmem>>
      %dma_wait3A_196 = arith.constant 0 : i32
      %dma_wait3A_197 = tpu.memref_slice %arg8[%dma_wait3A_196] : memref<10240xf32, #tpu.memory_space<vmem_shared>> -> memref<10240xf32, #tpu.memory_space<vmem_shared>>
      tpu.wait_indirect_dma semaphore(%arg7 : memref<!tpu.dma_semaphore, #tpu.memory_space<semaphore_mem>>) src(%arg5 : memref<128xf32, #tpu.memory_space<vmem>>) dst(%dma_wait3A_197 : memref<10240xf32, #tpu.memory_space<vmem_shared>>)
      %mul3A_198 = arith.constant 16 : i32
      %mul3A_199 = arith.muli %add3A_28, %mul3A_198 : i32
      %add3A_200 = arith.constant 3 : i32
      %add3A_201 = arith.addi %mul3A_199, %add3A_200 : i32
      %dma_wait3A_202 = arith.constant 0 : i32
      %dma_wait3A_203 = tpu.memref_slice %arg4[%add3A_201, %dma_wait3A_202] : memref<80x128xi32, #tpu.memory_space<vmem>> -> memref<1x128xi32, #tpu.memory_space<vmem>>
      %dma_wait3A_204 = tpu.memref_squeeze %dma_wait3A_203 : memref<1x128xi32, #tpu.memory_space<vmem>> -> memref<128xi32, #tpu.memory_space<vmem>>
      %dma_wait3A_205 = arith.constant 0 : i32
      %dma_wait3A_206 = tpu.memref_slice %arg8[%dma_wait3A_205] : memref<10240xf32, #tpu.memory_space<vmem_shared>> -> memref<10240xf32, #tpu.memory_space<vmem_shared>>
      tpu.wait_indirect_dma semaphore(%arg7 : memref<!tpu.dma_semaphore, #tpu.memory_space<semaphore_mem>>) src(%arg5 : memref<128xf32, #tpu.memory_space<vmem>>) dst(%dma_wait3A_206 : memref<10240xf32, #tpu.memory_space<vmem_shared>>)
      %mul3A_207 = arith.constant 16 : i32
      %mul3A_208 = arith.muli %add3A_28, %mul3A_207 : i32
      %add3A_209 = arith.constant 4 : i32
      %add3A_210 = arith.addi %mul3A_208, %add3A_209 : i32
      %dma_wait3A_211 = arith.constant 0 : i32
      %dma_wait3A_212 = tpu.memref_slice %arg4[%add3A_210, %dma_wait3A_211] : memref<80x128xi32, #tpu.memory_space<vmem>> -> memref<1x128xi32, #tpu.memory_space<vmem>>
      %dma_wait3A_213 = tpu.memref_squeeze %dma_wait3A_212 : memref<1x128xi32, #tpu.memory_space<vmem>> -> memref<128xi32, #tpu.memory_space<vmem>>
      %dma_wait3A_214 = arith.constant 0 : i32
      %dma_wait3A_215 = tpu.memref_slice %arg8[%dma_wait3A_214] : memref<10240xf32, #tpu.memory_space<vmem_shared>> -> memref<10240xf32, #tpu.memory_space<vmem_shared>>
      tpu.wait_indirect_dma semaphore(%arg7 : memref<!tpu.dma_semaphore, #tpu.memory_space<semaphore_mem>>) src(%arg5 : memref<128xf32, #tpu.memory_space<vmem>>) dst(%dma_wait3A_215 : memref<10240xf32, #tpu.memory_space<vmem_shared>>)
      %mul3A_216 = arith.constant 16 : i32
      %mul3A_217 = arith.muli %add3A_28, %mul3A_216 : i32
      %add3A_218 = arith.constant 5 : i32
      %add3A_219 = arith.addi %mul3A_217, %add3A_218 : i32
      %dma_wait3A_220 = arith.constant 0 : i32
      %dma_wait3A_221 = tpu.memref_slice %arg4[%add3A_219, %dma_wait3A_220] : memref<80x128xi32, #tpu.memory_space<vmem>> -> memref<1x128xi32, #tpu.memory_space<vmem>>
      %dma_wait3A_222 = tpu.memref_squeeze %dma_wait3A_221 : memref<1x128xi32, #tpu.memory_space<vmem>> -> memref<128xi32, #tpu.memory_space<vmem>>
      %dma_wait3A_223 = arith.constant 0 : i32
      %dma_wait3A_224 = tpu.memref_slice %arg8[%dma_wait3A_223] : memref<10240xf32, #tpu.memory_space<vmem_shared>> -> memref<10240xf32, #tpu.memory_space<vmem_shared>>
      tpu.wait_indirect_dma semaphore(%arg7 : memref<!tpu.dma_semaphore, #tpu.memory_space<semaphore_mem>>) src(%arg5 : memref<128xf32, #tpu.memory_space<vmem>>) dst(%dma_wait3A_224 : memref<10240xf32, #tpu.memory_space<vmem_shared>>)
      %mul3A_225 = arith.constant 16 : i32
      %mul3A_226 = arith.muli %add3A_28, %mul3A_225 : i32
      %add3A_227 = arith.constant 6 : i32
      %add3A_228 = arith.addi %mul3A_226, %add3A_227 : i32
      %dma_wait3A_229 = arith.constant 0 : i32
      %dma_wait3A_230 = tpu.memref_slice %arg4[%add3A_228, %dma_wait3A_229] : memref<80x128xi32, #tpu.memory_space<vmem>> -> memref<1x128xi32, #tpu.memory_space<vmem>>
      %dma_wait3A_231 = tpu.memref_squeeze %dma_wait3A_230 : memref<1x128xi32, #tpu.memory_space<vmem>> -> memref<128xi32, #tpu.memory_space<vmem>>
      %dma_wait3A_232 = arith.constant 0 : i32
      %dma_wait3A_233 = tpu.memref_slice %arg8[%dma_wait3A_232] : memref<10240xf32, #tpu.memory_space<vmem_shared>> -> memref<10240xf32, #tpu.memory_space<vmem_shared>>
      tpu.wait_indirect_dma semaphore(%arg7 : memref<!tpu.dma_semaphore, #tpu.memory_space<semaphore_mem>>) src(%arg5 : memref<128xf32, #tpu.memory_space<vmem>>) dst(%dma_wait3A_233 : memref<10240xf32, #tpu.memory_space<vmem_shared>>)
      %mul3A_234 = arith.constant 16 : i32
      %mul3A_235 = arith.muli %add3A_28, %mul3A_234 : i32
      %add3A_236 = arith.constant 7 : i32
      %add3A_237 = arith.addi %mul3A_235, %add3A_236 : i32
      %dma_wait3A_238 = arith.constant 0 : i32
      %dma_wait3A_239 = tpu.memref_slice %arg4[%add3A_237, %dma_wait3A_238] : memref<80x128xi32, #tpu.memory_space<vmem>> -> memref<1x128xi32, #tpu.memory_space<vmem>>
      %dma_wait3A_240 = tpu.memref_squeeze %dma_wait3A_239 : memref<1x128xi32, #tpu.memory_space<vmem>> -> memref<128xi32, #tpu.memory_space<vmem>>
      %dma_wait3A_241 = arith.constant 0 : i32
      %dma_wait3A_242 = tpu.memref_slice %arg8[%dma_wait3A_241] : memref<10240xf32, #tpu.memory_space<vmem_shared>> -> memref<10240xf32, #tpu.memory_space<vmem_shared>>
      tpu.wait_indirect_dma semaphore(%arg7 : memref<!tpu.dma_semaphore, #tpu.memory_space<semaphore_mem>>) src(%arg5 : memref<128xf32, #tpu.memory_space<vmem>>) dst(%dma_wait3A_242 : memref<10240xf32, #tpu.memory_space<vmem_shared>>)
      %mul3A_243 = arith.constant 16 : i32
      %mul3A_244 = arith.muli %add3A_28, %mul3A_243 : i32
      %add3A_245 = arith.constant 8 : i32
      %add3A_246 = arith.addi %mul3A_244, %add3A_245 : i32
      %dma_wait3A_247 = arith.constant 0 : i32
      %dma_wait3A_248 = tpu.memref_slice %arg4[%add3A_246, %dma_wait3A_247] : memref<80x128xi32, #tpu.memory_space<vmem>> -> memref<1x128xi32, #tpu.memory_space<vmem>>
      %dma_wait3A_249 = tpu.memref_squeeze %dma_wait3A_248 : memref<1x128xi32, #tpu.memory_space<vmem>> -> memref<128xi32, #tpu.memory_space<vmem>>
      %dma_wait3A_250 = arith.constant 0 : i32
      %dma_wait3A_251 = tpu.memref_slice %arg8[%dma_wait3A_250] : memref<10240xf32, #tpu.memory_space<vmem_shared>> -> memref<10240xf32, #tpu.memory_space<vmem_shared>>
      tpu.wait_indirect_dma semaphore(%arg7 : memref<!tpu.dma_semaphore, #tpu.memory_space<semaphore_mem>>) src(%arg5 : memref<128xf32, #tpu.memory_space<vmem>>) dst(%dma_wait3A_251 : memref<10240xf32, #tpu.memory_space<vmem_shared>>)
      %mul3A_252 = arith.constant 16 : i32
      %mul3A_253 = arith.muli %add3A_28, %mul3A_252 : i32
      %add3A_254 = arith.constant 9 : i32
      %add3A_255 = arith.addi %mul3A_253, %add3A_254 : i32
      %dma_wait3A_256 = arith.constant 0 : i32
      %dma_wait3A_257 = tpu.memref_slice %arg4[%add3A_255, %dma_wait3A_256] : memref<80x128xi32, #tpu.memory_space<vmem>> -> memref<1x128xi32, #tpu.memory_space<vmem>>
      %dma_wait3A_258 = tpu.memref_squeeze %dma_wait3A_257 : memref<1x128xi32, #tpu.memory_space<vmem>> -> memref<128xi32, #tpu.memory_space<vmem>>
      %dma_wait3A_259 = arith.constant 0 : i32
      %dma_wait3A_260 = tpu.memref_slice %arg8[%dma_wait3A_259] : memref<10240xf32, #tpu.memory_space<vmem_shared>> -> memref<10240xf32, #tpu.memory_space<vmem_shared>>
      tpu.wait_indirect_dma semaphore(%arg7 : memref<!tpu.dma_semaphore, #tpu.memory_space<semaphore_mem>>) src(%arg5 : memref<128xf32, #tpu.memory_space<vmem>>) dst(%dma_wait3A_260 : memref<10240xf32, #tpu.memory_space<vmem_shared>>)
      %mul3A_261 = arith.constant 16 : i32
      %mul3A_262 = arith.muli %add3A_28, %mul3A_261 : i32
      %add3A_263 = arith.constant 10 : i32
      %add3A_264 = arith.addi %mul3A_262, %add3A_263 : i32
      %dma_wait3A_265 = arith.constant 0 : i32
      %dma_wait3A_266 = tpu.memref_slice %arg4[%add3A_264, %dma_wait3A_265] : memref<80x128xi32, #tpu.memory_space<vmem>> -> memref<1x128xi32, #tpu.memory_space<vmem>>
      %dma_wait3A_267 = tpu.memref_squeeze %dma_wait3A_266 : memref<1x128xi32, #tpu.memory_space<vmem>> -> memref<128xi32, #tpu.memory_space<vmem>>
      %dma_wait3A_268 = arith.constant 0 : i32
      %dma_wait3A_269 = tpu.memref_slice %arg8[%dma_wait3A_268] : memref<10240xf32, #tpu.memory_space<vmem_shared>> -> memref<10240xf32, #tpu.memory_space<vmem_shared>>
      tpu.wait_indirect_dma semaphore(%arg7 : memref<!tpu.dma_semaphore, #tpu.memory_space<semaphore_mem>>) src(%arg5 : memref<128xf32, #tpu.memory_space<vmem>>) dst(%dma_wait3A_269 : memref<10240xf32, #tpu.memory_space<vmem_shared>>)
      %mul3A_270 = arith.constant 16 : i32
      %mul3A_271 = arith.muli %add3A_28, %mul3A_270 : i32
      %add3A_272 = arith.constant 11 : i32
      %add3A_273 = arith.addi %mul3A_271, %add3A_272 : i32
      %dma_wait3A_274 = arith.constant 0 : i32
      %dma_wait3A_275 = tpu.memref_slice %arg4[%add3A_273, %dma_wait3A_274] : memref<80x128xi32, #tpu.memory_space<vmem>> -> memref<1x128xi32, #tpu.memory_space<vmem>>
      %dma_wait3A_276 = tpu.memref_squeeze %dma_wait3A_275 : memref<1x128xi32, #tpu.memory_space<vmem>> -> memref<128xi32, #tpu.memory_space<vmem>>
      %dma_wait3A_277 = arith.constant 0 : i32
      %dma_wait3A_278 = tpu.memref_slice %arg8[%dma_wait3A_277] : memref<10240xf32, #tpu.memory_space<vmem_shared>> -> memref<10240xf32, #tpu.memory_space<vmem_shared>>
      tpu.wait_indirect_dma semaphore(%arg7 : memref<!tpu.dma_semaphore, #tpu.memory_space<semaphore_mem>>) src(%arg5 : memref<128xf32, #tpu.memory_space<vmem>>) dst(%dma_wait3A_278 : memref<10240xf32, #tpu.memory_space<vmem_shared>>)
      %mul3A_279 = arith.constant 16 : i32
      %mul3A_280 = arith.muli %add3A_28, %mul3A_279 : i32
      %add3A_281 = arith.constant 12 : i32
      %add3A_282 = arith.addi %mul3A_280, %add3A_281 : i32
      %dma_wait3A_283 = arith.constant 0 : i32
      %dma_wait3A_284 = tpu.memref_slice %arg4[%add3A_282, %dma_wait3A_283] : memref<80x128xi32, #tpu.memory_space<vmem>> -> memref<1x128xi32, #tpu.memory_space<vmem>>
      %dma_wait3A_285 = tpu.memref_squeeze %dma_wait3A_284 : memref<1x128xi32, #tpu.memory_space<vmem>> -> memref<128xi32, #tpu.memory_space<vmem>>
      %dma_wait3A_286 = arith.constant 0 : i32
      %dma_wait3A_287 = tpu.memref_slice %arg8[%dma_wait3A_286] : memref<10240xf32, #tpu.memory_space<vmem_shared>> -> memref<10240xf32, #tpu.memory_space<vmem_shared>>
      tpu.wait_indirect_dma semaphore(%arg7 : memref<!tpu.dma_semaphore, #tpu.memory_space<semaphore_mem>>) src(%arg5 : memref<128xf32, #tpu.memory_space<vmem>>) dst(%dma_wait3A_287 : memref<10240xf32, #tpu.memory_space<vmem_shared>>)
      %mul3A_288 = arith.constant 16 : i32
      %mul3A_289 = arith.muli %add3A_28, %mul3A_288 : i32
      %add3A_290 = arith.constant 13 : i32
      %add3A_291 = arith.addi %mul3A_289, %add3A_290 : i32
      %dma_wait3A_292 = arith.constant 0 : i32
      %dma_wait3A_293 = tpu.memref_slice %arg4[%add3A_291, %dma_wait3A_292] : memref<80x128xi32, #tpu.memory_space<vmem>> -> memref<1x128xi32, #tpu.memory_space<vmem>>
      %dma_wait3A_294 = tpu.memref_squeeze %dma_wait3A_293 : memref<1x128xi32, #tpu.memory_space<vmem>> -> memref<128xi32, #tpu.memory_space<vmem>>
      %dma_wait3A_295 = arith.constant 0 : i32
      %dma_wait3A_296 = tpu.memref_slice %arg8[%dma_wait3A_295] : memref<10240xf32, #tpu.memory_space<vmem_shared>> -> memref<10240xf32, #tpu.memory_space<vmem_shared>>
      tpu.wait_indirect_dma semaphore(%arg7 : memref<!tpu.dma_semaphore, #tpu.memory_space<semaphore_mem>>) src(%arg5 : memref<128xf32, #tpu.memory_space<vmem>>) dst(%dma_wait3A_296 : memref<10240xf32, #tpu.memory_space<vmem_shared>>)
      %mul3A_297 = arith.constant 16 : i32
      %mul3A_298 = arith.muli %add3A_28, %mul3A_297 : i32
      %add3A_299 = arith.constant 14 : i32
      %add3A_300 = arith.addi %mul3A_298, %add3A_299 : i32
      %dma_wait3A_301 = arith.constant 0 : i32
      %dma_wait3A_302 = tpu.memref_slice %arg4[%add3A_300, %dma_wait3A_301] : memref<80x128xi32, #tpu.memory_space<vmem>> -> memref<1x128xi32, #tpu.memory_space<vmem>>
      %dma_wait3A_303 = tpu.memref_squeeze %dma_wait3A_302 : memref<1x128xi32, #tpu.memory_space<vmem>> -> memref<128xi32, #tpu.memory_space<vmem>>
      %dma_wait3A_304 = arith.constant 0 : i32
      %dma_wait3A_305 = tpu.memref_slice %arg8[%dma_wait3A_304] : memref<10240xf32, #tpu.memory_space<vmem_shared>> -> memref<10240xf32, #tpu.memory_space<vmem_shared>>
      tpu.wait_indirect_dma semaphore(%arg7 : memref<!tpu.dma_semaphore, #tpu.memory_space<semaphore_mem>>) src(%arg5 : memref<128xf32, #tpu.memory_space<vmem>>) dst(%dma_wait3A_305 : memref<10240xf32, #tpu.memory_space<vmem_shared>>)
      %mul3A_306 = arith.constant 16 : i32
      %mul3A_307 = arith.muli %add3A_28, %mul3A_306 : i32
      %add3A_308 = arith.constant 15 : i32
      %add3A_309 = arith.addi %mul3A_307, %add3A_308 : i32
      %dma_wait3A_310 = arith.constant 0 : i32
      %dma_wait3A_311 = tpu.memref_slice %arg4[%add3A_309, %dma_wait3A_310] : memref<80x128xi32, #tpu.memory_space<vmem>> -> memref<1x128xi32, #tpu.memory_space<vmem>>
      %dma_wait3A_312 = tpu.memref_squeeze %dma_wait3A_311 : memref<1x128xi32, #tpu.memory_space<vmem>> -> memref<128xi32, #tpu.memory_space<vmem>>
      %dma_wait3A_313 = arith.constant 0 : i32
      %dma_wait3A_314 = tpu.memref_slice %arg8[%dma_wait3A_313] : memref<10240xf32, #tpu.memory_space<vmem_shared>> -> memref<10240xf32, #tpu.memory_space<vmem_shared>>
      tpu.wait_indirect_dma semaphore(%arg7 : memref<!tpu.dma_semaphore, #tpu.memory_space<semaphore_mem>>) src(%arg5 : memref<128xf32, #tpu.memory_space<vmem>>) dst(%dma_wait3A_314 : memref<10240xf32, #tpu.memory_space<vmem_shared>>)
    }
    %scan3A_18 = arith.constant 5 : i32
    %barrier3A_19 = arith.constant 0 : index
    tpu.barrier barrier_id(%barrier3A_19)
    %mul3A_20 = arith.constant 640 : i32
    %mul3A_21 = arith.muli %arg1, %mul3A_20 : i32
    %mul3A_22 = arith.constant 640 : i32
    %mul3A_23 = arith.muli %arg1, %mul3A_22 : i32
    "tpu.region"() ({
      %run_scoped3A = tpu.sem_alloc : memref<!tpu.dma_semaphore, #tpu.memory_space<semaphore_mem>>
      %dma_start3A = tpu.memref_slice %arg3[%arg0, %mul3A_23] : memref<2x10240xf32, #tpu.memory_space<hbm>> -> memref<1x640xf32, #tpu.memory_space<hbm>>
      %dma_start3A_24 = tpu.memref_squeeze %dma_start3A : memref<1x640xf32, #tpu.memory_space<hbm>> -> memref<640xf32, #tpu.memory_space<hbm>>
      %dma_start3A_25 = tpu.memref_slice %arg8[%mul3A_21] : memref<10240xf32, #tpu.memory_space<vmem_shared>> -> memref<640xf32, #tpu.memory_space<vmem_shared>>
      tpu.enqueue_dma source(%dma_start3A_25 : memref<640xf32, #tpu.memory_space<vmem_shared>>) target(%dma_start3A_24 : memref<640xf32, #tpu.memory_space<hbm>>) target_semaphore(%run_scoped3A : memref<!tpu.dma_semaphore, #tpu.memory_space<semaphore_mem>>)
      %dma_wait3A = tpu.memref_slice %arg3[%arg0, %mul3A_23] : memref<2x10240xf32, #tpu.memory_space<hbm>> -> memref<1x640xf32, #tpu.memory_space<hbm>>
      %dma_wait3A_26 = tpu.memref_squeeze %dma_wait3A : memref<1x640xf32, #tpu.memory_space<hbm>> -> memref<640xf32, #tpu.memory_space<hbm>>
      %dma_wait3A_27 = tpu.memref_slice %arg8[%mul3A_21] : memref<10240xf32, #tpu.memory_space<vmem_shared>> -> memref<640xf32, #tpu.memory_space<vmem_shared>>
      tpu.wait_dma2 semaphore(%run_scoped3A : memref<!tpu.dma_semaphore, #tpu.memory_space<semaphore_mem>>) src(%dma_wait3A_27 : memref<640xf32, #tpu.memory_space<vmem_shared>>) dst(%dma_wait3A_26 : memref<640xf32, #tpu.memory_space<hbm>>)
      tpu.yield
    }) : () -> ()
    return
  }
}

#map = affine_map<(d0, d1) -> (0, 0)>
#map1 = affine_map<(d0, d1) -> (0, 0, 0)>
module attributes {stable_mosaic.version = 14 : i64} {
  func.func @_edge_kernel(%arg0: i32, %arg1: i32, %arg2: memref<10240x128xf32, #tpu.memory_space<hbm>>, %arg3: memref<2560x128xi32, #tpu.memory_space<hbm>>, %arg4: memref<2560x128xi32, #tpu.memory_space<hbm>>, %arg5: memref<2x10240x128xf32, #tpu.memory_space<hbm>>, %arg6: memref<16x128xi32, #tpu.memory_space<vmem>>, %arg7: memref<16x128xi32, #tpu.memory_space<vmem>>, %arg8: memref<16x128xi32, #tpu.memory_space<vmem>>, %arg9: memref<16x128xi32, #tpu.memory_space<vmem>>, %arg10: memref<128x128xf32, #tpu.memory_space<vmem>>, %arg11: memref<128x128xf32, #tpu.memory_space<vmem>>, %arg12: memref<!tpu.dma_semaphore, #tpu.memory_space<semaphore_mem>>, %arg13: memref<!tpu.dma_semaphore, #tpu.memory_space<semaphore_mem>>, %arg14: memref<!tpu.dma_semaphore, #tpu.memory_space<semaphore_mem>>, %arg15: memref<!tpu.dma_semaphore, #tpu.memory_space<semaphore_mem>>, %arg16: memref<!tpu.dma_semaphore, #tpu.memory_space<semaphore_mem>>, %arg17: memref<!tpu.dma_semaphore, #tpu.memory_space<semaphore_mem>>, %arg18: memref<10240x128xf32, #tpu.memory_space<vmem_shared>>) attributes {dimension_semantics = [#tpu.dimension_semantics<core_parallel>, #tpu.dimension_semantics<subcore_parallel>], iteration_bounds = array<i64: 2, 16>, scalar_prefetch = 0 : i64, scratch_operands = 13 : i64, tpu.core_type = #tpu.core_type<sc_vector_subcore>, window_params = [{transform_indices = #map}, {transform_indices = #map}, {transform_indices = #map}, {transform_indices = #map1}]} {
    %mul3A = arith.constant 2 : i32
    %mul3A_0 = arith.muli %arg1, %mul3A : i32
    %add3A = arith.addi %mul3A_0, %arg0 : i32
    %scan3A = arith.constant 0 : i32
    %scan3A_1 = arith.constant 128 : i32
    %scan3A_2 = arith.addi %scan3A, %scan3A_1 : i32
    %scan3A_3 = arith.constant 1 : i32
    scf.for %scan3A_190 = %scan3A to %scan3A_2 step %scan3A_3  : i32 {
      %mul3A_191 = arith.constant 1 : i32
      %mul3A_192 = arith.muli %scan3A_190, %mul3A_191 : i32
      %add3A_193 = arith.constant 0 : i32
      %add3A_194 = arith.addi %add3A_193, %mul3A_192 : i32
      %broadcast_in_dim3A = arith.constant 0.000000e+00 : f32
      %broadcast_in_dim3A_195 = vector.broadcast %broadcast_in_dim3A : f32 to vector<16xf32>
      %swap3A = arith.index_cast %add3A_194 : i32 to index
      %swap3A_196 = arith.constant 0 : index
      %swap3A_197 = tpu.vector_load %arg10[%swap3A, %swap3A_196] {strides = array<i32>} : memref<128x128xf32, #tpu.memory_space<vmem>>, vector<1x16xf32>,
      %swap3A_198 = vector.shape_cast %swap3A_197 : vector<1x16xf32> to vector<16xf32>
      %swap3A_199 = vector.shape_cast %broadcast_in_dim3A_195 : vector<16xf32> to vector<1x16xf32>
      tpu.vector_store %arg10[%swap3A, %swap3A_196], %swap3A_199 {strides = array<i32>} : memref<128x128xf32, #tpu.memory_space<vmem>>, vector<1x16xf32>,
      %broadcast_in_dim3A_200 = arith.constant 0.000000e+00 : f32
      %broadcast_in_dim3A_201 = vector.broadcast %broadcast_in_dim3A_200 : f32 to vector<16xf32>
      %swap3A_202 = arith.index_cast %add3A_194 : i32 to index
      %swap3A_203 = arith.constant 16 : index
      %swap3A_204 = tpu.vector_load %arg10[%swap3A_202, %swap3A_203] {strides = array<i32>} : memref<128x128xf32, #tpu.memory_space<vmem>>, vector<1x16xf32>,
      %swap3A_205 = vector.shape_cast %swap3A_204 : vector<1x16xf32> to vector<16xf32>
      %swap3A_206 = vector.shape_cast %broadcast_in_dim3A_201 : vector<16xf32> to vector<1x16xf32>
      tpu.vector_store %arg10[%swap3A_202, %swap3A_203], %swap3A_206 {strides = array<i32>} : memref<128x128xf32, #tpu.memory_space<vmem>>, vector<1x16xf32>,
      %broadcast_in_dim3A_207 = arith.constant 0.000000e+00 : f32
      %broadcast_in_dim3A_208 = vector.broadcast %broadcast_in_dim3A_207 : f32 to vector<16xf32>
      %swap3A_209 = arith.index_cast %add3A_194 : i32 to index
      %swap3A_210 = arith.constant 32 : index
      %swap3A_211 = tpu.vector_load %arg10[%swap3A_209, %swap3A_210] {strides = array<i32>} : memref<128x128xf32, #tpu.memory_space<vmem>>, vector<1x16xf32>,
      %swap3A_212 = vector.shape_cast %swap3A_211 : vector<1x16xf32> to vector<16xf32>
      %swap3A_213 = vector.shape_cast %broadcast_in_dim3A_208 : vector<16xf32> to vector<1x16xf32>
      tpu.vector_store %arg10[%swap3A_209, %swap3A_210], %swap3A_213 {strides = array<i32>} : memref<128x128xf32, #tpu.memory_space<vmem>>, vector<1x16xf32>,
      %broadcast_in_dim3A_214 = arith.constant 0.000000e+00 : f32
      %broadcast_in_dim3A_215 = vector.broadcast %broadcast_in_dim3A_214 : f32 to vector<16xf32>
      %swap3A_216 = arith.index_cast %add3A_194 : i32 to index
      %swap3A_217 = arith.constant 48 : index
      %swap3A_218 = tpu.vector_load %arg10[%swap3A_216, %swap3A_217] {strides = array<i32>} : memref<128x128xf32, #tpu.memory_space<vmem>>, vector<1x16xf32>,
      %swap3A_219 = vector.shape_cast %swap3A_218 : vector<1x16xf32> to vector<16xf32>
      %swap3A_220 = vector.shape_cast %broadcast_in_dim3A_215 : vector<16xf32> to vector<1x16xf32>
      tpu.vector_store %arg10[%swap3A_216, %swap3A_217], %swap3A_220 {strides = array<i32>} : memref<128x128xf32, #tpu.memory_space<vmem>>, vector<1x16xf32>,
      %broadcast_in_dim3A_221 = arith.constant 0.000000e+00 : f32
      %broadcast_in_dim3A_222 = vector.broadcast %broadcast_in_dim3A_221 : f32 to vector<16xf32>
      %swap3A_223 = arith.index_cast %add3A_194 : i32 to index
      %swap3A_224 = arith.constant 64 : index
      %swap3A_225 = tpu.vector_load %arg10[%swap3A_223, %swap3A_224] {strides = array<i32>} : memref<128x128xf32, #tpu.memory_space<vmem>>, vector<1x16xf32>,
      %swap3A_226 = vector.shape_cast %swap3A_225 : vector<1x16xf32> to vector<16xf32>
      %swap3A_227 = vector.shape_cast %broadcast_in_dim3A_222 : vector<16xf32> to vector<1x16xf32>
      tpu.vector_store %arg10[%swap3A_223, %swap3A_224], %swap3A_227 {strides = array<i32>} : memref<128x128xf32, #tpu.memory_space<vmem>>, vector<1x16xf32>,
      %broadcast_in_dim3A_228 = arith.constant 0.000000e+00 : f32
      %broadcast_in_dim3A_229 = vector.broadcast %broadcast_in_dim3A_228 : f32 to vector<16xf32>
      %swap3A_230 = arith.index_cast %add3A_194 : i32 to index
      %swap3A_231 = arith.constant 80 : index
      %swap3A_232 = tpu.vector_load %arg10[%swap3A_230, %swap3A_231] {strides = array<i32>} : memref<128x128xf32, #tpu.memory_space<vmem>>, vector<1x16xf32>,
      %swap3A_233 = vector.shape_cast %swap3A_232 : vector<1x16xf32> to vector<16xf32>
      %swap3A_234 = vector.shape_cast %broadcast_in_dim3A_229 : vector<16xf32> to vector<1x16xf32>
      tpu.vector_store %arg10[%swap3A_230, %swap3A_231], %swap3A_234 {strides = array<i32>} : memref<128x128xf32, #tpu.memory_space<vmem>>, vector<1x16xf32>,
      %broadcast_in_dim3A_235 = arith.constant 0.000000e+00 : f32
      %broadcast_in_dim3A_236 = vector.broadcast %broadcast_in_dim3A_235 : f32 to vector<16xf32>
      %swap3A_237 = arith.index_cast %add3A_194 : i32 to index
      %swap3A_238 = arith.constant 96 : index
      %swap3A_239 = tpu.vector_load %arg10[%swap3A_237, %swap3A_238] {strides = array<i32>} : memref<128x128xf32, #tpu.memory_space<vmem>>, vector<1x16xf32>,
      %swap3A_240 = vector.shape_cast %swap3A_239 : vector<1x16xf32> to vector<16xf32>
      %swap3A_241 = vector.shape_cast %broadcast_in_dim3A_236 : vector<16xf32> to vector<1x16xf32>
      tpu.vector_store %arg10[%swap3A_237, %swap3A_238], %swap3A_241 {strides = array<i32>} : memref<128x128xf32, #tpu.memory_space<vmem>>, vector<1x16xf32>,
      %broadcast_in_dim3A_242 = arith.constant 0.000000e+00 : f32
      %broadcast_in_dim3A_243 = vector.broadcast %broadcast_in_dim3A_242 : f32 to vector<16xf32>
      %swap3A_244 = arith.index_cast %add3A_194 : i32 to index
      %swap3A_245 = arith.constant 112 : index
      %swap3A_246 = tpu.vector_load %arg10[%swap3A_244, %swap3A_245] {strides = array<i32>} : memref<128x128xf32, #tpu.memory_space<vmem>>, vector<1x16xf32>,
      %swap3A_247 = vector.shape_cast %swap3A_246 : vector<1x16xf32> to vector<16xf32>
      %swap3A_248 = vector.shape_cast %broadcast_in_dim3A_243 : vector<16xf32> to vector<1x16xf32>
      tpu.vector_store %arg10[%swap3A_244, %swap3A_245], %swap3A_248 {strides = array<i32>} : memref<128x128xf32, #tpu.memory_space<vmem>>, vector<1x16xf32>,
    }
    %scan3A_4 = arith.constant 128 : i32
    %scan3A_5 = arith.constant 0 : i32
    %scan3A_6 = arith.constant 5 : i32
    %scan3A_7 = arith.addi %scan3A_5, %scan3A_6 : i32
    %scan3A_8 = arith.constant 1 : i32
    scf.for %scan3A_190 = %scan3A_5 to %scan3A_7 step %scan3A_8  : i32 {
      %mul3A_191 = arith.constant 1 : i32
      %mul3A_192 = arith.muli %scan3A_190, %mul3A_191 : i32
      %add3A_193 = arith.constant 0 : i32
      %add3A_194 = arith.addi %add3A_193, %mul3A_192 : i32
      %mul3A_195 = arith.constant 640 : i32
      %mul3A_196 = arith.muli %arg1, %mul3A_195 : i32
      %mul3A_197 = arith.constant 128 : i32
      %mul3A_198 = arith.muli %add3A_194, %mul3A_197 : i32
      %add3A_199 = arith.addi %mul3A_196, %mul3A_198 : i32
      "tpu.region"() ({
        %run_scoped3A = tpu.sem_alloc : memref<!tpu.dma_semaphore, #tpu.memory_space<semaphore_mem>>
        %dma_start3A_200 = arith.constant 0 : i32
        %dma_start3A_201 = tpu.memref_slice %arg18[%add3A_199, %dma_start3A_200] : memref<10240x128xf32, #tpu.memory_space<vmem_shared>> -> memref<128x128xf32, #tpu.memory_space<vmem_shared>>
        %dma_start3A_202 = arith.constant 0 : i32
        %dma_start3A_203 = tpu.memref_slice %arg18[%add3A_199, %dma_start3A_202] : memref<10240x128xf32, #tpu.memory_space<vmem_shared>> -> memref<128x128xf32, #tpu.memory_space<vmem_shared>>
        tpu.enqueue_dma source(%arg10 : memref<128x128xf32, #tpu.memory_space<vmem>>) target(%dma_start3A_203 : memref<128x128xf32, #tpu.memory_space<vmem_shared>>) target_semaphore(%run_scoped3A : memref<!tpu.dma_semaphore, #tpu.memory_space<semaphore_mem>>)
        %dma_wait3A_204 = arith.constant 0 : i32
        %dma_wait3A_205 = tpu.memref_slice %arg18[%add3A_199, %dma_wait3A_204] : memref<10240x128xf32, #tpu.memory_space<vmem_shared>> -> memref<128x128xf32, #tpu.memory_space<vmem_shared>>
        %dma_wait3A_206 = arith.constant 0 : i32
        %dma_wait3A_207 = tpu.memref_slice %arg18[%add3A_199, %dma_wait3A_206] : memref<10240x128xf32, #tpu.memory_space<vmem_shared>> -> memref<128x128xf32, #tpu.memory_space<vmem_shared>>
        tpu.wait_dma2 semaphore(%run_scoped3A : memref<!tpu.dma_semaphore, #tpu.memory_space<semaphore_mem>>) src(%arg10 : memref<128x128xf32, #tpu.memory_space<vmem>>) dst(%dma_wait3A_207 : memref<128x128xf32, #tpu.memory_space<vmem_shared>>)
        tpu.yield
      }) : () -> ()
    }
    %scan3A_9 = arith.constant 5 : i32
    %mul3A_10 = arith.constant 80 : i32
    %mul3A_11 = arith.muli %add3A, %mul3A_10 : i32
    "tpu.region"() ({
      %run_scoped3A = tpu.sem_alloc : memref<!tpu.dma_semaphore, #tpu.memory_space<semaphore_mem>>
      %dma_start3A_190 = arith.constant 0 : i32
      %dma_start3A_191 = tpu.memref_slice %arg3[%mul3A_11, %dma_start3A_190] : memref<2560x128xi32, #tpu.memory_space<hbm>> -> memref<16x128xi32, #tpu.memory_space<hbm>>
      %dma_start3A_192 = arith.constant 0 : i32
      %dma_start3A_193 = tpu.memref_slice %arg3[%mul3A_11, %dma_start3A_192] : memref<2560x128xi32, #tpu.memory_space<hbm>> -> memref<16x128xi32, #tpu.memory_space<hbm>>
      tpu.enqueue_dma source(%dma_start3A_193 : memref<16x128xi32, #tpu.memory_space<hbm>>) target(%arg6 : memref<16x128xi32, #tpu.memory_space<vmem>>) target_semaphore(%run_scoped3A : memref<!tpu.dma_semaphore, #tpu.memory_space<semaphore_mem>>)
      %dma_wait3A_194 = arith.constant 0 : i32
      %dma_wait3A_195 = tpu.memref_slice %arg3[%mul3A_11, %dma_wait3A_194] : memref<2560x128xi32, #tpu.memory_space<hbm>> -> memref<16x128xi32, #tpu.memory_space<hbm>>
      %dma_wait3A_196 = arith.constant 0 : i32
      %dma_wait3A_197 = tpu.memref_slice %arg3[%mul3A_11, %dma_wait3A_196] : memref<2560x128xi32, #tpu.memory_space<hbm>> -> memref<16x128xi32, #tpu.memory_space<hbm>>
      tpu.wait_dma2 semaphore(%run_scoped3A : memref<!tpu.dma_semaphore, #tpu.memory_space<semaphore_mem>>) src(%dma_wait3A_197 : memref<16x128xi32, #tpu.memory_space<hbm>>) dst(%arg6 : memref<16x128xi32, #tpu.memory_space<vmem>>)
      tpu.yield
    }) : () -> ()
    "tpu.region"() ({
      %run_scoped3A = tpu.sem_alloc : memref<!tpu.dma_semaphore, #tpu.memory_space<semaphore_mem>>
      %dma_start3A_190 = arith.constant 0 : i32
      %dma_start3A_191 = tpu.memref_slice %arg4[%mul3A_11, %dma_start3A_190] : memref<2560x128xi32, #tpu.memory_space<hbm>> -> memref<16x128xi32, #tpu.memory_space<hbm>>
      %dma_start3A_192 = arith.constant 0 : i32
      %dma_start3A_193 = tpu.memref_slice %arg4[%mul3A_11, %dma_start3A_192] : memref<2560x128xi32, #tpu.memory_space<hbm>> -> memref<16x128xi32, #tpu.memory_space<hbm>>
      tpu.enqueue_dma source(%dma_start3A_193 : memref<16x128xi32, #tpu.memory_space<hbm>>) target(%arg8 : memref<16x128xi32, #tpu.memory_space<vmem>>) target_semaphore(%run_scoped3A : memref<!tpu.dma_semaphore, #tpu.memory_space<semaphore_mem>>)
      %dma_wait3A_194 = arith.constant 0 : i32
      %dma_wait3A_195 = tpu.memref_slice %arg4[%mul3A_11, %dma_wait3A_194] : memref<2560x128xi32, #tpu.memory_space<hbm>> -> memref<16x128xi32, #tpu.memory_space<hbm>>
      %dma_wait3A_196 = arith.constant 0 : i32
      %dma_wait3A_197 = tpu.memref_slice %arg4[%mul3A_11, %dma_wait3A_196] : memref<2560x128xi32, #tpu.memory_space<hbm>> -> memref<16x128xi32, #tpu.memory_space<hbm>>
      tpu.wait_dma2 semaphore(%run_scoped3A : memref<!tpu.dma_semaphore, #tpu.memory_space<semaphore_mem>>) src(%dma_wait3A_197 : memref<16x128xi32, #tpu.memory_space<hbm>>) dst(%arg8 : memref<16x128xi32, #tpu.memory_space<vmem>>)
      tpu.yield
    }) : () -> ()
    %barrier3A = arith.constant 0 : index
    tpu.barrier barrier_id(%barrier3A)
    %dma_start3A = arith.constant 0 : i32
    %dma_start3A_12 = arith.constant 0 : i32
    %dma_start3A_13 = tpu.memref_slice %arg6[%dma_start3A, %dma_start3A_12] : memref<16x128xi32, #tpu.memory_space<vmem>> -> memref<1x128xi32, #tpu.memory_space<vmem>>
    %dma_start3A_14 = tpu.memref_squeeze %dma_start3A_13 : memref<1x128xi32, #tpu.memory_space<vmem>> -> memref<128xi32, #tpu.memory_space<vmem>>
    %dma_start3A_15 = arith.constant 0 : i32
    %dma_start3A_16 = arith.constant 0 : i32
    %dma_start3A_17 = tpu.memref_slice %arg2[%dma_start3A_15, %dma_start3A_16] : memref<10240x128xf32, #tpu.memory_space<hbm>> -> memref<10240x128xf32, #tpu.memory_space<hbm>>
    tpu.enqueue_indirect_dma source(%dma_start3A_17 : memref<10240x128xf32, #tpu.memory_space<hbm>>) target(%arg10 : memref<128x128xf32, #tpu.memory_space<vmem>>) offsets(%dma_start3A_14 : memref<128xi32, #tpu.memory_space<vmem>>) semaphore(%arg12 : memref<!tpu.dma_semaphore, #tpu.memory_space<semaphore_mem>>)
    %dma_start3A_18 = arith.constant 1 : i32
    %dma_start3A_19 = arith.constant 0 : i32
    %dma_start3A_20 = tpu.memref_slice %arg6[%dma_start3A_18, %dma_start3A_19] : memref<16x128xi32, #tpu.memory_space<vmem>> -> memref<1x128xi32, #tpu.memory_space<vmem>>
    %dma_start3A_21 = tpu.memref_squeeze %dma_start3A_20 : memref<1x128xi32, #tpu.memory_space<vmem>> -> memref<128xi32, #tpu.memory_space<vmem>>
    %dma_start3A_22 = arith.constant 0 : i32
    %dma_start3A_23 = arith.constant 0 : i32
    %dma_start3A_24 = tpu.memref_slice %arg2[%dma_start3A_22, %dma_start3A_23] : memref<10240x128xf32, #tpu.memory_space<hbm>> -> memref<10240x128xf32, #tpu.memory_space<hbm>>
    tpu.enqueue_indirect_dma source(%dma_start3A_24 : memref<10240x128xf32, #tpu.memory_space<hbm>>) target(%arg11 : memref<128x128xf32, #tpu.memory_space<vmem>>) offsets(%dma_start3A_21 : memref<128xi32, #tpu.memory_space<vmem>>) semaphore(%arg13 : memref<!tpu.dma_semaphore, #tpu.memory_space<semaphore_mem>>)
    %add3A_25 = arith.constant 16 : i32
    %add3A_26 = arith.addi %mul3A_11, %add3A_25 : i32
    %dma_start3A_27 = arith.constant 0 : i32
    %dma_start3A_28 = tpu.memref_slice %arg3[%add3A_26, %dma_start3A_27] : memref<2560x128xi32, #tpu.memory_space<hbm>> -> memref<16x128xi32, #tpu.memory_space<hbm>>
    %dma_start3A_29 = arith.constant 0 : i32
    %dma_start3A_30 = tpu.memref_slice %arg3[%add3A_26, %dma_start3A_29] : memref<2560x128xi32, #tpu.memory_space<hbm>> -> memref<16x128xi32, #tpu.memory_space<hbm>>
    tpu.enqueue_dma source(%dma_start3A_30 : memref<16x128xi32, #tpu.memory_space<hbm>>) target(%arg7 : memref<16x128xi32, #tpu.memory_space<vmem>>) target_semaphore(%arg16 : memref<!tpu.dma_semaphore, #tpu.memory_space<semaphore_mem>>)
    %dma_start3A_31 = arith.constant 0 : i32
    %dma_start3A_32 = tpu.memref_slice %arg4[%add3A_26, %dma_start3A_31] : memref<2560x128xi32, #tpu.memory_space<hbm>> -> memref<16x128xi32, #tpu.memory_space<hbm>>
    %dma_start3A_33 = arith.constant 0 : i32
    %dma_start3A_34 = tpu.memref_slice %arg4[%add3A_26, %dma_start3A_33] : memref<2560x128xi32, #tpu.memory_space<hbm>> -> memref<16x128xi32, #tpu.memory_space<hbm>>
    tpu.enqueue_dma source(%dma_start3A_34 : memref<16x128xi32, #tpu.memory_space<hbm>>) target(%arg9 : memref<16x128xi32, #tpu.memory_space<vmem>>) target_semaphore(%arg17 : memref<!tpu.dma_semaphore, #tpu.memory_space<semaphore_mem>>)
    %scan3A_35 = arith.constant 0 : i32
    %scan3A_36 = arith.constant 8 : i32
    %scan3A_37 = arith.addi %scan3A_35, %scan3A_36 : i32
    %scan3A_38 = arith.constant 1 : i32
    scf.for %scan3A_190 = %scan3A_35 to %scan3A_37 step %scan3A_38  : i32 {
      %mul3A_191 = arith.constant 2 : i32
      %mul3A_192 = arith.muli %scan3A_190, %mul3A_191 : i32
      %add3A_193 = arith.constant 0 : i32
      %add3A_194 = arith.addi %add3A_193, %mul3A_192 : i32
      %add3A_195 = arith.constant 0 : i32
      %add3A_196 = arith.addi %add3A_194, %add3A_195 : i32
      %dma_wait3A_197 = arith.constant 0 : i32
      %dma_wait3A_198 = tpu.memref_slice %arg6[%add3A_196, %dma_wait3A_197] : memref<16x128xi32, #tpu.memory_space<vmem>> -> memref<1x128xi32, #tpu.memory_space<vmem>>
      %dma_wait3A_199 = tpu.memref_squeeze %dma_wait3A_198 : memref<1x128xi32, #tpu.memory_space<vmem>> -> memref<128xi32, #tpu.memory_space<vmem>>
      %dma_wait3A_200 = arith.constant 0 : i32
      %dma_wait3A_201 = arith.constant 0 : i32
      %dma_wait3A_202 = tpu.memref_slice %arg2[%dma_wait3A_200, %dma_wait3A_201] : memref<10240x128xf32, #tpu.memory_space<hbm>> -> memref<10240x128xf32, #tpu.memory_space<hbm>>
      tpu.wait_indirect_dma semaphore(%arg12 : memref<!tpu.dma_semaphore, #tpu.memory_space<semaphore_mem>>) src(%dma_wait3A_202 : memref<10240x128xf32, #tpu.memory_space<hbm>>) dst(%arg10 : memref<128x128xf32, #tpu.memory_space<vmem>>)
      %add3A_203 = arith.constant 0 : i32
      %add3A_204 = arith.addi %add3A_194, %add3A_203 : i32
      "tpu.region"() ({
        %run_scoped3A = tpu.sem_alloc : memref<!tpu.dma_semaphore, #tpu.memory_space<semaphore_mem>>
        %dma_start3A_230 = arith.constant 0 : i32
        %dma_start3A_231 = tpu.memref_slice %arg8[%add3A_204, %dma_start3A_230] : memref<16x128xi32, #tpu.memory_space<vmem>> -> memref<1x128xi32, #tpu.memory_space<vmem>>
        %dma_start3A_232 = tpu.memref_squeeze %dma_start3A_231 : memref<1x128xi32, #tpu.memory_space<vmem>> -> memref<128xi32, #tpu.memory_space<vmem>>
        %dma_start3A_233 = arith.constant 0 : i32
        %dma_start3A_234 = arith.constant 0 : i32
        %dma_start3A_235 = tpu.memref_slice %arg18[%dma_start3A_233, %dma_start3A_234] : memref<10240x128xf32, #tpu.memory_space<vmem_shared>> -> memref<10240x128xf32, #tpu.memory_space<vmem_shared>>
        tpu.enqueue_indirect_dma source(%arg10 : memref<128x128xf32, #tpu.memory_space<vmem>>) target(%dma_start3A_235 : memref<10240x128xf32, #tpu.memory_space<vmem_shared>>) offsets(%dma_start3A_232 : memref<128xi32, #tpu.memory_space<vmem>>) semaphore(%run_scoped3A : memref<!tpu.dma_semaphore, #tpu.memory_space<semaphore_mem>>) {add = true}
        %dma_wait3A_236 = arith.constant 0 : i32
        %dma_wait3A_237 = tpu.memref_slice %arg8[%add3A_204, %dma_wait3A_236] : memref<16x128xi32, #tpu.memory_space<vmem>> -> memref<1x128xi32, #tpu.memory_space<vmem>>
        %dma_wait3A_238 = tpu.memref_squeeze %dma_wait3A_237 : memref<1x128xi32, #tpu.memory_space<vmem>> -> memref<128xi32, #tpu.memory_space<vmem>>
        %dma_wait3A_239 = arith.constant 0 : i32
        %dma_wait3A_240 = arith.constant 0 : i32
        %dma_wait3A_241 = tpu.memref_slice %arg18[%dma_wait3A_239, %dma_wait3A_240] : memref<10240x128xf32, #tpu.memory_space<vmem_shared>> -> memref<10240x128xf32, #tpu.memory_space<vmem_shared>>
        tpu.wait_indirect_dma semaphore(%run_scoped3A : memref<!tpu.dma_semaphore, #tpu.memory_space<semaphore_mem>>) src(%arg10 : memref<128x128xf32, #tpu.memory_space<vmem>>) dst(%dma_wait3A_241 : memref<10240x128xf32, #tpu.memory_space<vmem_shared>>)
        tpu.yield
      }) : () -> ()
      %add3A_205 = arith.constant 0 : i32
      %add3A_206 = arith.addi %add3A_194, %add3A_205 : i32
      %add3A_207 = arith.constant 2 : i32
      %add3A_208 = arith.addi %add3A_206, %add3A_207 : i32
      %lt3A = arith.constant 16 : i32
      %lt3A_209 = arith.cmpi slt, %add3A_208, %lt3A : i32
      %convert_element_type3A = arith.extui %lt3A_209 : i1 to i32
      %cond3A = arith.constant 0 : i32
      %cond3A_210 = arith.cmpi ne, %convert_element_type3A, %cond3A : i32
      scf.if %cond3A_210 {
        %add3A_230 = arith.constant 0 : i32
        %add3A_231 = arith.addi %add3A_194, %add3A_230 : i32
        %add3A_232 = arith.constant 2 : i32
        %add3A_233 = arith.addi %add3A_231, %add3A_232 : i32
        %dma_start3A_234 = arith.constant 0 : i32
        %dma_start3A_235 = tpu.memref_slice %arg6[%add3A_233, %dma_start3A_234] : memref<16x128xi32, #tpu.memory_space<vmem>> -> memref<1x128xi32, #tpu.memory_space<vmem>>
        %dma_start3A_236 = tpu.memref_squeeze %dma_start3A_235 : memref<1x128xi32, #tpu.memory_space<vmem>> -> memref<128xi32, #tpu.memory_space<vmem>>
        %dma_start3A_237 = arith.constant 0 : i32
        %dma_start3A_238 = arith.constant 0 : i32
        %dma_start3A_239 = tpu.memref_slice %arg2[%dma_start3A_237, %dma_start3A_238] : memref<10240x128xf32, #tpu.memory_space<hbm>> -> memref<10240x128xf32, #tpu.memory_space<hbm>>
        tpu.enqueue_indirect_dma source(%dma_start3A_239 : memref<10240x128xf32, #tpu.memory_space<hbm>>) target(%arg10 : memref<128x128xf32, #tpu.memory_space<vmem>>) offsets(%dma_start3A_236 : memref<128xi32, #tpu.memory_space<vmem>>) semaphore(%arg12 : memref<!tpu.dma_semaphore, #tpu.memory_space<semaphore_mem>>)
      } else {
      }
      %add3A_211 = arith.constant 1 : i32
      %add3A_212 = arith.addi %add3A_194, %add3A_211 : i32
      %dma_wait3A_213 = arith.constant 0 : i32
      %dma_wait3A_214 = tpu.memref_slice %arg6[%add3A_212, %dma_wait3A_213] : memref<16x128xi32, #tpu.memory_space<vmem>> -> memref<1x128xi32, #tpu.memory_space<vmem>>
      %dma_wait3A_215 = tpu.memref_squeeze %dma_wait3A_214 : memref<1x128xi32, #tpu.memory_space<vmem>> -> memref<128xi32, #tpu.memory_space<vmem>>
      %dma_wait3A_216 = arith.constant 0 : i32
      %dma_wait3A_217 = arith.constant 0 : i32
      %dma_wait3A_218 = tpu.memref_slice %arg2[%dma_wait3A_216, %dma_wait3A_217] : memref<10240x128xf32, #tpu.memory_space<hbm>> -> memref<10240x128xf32, #tpu.memory_space<hbm>>
      tpu.wait_indirect_dma semaphore(%arg13 : memref<!tpu.dma_semaphore, #tpu.memory_space<semaphore_mem>>) src(%dma_wait3A_218 : memref<10240x128xf32, #tpu.memory_space<hbm>>) dst(%arg11 : memref<128x128xf32, #tpu.memory_space<vmem>>)
      %add3A_219 = arith.constant 1 : i32
      %add3A_220 = arith.addi %add3A_194, %add3A_219 : i32
      "tpu.region"() ({
        %run_scoped3A = tpu.sem_alloc : memref<!tpu.dma_semaphore, #tpu.memory_space<semaphore_mem>>
        %dma_start3A_230 = arith.constant 0 : i32
        %dma_start3A_231 = tpu.memref_slice %arg8[%add3A_220, %dma_start3A_230] : memref<16x128xi32, #tpu.memory_space<vmem>> -> memref<1x128xi32, #tpu.memory_space<vmem>>
        %dma_start3A_232 = tpu.memref_squeeze %dma_start3A_231 : memref<1x128xi32, #tpu.memory_space<vmem>> -> memref<128xi32, #tpu.memory_space<vmem>>
        %dma_start3A_233 = arith.constant 0 : i32
        %dma_start3A_234 = arith.constant 0 : i32
        %dma_start3A_235 = tpu.memref_slice %arg18[%dma_start3A_233, %dma_start3A_234] : memref<10240x128xf32, #tpu.memory_space<vmem_shared>> -> memref<10240x128xf32, #tpu.memory_space<vmem_shared>>
        tpu.enqueue_indirect_dma source(%arg11 : memref<128x128xf32, #tpu.memory_space<vmem>>) target(%dma_start3A_235 : memref<10240x128xf32, #tpu.memory_space<vmem_shared>>) offsets(%dma_start3A_232 : memref<128xi32, #tpu.memory_space<vmem>>) semaphore(%run_scoped3A : memref<!tpu.dma_semaphore, #tpu.memory_space<semaphore_mem>>) {add = true}
        %dma_wait3A_236 = arith.constant 0 : i32
        %dma_wait3A_237 = tpu.memref_slice %arg8[%add3A_220, %dma_wait3A_236] : memref<16x128xi32, #tpu.memory_space<vmem>> -> memref<1x128xi32, #tpu.memory_space<vmem>>
        %dma_wait3A_238 = tpu.memref_squeeze %dma_wait3A_237 : memref<1x128xi32, #tpu.memory_space<vmem>> -> memref<128xi32, #tpu.memory_space<vmem>>
        %dma_wait3A_239 = arith.constant 0 : i32
        %dma_wait3A_240 = arith.constant 0 : i32
        %dma_wait3A_241 = tpu.memref_slice %arg18[%dma_wait3A_239, %dma_wait3A_240] : memref<10240x128xf32, #tpu.memory_space<vmem_shared>> -> memref<10240x128xf32, #tpu.memory_space<vmem_shared>>
        tpu.wait_indirect_dma semaphore(%run_scoped3A : memref<!tpu.dma_semaphore, #tpu.memory_space<semaphore_mem>>) src(%arg11 : memref<128x128xf32, #tpu.memory_space<vmem>>) dst(%dma_wait3A_241 : memref<10240x128xf32, #tpu.memory_space<vmem_shared>>)
        tpu.yield
      }) : () -> ()
      %add3A_221 = arith.constant 1 : i32
      %add3A_222 = arith.addi %add3A_194, %add3A_221 : i32
      %add3A_223 = arith.constant 2 : i32
      %add3A_224 = arith.addi %add3A_222, %add3A_223 : i32
      %lt3A_225 = arith.constant 16 : i32
      %lt3A_226 = arith.cmpi slt, %add3A_224, %lt3A_225 : i32
      %convert_element_type3A_227 = arith.extui %lt3A_226 : i1 to i32
      %cond3A_228 = arith.constant 0 : i32
      %cond3A_229 = arith.cmpi ne, %convert_element_type3A_227, %cond3A_228 : i32
      scf.if %cond3A_229 {
        %add3A_230 = arith.constant 1 : i32
        %add3A_231 = arith.addi %add3A_194, %add3A_230 : i32
        %add3A_232 = arith.constant 2 : i32
        %add3A_233 = arith.addi %add3A_231, %add3A_232 : i32
        %dma_start3A_234 = arith.constant 0 : i32
        %dma_start3A_235 = tpu.memref_slice %arg6[%add3A_233, %dma_start3A_234] : memref<16x128xi32, #tpu.memory_space<vmem>> -> memref<1x128xi32, #tpu.memory_space<vmem>>
        %dma_start3A_236 = tpu.memref_squeeze %dma_start3A_235 : memref<1x128xi32, #tpu.memory_space<vmem>> -> memref<128xi32, #tpu.memory_space<vmem>>
        %dma_start3A_237 = arith.constant 0 : i32
        %dma_start3A_238 = arith.constant 0 : i32
        %dma_start3A_239 = tpu.memref_slice %arg2[%dma_start3A_237, %dma_start3A_238] : memref<10240x128xf32, #tpu.memory_space<hbm>> -> memref<10240x128xf32, #tpu.memory_space<hbm>>
        tpu.enqueue_indirect_dma source(%dma_start3A_239 : memref<10240x128xf32, #tpu.memory_space<hbm>>) target(%arg11 : memref<128x128xf32, #tpu.memory_space<vmem>>) offsets(%dma_start3A_236 : memref<128xi32, #tpu.memory_space<vmem>>) semaphore(%arg13 : memref<!tpu.dma_semaphore, #tpu.memory_space<semaphore_mem>>)
      } else {
      }
    }
    %scan3A_39 = arith.constant 8 : i32
    %add3A_40 = arith.constant 16 : i32
    %add3A_41 = arith.addi %mul3A_11, %add3A_40 : i32
    %dma_wait3A = arith.constant 0 : i32
    %dma_wait3A_42 = tpu.memref_slice %arg3[%add3A_41, %dma_wait3A] : memref<2560x128xi32, #tpu.memory_space<hbm>> -> memref<16x128xi32, #tpu.memory_space<hbm>>
    %dma_wait3A_43 = arith.constant 0 : i32
    %dma_wait3A_44 = tpu.memref_slice %arg3[%add3A_41, %dma_wait3A_43] : memref<2560x128xi32, #tpu.memory_space<hbm>> -> memref<16x128xi32, #tpu.memory_space<hbm>>
    tpu.wait_dma2 semaphore(%arg16 : memref<!tpu.dma_semaphore, #tpu.memory_space<semaphore_mem>>) src(%dma_wait3A_44 : memref<16x128xi32, #tpu.memory_space<hbm>>) dst(%arg7 : memref<16x128xi32, #tpu.memory_space<vmem>>)
    %dma_wait3A_45 = arith.constant 0 : i32
    %dma_wait3A_46 = tpu.memref_slice %arg4[%add3A_41, %dma_wait3A_45] : memref<2560x128xi32, #tpu.memory_space<hbm>> -> memref<16x128xi32, #tpu.memory_space<hbm>>
    %dma_wait3A_47 = arith.constant 0 : i32
    %dma_wait3A_48 = tpu.memref_slice %arg4[%add3A_41, %dma_wait3A_47] : memref<2560x128xi32, #tpu.memory_space<hbm>> -> memref<16x128xi32, #tpu.memory_space<hbm>>
    tpu.wait_dma2 semaphore(%arg17 : memref<!tpu.dma_semaphore, #tpu.memory_space<semaphore_mem>>) src(%dma_wait3A_48 : memref<16x128xi32, #tpu.memory_space<hbm>>) dst(%arg9 : memref<16x128xi32, #tpu.memory_space<vmem>>)
    %dma_start3A_49 = arith.constant 0 : i32
    %dma_start3A_50 = arith.constant 0 : i32
    %dma_start3A_51 = tpu.memref_slice %arg7[%dma_start3A_49, %dma_start3A_50] : memref<16x128xi32, #tpu.memory_space<vmem>> -> memref<1x128xi32, #tpu.memory_space<vmem>>
    %dma_start3A_52 = tpu.memref_squeeze %dma_start3A_51 : memref<1x128xi32, #tpu.memory_space<vmem>> -> memref<128xi32, #tpu.memory_space<vmem>>
    %dma_start3A_53 = arith.constant 0 : i32
    %dma_start3A_54 = arith.constant 0 : i32
    %dma_start3A_55 = tpu.memref_slice %arg2[%dma_start3A_53, %dma_start3A_54] : memref<10240x128xf32, #tpu.memory_space<hbm>> -> memref<10240x128xf32, #tpu.memory_space<hbm>>
    tpu.enqueue_indirect_dma source(%dma_start3A_55 : memref<10240x128xf32, #tpu.memory_space<hbm>>) target(%arg10 : memref<128x128xf32, #tpu.memory_space<vmem>>) offsets(%dma_start3A_52 : memref<128xi32, #tpu.memory_space<vmem>>) semaphore(%arg12 : memref<!tpu.dma_semaphore, #tpu.memory_space<semaphore_mem>>)
    %dma_start3A_56 = arith.constant 1 : i32
    %dma_start3A_57 = arith.constant 0 : i32
    %dma_start3A_58 = tpu.memref_slice %arg7[%dma_start3A_56, %dma_start3A_57] : memref<16x128xi32, #tpu.memory_space<vmem>> -> memref<1x128xi32, #tpu.memory_space<vmem>>
    %dma_start3A_59 = tpu.memref_squeeze %dma_start3A_58 : memref<1x128xi32, #tpu.memory_space<vmem>> -> memref<128xi32, #tpu.memory_space<vmem>>
    %dma_start3A_60 = arith.constant 0 : i32
    %dma_start3A_61 = arith.constant 0 : i32
    %dma_start3A_62 = tpu.memref_slice %arg2[%dma_start3A_60, %dma_start3A_61] : memref<10240x128xf32, #tpu.memory_space<hbm>> -> memref<10240x128xf32, #tpu.memory_space<hbm>>
    tpu.enqueue_indirect_dma source(%dma_start3A_62 : memref<10240x128xf32, #tpu.memory_space<hbm>>) target(%arg11 : memref<128x128xf32, #tpu.memory_space<vmem>>) offsets(%dma_start3A_59 : memref<128xi32, #tpu.memory_space<vmem>>) semaphore(%arg13 : memref<!tpu.dma_semaphore, #tpu.memory_space<semaphore_mem>>)
    %add3A_63 = arith.constant 32 : i32
    %add3A_64 = arith.addi %mul3A_11, %add3A_63 : i32
    %dma_start3A_65 = arith.constant 0 : i32
    %dma_start3A_66 = tpu.memref_slice %arg3[%add3A_64, %dma_start3A_65] : memref<2560x128xi32, #tpu.memory_space<hbm>> -> memref<16x128xi32, #tpu.memory_space<hbm>>
    %dma_start3A_67 = arith.constant 0 : i32
    %dma_start3A_68 = tpu.memref_slice %arg3[%add3A_64, %dma_start3A_67] : memref<2560x128xi32, #tpu.memory_space<hbm>> -> memref<16x128xi32, #tpu.memory_space<hbm>>
    tpu.enqueue_dma source(%dma_start3A_68 : memref<16x128xi32, #tpu.memory_space<hbm>>) target(%arg6 : memref<16x128xi32, #tpu.memory_space<vmem>>) target_semaphore(%arg16 : memref<!tpu.dma_semaphore, #tpu.memory_space<semaphore_mem>>)
    %dma_start3A_69 = arith.constant 0 : i32
    %dma_start3A_70 = tpu.memref_slice %arg4[%add3A_64, %dma_start3A_69] : memref<2560x128xi32, #tpu.memory_space<hbm>> -> memref<16x128xi32, #tpu.memory_space<hbm>>
    %dma_start3A_71 = arith.constant 0 : i32
    %dma_start3A_72 = tpu.memref_slice %arg4[%add3A_64, %dma_start3A_71] : memref<2560x128xi32, #tpu.memory_space<hbm>> -> memref<16x128xi32, #tpu.memory_space<hbm>>
    tpu.enqueue_dma source(%dma_start3A_72 : memref<16x128xi32, #tpu.memory_space<hbm>>) target(%arg8 : memref<16x128xi32, #tpu.memory_space<vmem>>) target_semaphore(%arg17 : memref<!tpu.dma_semaphore, #tpu.memory_space<semaphore_mem>>)
    %scan3A_73 = arith.constant 0 : i32
    %scan3A_74 = arith.constant 8 : i32
    %scan3A_75 = arith.addi %scan3A_73, %scan3A_74 : i32
    %scan3A_76 = arith.constant 1 : i32
    scf.for %scan3A_190 = %scan3A_73 to %scan3A_75 step %scan3A_76  : i32 {
      %mul3A_191 = arith.constant 2 : i32
      %mul3A_192 = arith.muli %scan3A_190, %mul3A_191 : i32
      %add3A_193 = arith.constant 0 : i32
      %add3A_194 = arith.addi %add3A_193, %mul3A_192 : i32
      %add3A_195 = arith.constant 0 : i32
      %add3A_196 = arith.addi %add3A_194, %add3A_195 : i32
      %dma_wait3A_197 = arith.constant 0 : i32
      %dma_wait3A_198 = tpu.memref_slice %arg7[%add3A_196, %dma_wait3A_197] : memref<16x128xi32, #tpu.memory_space<vmem>> -> memref<1x128xi32, #tpu.memory_space<vmem>>
      %dma_wait3A_199 = tpu.memref_squeeze %dma_wait3A_198 : memref<1x128xi32, #tpu.memory_space<vmem>> -> memref<128xi32, #tpu.memory_space<vmem>>
      %dma_wait3A_200 = arith.constant 0 : i32
      %dma_wait3A_201 = arith.constant 0 : i32
      %dma_wait3A_202 = tpu.memref_slice %arg2[%dma_wait3A_200, %dma_wait3A_201] : memref<10240x128xf32, #tpu.memory_space<hbm>> -> memref<10240x128xf32, #tpu.memory_space<hbm>>
      tpu.wait_indirect_dma semaphore(%arg12 : memref<!tpu.dma_semaphore, #tpu.memory_space<semaphore_mem>>) src(%dma_wait3A_202 : memref<10240x128xf32, #tpu.memory_space<hbm>>) dst(%arg10 : memref<128x128xf32, #tpu.memory_space<vmem>>)
      %add3A_203 = arith.constant 0 : i32
      %add3A_204 = arith.addi %add3A_194, %add3A_203 : i32
      "tpu.region"() ({
        %run_scoped3A = tpu.sem_alloc : memref<!tpu.dma_semaphore, #tpu.memory_space<semaphore_mem>>
        %dma_start3A_230 = arith.constant 0 : i32
        %dma_start3A_231 = tpu.memref_slice %arg9[%add3A_204, %dma_start3A_230] : memref<16x128xi32, #tpu.memory_space<vmem>> -> memref<1x128xi32, #tpu.memory_space<vmem>>
        %dma_start3A_232 = tpu.memref_squeeze %dma_start3A_231 : memref<1x128xi32, #tpu.memory_space<vmem>> -> memref<128xi32, #tpu.memory_space<vmem>>
        %dma_start3A_233 = arith.constant 0 : i32
        %dma_start3A_234 = arith.constant 0 : i32
        %dma_start3A_235 = tpu.memref_slice %arg18[%dma_start3A_233, %dma_start3A_234] : memref<10240x128xf32, #tpu.memory_space<vmem_shared>> -> memref<10240x128xf32, #tpu.memory_space<vmem_shared>>
        tpu.enqueue_indirect_dma source(%arg10 : memref<128x128xf32, #tpu.memory_space<vmem>>) target(%dma_start3A_235 : memref<10240x128xf32, #tpu.memory_space<vmem_shared>>) offsets(%dma_start3A_232 : memref<128xi32, #tpu.memory_space<vmem>>) semaphore(%run_scoped3A : memref<!tpu.dma_semaphore, #tpu.memory_space<semaphore_mem>>) {add = true}
        %dma_wait3A_236 = arith.constant 0 : i32
        %dma_wait3A_237 = tpu.memref_slice %arg9[%add3A_204, %dma_wait3A_236] : memref<16x128xi32, #tpu.memory_space<vmem>> -> memref<1x128xi32, #tpu.memory_space<vmem>>
        %dma_wait3A_238 = tpu.memref_squeeze %dma_wait3A_237 : memref<1x128xi32, #tpu.memory_space<vmem>> -> memref<128xi32, #tpu.memory_space<vmem>>
        %dma_wait3A_239 = arith.constant 0 : i32
        %dma_wait3A_240 = arith.constant 0 : i32
        %dma_wait3A_241 = tpu.memref_slice %arg18[%dma_wait3A_239, %dma_wait3A_240] : memref<10240x128xf32, #tpu.memory_space<vmem_shared>> -> memref<10240x128xf32, #tpu.memory_space<vmem_shared>>
        tpu.wait_indirect_dma semaphore(%run_scoped3A : memref<!tpu.dma_semaphore, #tpu.memory_space<semaphore_mem>>) src(%arg10 : memref<128x128xf32, #tpu.memory_space<vmem>>) dst(%dma_wait3A_241 : memref<10240x128xf32, #tpu.memory_space<vmem_shared>>)
        tpu.yield
      }) : () -> ()
      %add3A_205 = arith.constant 0 : i32
      %add3A_206 = arith.addi %add3A_194, %add3A_205 : i32
      %add3A_207 = arith.constant 2 : i32
      %add3A_208 = arith.addi %add3A_206, %add3A_207 : i32
      %lt3A = arith.constant 16 : i32
      %lt3A_209 = arith.cmpi slt, %add3A_208, %lt3A : i32
      %convert_element_type3A = arith.extui %lt3A_209 : i1 to i32
      %cond3A = arith.constant 0 : i32
      %cond3A_210 = arith.cmpi ne, %convert_element_type3A, %cond3A : i32
      scf.if %cond3A_210 {
        %add3A_230 = arith.constant 0 : i32
        %add3A_231 = arith.addi %add3A_194, %add3A_230 : i32
        %add3A_232 = arith.constant 2 : i32
        %add3A_233 = arith.addi %add3A_231, %add3A_232 : i32
        %dma_start3A_234 = arith.constant 0 : i32
        %dma_start3A_235 = tpu.memref_slice %arg7[%add3A_233, %dma_start3A_234] : memref<16x128xi32, #tpu.memory_space<vmem>> -> memref<1x128xi32, #tpu.memory_space<vmem>>
        %dma_start3A_236 = tpu.memref_squeeze %dma_start3A_235 : memref<1x128xi32, #tpu.memory_space<vmem>> -> memref<128xi32, #tpu.memory_space<vmem>>
        %dma_start3A_237 = arith.constant 0 : i32
        %dma_start3A_238 = arith.constant 0 : i32
        %dma_start3A_239 = tpu.memref_slice %arg2[%dma_start3A_237, %dma_start3A_238] : memref<10240x128xf32, #tpu.memory_space<hbm>> -> memref<10240x128xf32, #tpu.memory_space<hbm>>
        tpu.enqueue_indirect_dma source(%dma_start3A_239 : memref<10240x128xf32, #tpu.memory_space<hbm>>) target(%arg10 : memref<128x128xf32, #tpu.memory_space<vmem>>) offsets(%dma_start3A_236 : memref<128xi32, #tpu.memory_space<vmem>>) semaphore(%arg12 : memref<!tpu.dma_semaphore, #tpu.memory_space<semaphore_mem>>)
      } else {
      }
      %add3A_211 = arith.constant 1 : i32
      %add3A_212 = arith.addi %add3A_194, %add3A_211 : i32
      %dma_wait3A_213 = arith.constant 0 : i32
      %dma_wait3A_214 = tpu.memref_slice %arg7[%add3A_212, %dma_wait3A_213] : memref<16x128xi32, #tpu.memory_space<vmem>> -> memref<1x128xi32, #tpu.memory_space<vmem>>
      %dma_wait3A_215 = tpu.memref_squeeze %dma_wait3A_214 : memref<1x128xi32, #tpu.memory_space<vmem>> -> memref<128xi32, #tpu.memory_space<vmem>>
      %dma_wait3A_216 = arith.constant 0 : i32
      %dma_wait3A_217 = arith.constant 0 : i32
      %dma_wait3A_218 = tpu.memref_slice %arg2[%dma_wait3A_216, %dma_wait3A_217] : memref<10240x128xf32, #tpu.memory_space<hbm>> -> memref<10240x128xf32, #tpu.memory_space<hbm>>
      tpu.wait_indirect_dma semaphore(%arg13 : memref<!tpu.dma_semaphore, #tpu.memory_space<semaphore_mem>>) src(%dma_wait3A_218 : memref<10240x128xf32, #tpu.memory_space<hbm>>) dst(%arg11 : memref<128x128xf32, #tpu.memory_space<vmem>>)
      %add3A_219 = arith.constant 1 : i32
      %add3A_220 = arith.addi %add3A_194, %add3A_219 : i32
      "tpu.region"() ({
        %run_scoped3A = tpu.sem_alloc : memref<!tpu.dma_semaphore, #tpu.memory_space<semaphore_mem>>
        %dma_start3A_230 = arith.constant 0 : i32
        %dma_start3A_231 = tpu.memref_slice %arg9[%add3A_220, %dma_start3A_230] : memref<16x128xi32, #tpu.memory_space<vmem>> -> memref<1x128xi32, #tpu.memory_space<vmem>>
        %dma_start3A_232 = tpu.memref_squeeze %dma_start3A_231 : memref<1x128xi32, #tpu.memory_space<vmem>> -> memref<128xi32, #tpu.memory_space<vmem>>
        %dma_start3A_233 = arith.constant 0 : i32
        %dma_start3A_234 = arith.constant 0 : i32
        %dma_start3A_235 = tpu.memref_slice %arg18[%dma_start3A_233, %dma_start3A_234] : memref<10240x128xf32, #tpu.memory_space<vmem_shared>> -> memref<10240x128xf32, #tpu.memory_space<vmem_shared>>
        tpu.enqueue_indirect_dma source(%arg11 : memref<128x128xf32, #tpu.memory_space<vmem>>) target(%dma_start3A_235 : memref<10240x128xf32, #tpu.memory_space<vmem_shared>>) offsets(%dma_start3A_232 : memref<128xi32, #tpu.memory_space<vmem>>) semaphore(%run_scoped3A : memref<!tpu.dma_semaphore, #tpu.memory_space<semaphore_mem>>) {add = true}
        %dma_wait3A_236 = arith.constant 0 : i32
        %dma_wait3A_237 = tpu.memref_slice %arg9[%add3A_220, %dma_wait3A_236] : memref<16x128xi32, #tpu.memory_space<vmem>> -> memref<1x128xi32, #tpu.memory_space<vmem>>
        %dma_wait3A_238 = tpu.memref_squeeze %dma_wait3A_237 : memref<1x128xi32, #tpu.memory_space<vmem>> -> memref<128xi32, #tpu.memory_space<vmem>>
        %dma_wait3A_239 = arith.constant 0 : i32
        %dma_wait3A_240 = arith.constant 0 : i32
        %dma_wait3A_241 = tpu.memref_slice %arg18[%dma_wait3A_239, %dma_wait3A_240] : memref<10240x128xf32, #tpu.memory_space<vmem_shared>> -> memref<10240x128xf32, #tpu.memory_space<vmem_shared>>
        tpu.wait_indirect_dma semaphore(%run_scoped3A : memref<!tpu.dma_semaphore, #tpu.memory_space<semaphore_mem>>) src(%arg11 : memref<128x128xf32, #tpu.memory_space<vmem>>) dst(%dma_wait3A_241 : memref<10240x128xf32, #tpu.memory_space<vmem_shared>>)
        tpu.yield
      }) : () -> ()
      %add3A_221 = arith.constant 1 : i32
      %add3A_222 = arith.addi %add3A_194, %add3A_221 : i32
      %add3A_223 = arith.constant 2 : i32
      %add3A_224 = arith.addi %add3A_222, %add3A_223 : i32
      %lt3A_225 = arith.constant 16 : i32
      %lt3A_226 = arith.cmpi slt, %add3A_224, %lt3A_225 : i32
      %convert_element_type3A_227 = arith.extui %lt3A_226 : i1 to i32
      %cond3A_228 = arith.constant 0 : i32
      %cond3A_229 = arith.cmpi ne, %convert_element_type3A_227, %cond3A_228 : i32
      scf.if %cond3A_229 {
        %add3A_230 = arith.constant 1 : i32
        %add3A_231 = arith.addi %add3A_194, %add3A_230 : i32
        %add3A_232 = arith.constant 2 : i32
        %add3A_233 = arith.addi %add3A_231, %add3A_232 : i32
        %dma_start3A_234 = arith.constant 0 : i32
        %dma_start3A_235 = tpu.memref_slice %arg7[%add3A_233, %dma_start3A_234] : memref<16x128xi32, #tpu.memory_space<vmem>> -> memref<1x128xi32, #tpu.memory_space<vmem>>
        %dma_start3A_236 = tpu.memref_squeeze %dma_start3A_235 : memref<1x128xi32, #tpu.memory_space<vmem>> -> memref<128xi32, #tpu.memory_space<vmem>>
        %dma_start3A_237 = arith.constant 0 : i32
        %dma_start3A_238 = arith.constant 0 : i32
        %dma_start3A_239 = tpu.memref_slice %arg2[%dma_start3A_237, %dma_start3A_238] : memref<10240x128xf32, #tpu.memory_space<hbm>> -> memref<10240x128xf32, #tpu.memory_space<hbm>>
        tpu.enqueue_indirect_dma source(%dma_start3A_239 : memref<10240x128xf32, #tpu.memory_space<hbm>>) target(%arg11 : memref<128x128xf32, #tpu.memory_space<vmem>>) offsets(%dma_start3A_236 : memref<128xi32, #tpu.memory_space<vmem>>) semaphore(%arg13 : memref<!tpu.dma_semaphore, #tpu.memory_space<semaphore_mem>>)
      } else {
      }
    }
    %scan3A_77 = arith.constant 8 : i32
    %add3A_78 = arith.constant 32 : i32
    %add3A_79 = arith.addi %mul3A_11, %add3A_78 : i32
    %dma_wait3A_80 = arith.constant 0 : i32
    %dma_wait3A_81 = tpu.memref_slice %arg3[%add3A_79, %dma_wait3A_80] : memref<2560x128xi32, #tpu.memory_space<hbm>> -> memref<16x128xi32, #tpu.memory_space<hbm>>
    %dma_wait3A_82 = arith.constant 0 : i32
    %dma_wait3A_83 = tpu.memref_slice %arg3[%add3A_79, %dma_wait3A_82] : memref<2560x128xi32, #tpu.memory_space<hbm>> -> memref<16x128xi32, #tpu.memory_space<hbm>>
    tpu.wait_dma2 semaphore(%arg16 : memref<!tpu.dma_semaphore, #tpu.memory_space<semaphore_mem>>) src(%dma_wait3A_83 : memref<16x128xi32, #tpu.memory_space<hbm>>) dst(%arg6 : memref<16x128xi32, #tpu.memory_space<vmem>>)
    %dma_wait3A_84 = arith.constant 0 : i32
    %dma_wait3A_85 = tpu.memref_slice %arg4[%add3A_79, %dma_wait3A_84] : memref<2560x128xi32, #tpu.memory_space<hbm>> -> memref<16x128xi32, #tpu.memory_space<hbm>>
    %dma_wait3A_86 = arith.constant 0 : i32
    %dma_wait3A_87 = tpu.memref_slice %arg4[%add3A_79, %dma_wait3A_86] : memref<2560x128xi32, #tpu.memory_space<hbm>> -> memref<16x128xi32, #tpu.memory_space<hbm>>
    tpu.wait_dma2 semaphore(%arg17 : memref<!tpu.dma_semaphore, #tpu.memory_space<semaphore_mem>>) src(%dma_wait3A_87 : memref<16x128xi32, #tpu.memory_space<hbm>>) dst(%arg8 : memref<16x128xi32, #tpu.memory_space<vmem>>)
    %dma_start3A_88 = arith.constant 0 : i32
    %dma_start3A_89 = arith.constant 0 : i32
    %dma_start3A_90 = tpu.memref_slice %arg6[%dma_start3A_88, %dma_start3A_89] : memref<16x128xi32, #tpu.memory_space<vmem>> -> memref<1x128xi32, #tpu.memory_space<vmem>>
    %dma_start3A_91 = tpu.memref_squeeze %dma_start3A_90 : memref<1x128xi32, #tpu.memory_space<vmem>> -> memref<128xi32, #tpu.memory_space<vmem>>
    %dma_start3A_92 = arith.constant 0 : i32
    %dma_start3A_93 = arith.constant 0 : i32
    %dma_start3A_94 = tpu.memref_slice %arg2[%dma_start3A_92, %dma_start3A_93] : memref<10240x128xf32, #tpu.memory_space<hbm>> -> memref<10240x128xf32, #tpu.memory_space<hbm>>
    tpu.enqueue_indirect_dma source(%dma_start3A_94 : memref<10240x128xf32, #tpu.memory_space<hbm>>) target(%arg10 : memref<128x128xf32, #tpu.memory_space<vmem>>) offsets(%dma_start3A_91 : memref<128xi32, #tpu.memory_space<vmem>>) semaphore(%arg12 : memref<!tpu.dma_semaphore, #tpu.memory_space<semaphore_mem>>)
    %dma_start3A_95 = arith.constant 1 : i32
    %dma_start3A_96 = arith.constant 0 : i32
    %dma_start3A_97 = tpu.memref_slice %arg6[%dma_start3A_95, %dma_start3A_96] : memref<16x128xi32, #tpu.memory_space<vmem>> -> memref<1x128xi32, #tpu.memory_space<vmem>>
    %dma_start3A_98 = tpu.memref_squeeze %dma_start3A_97 : memref<1x128xi32, #tpu.memory_space<vmem>> -> memref<128xi32, #tpu.memory_space<vmem>>
    %dma_start3A_99 = arith.constant 0 : i32
    %dma_start3A_100 = arith.constant 0 : i32
    %dma_start3A_101 = tpu.memref_slice %arg2[%dma_start3A_99, %dma_start3A_100] : memref<10240x128xf32, #tpu.memory_space<hbm>> -> memref<10240x128xf32, #tpu.memory_space<hbm>>
    tpu.enqueue_indirect_dma source(%dma_start3A_101 : memref<10240x128xf32, #tpu.memory_space<hbm>>) target(%arg11 : memref<128x128xf32, #tpu.memory_space<vmem>>) offsets(%dma_start3A_98 : memref<128xi32, #tpu.memory_space<vmem>>) semaphore(%arg13 : memref<!tpu.dma_semaphore, #tpu.memory_space<semaphore_mem>>)
    %add3A_102 = arith.constant 48 : i32
    %add3A_103 = arith.addi %mul3A_11, %add3A_102 : i32
    %dma_start3A_104 = arith.constant 0 : i32
    %dma_start3A_105 = tpu.memref_slice %arg3[%add3A_103, %dma_start3A_104] : memref<2560x128xi32, #tpu.memory_space<hbm>> -> memref<16x128xi32, #tpu.memory_space<hbm>>
    %dma_start3A_106 = arith.constant 0 : i32
    %dma_start3A_107 = tpu.memref_slice %arg3[%add3A_103, %dma_start3A_106] : memref<2560x128xi32, #tpu.memory_space<hbm>> -> memref<16x128xi32, #tpu.memory_space<hbm>>
    tpu.enqueue_dma source(%dma_start3A_107 : memref<16x128xi32, #tpu.memory_space<hbm>>) target(%arg7 : memref<16x128xi32, #tpu.memory_space<vmem>>) target_semaphore(%arg16 : memref<!tpu.dma_semaphore, #tpu.memory_space<semaphore_mem>>)
    %dma_start3A_108 = arith.constant 0 : i32
    %dma_start3A_109 = tpu.memref_slice %arg4[%add3A_103, %dma_start3A_108] : memref<2560x128xi32, #tpu.memory_space<hbm>> -> memref<16x128xi32, #tpu.memory_space<hbm>>
    %dma_start3A_110 = arith.constant 0 : i32
    %dma_start3A_111 = tpu.memref_slice %arg4[%add3A_103, %dma_start3A_110] : memref<2560x128xi32, #tpu.memory_space<hbm>> -> memref<16x128xi32, #tpu.memory_space<hbm>>
    tpu.enqueue_dma source(%dma_start3A_111 : memref<16x128xi32, #tpu.memory_space<hbm>>) target(%arg9 : memref<16x128xi32, #tpu.memory_space<vmem>>) target_semaphore(%arg17 : memref<!tpu.dma_semaphore, #tpu.memory_space<semaphore_mem>>)
    %scan3A_112 = arith.constant 0 : i32
    %scan3A_113 = arith.constant 8 : i32
    %scan3A_114 = arith.addi %scan3A_112, %scan3A_113 : i32
    %scan3A_115 = arith.constant 1 : i32
    scf.for %scan3A_190 = %scan3A_112 to %scan3A_114 step %scan3A_115  : i32 {
      %mul3A_191 = arith.constant 2 : i32
      %mul3A_192 = arith.muli %scan3A_190, %mul3A_191 : i32
      %add3A_193 = arith.constant 0 : i32
      %add3A_194 = arith.addi %add3A_193, %mul3A_192 : i32
      %add3A_195 = arith.constant 0 : i32
      %add3A_196 = arith.addi %add3A_194, %add3A_195 : i32
      %dma_wait3A_197 = arith.constant 0 : i32
      %dma_wait3A_198 = tpu.memref_slice %arg6[%add3A_196, %dma_wait3A_197] : memref<16x128xi32, #tpu.memory_space<vmem>> -> memref<1x128xi32, #tpu.memory_space<vmem>>
      %dma_wait3A_199 = tpu.memref_squeeze %dma_wait3A_198 : memref<1x128xi32, #tpu.memory_space<vmem>> -> memref<128xi32, #tpu.memory_space<vmem>>
      %dma_wait3A_200 = arith.constant 0 : i32
      %dma_wait3A_201 = arith.constant 0 : i32
      %dma_wait3A_202 = tpu.memref_slice %arg2[%dma_wait3A_200, %dma_wait3A_201] : memref<10240x128xf32, #tpu.memory_space<hbm>> -> memref<10240x128xf32, #tpu.memory_space<hbm>>
      tpu.wait_indirect_dma semaphore(%arg12 : memref<!tpu.dma_semaphore, #tpu.memory_space<semaphore_mem>>) src(%dma_wait3A_202 : memref<10240x128xf32, #tpu.memory_space<hbm>>) dst(%arg10 : memref<128x128xf32, #tpu.memory_space<vmem>>)
      %add3A_203 = arith.constant 0 : i32
      %add3A_204 = arith.addi %add3A_194, %add3A_203 : i32
      "tpu.region"() ({
        %run_scoped3A = tpu.sem_alloc : memref<!tpu.dma_semaphore, #tpu.memory_space<semaphore_mem>>
        %dma_start3A_230 = arith.constant 0 : i32
        %dma_start3A_231 = tpu.memref_slice %arg8[%add3A_204, %dma_start3A_230] : memref<16x128xi32, #tpu.memory_space<vmem>> -> memref<1x128xi32, #tpu.memory_space<vmem>>
        %dma_start3A_232 = tpu.memref_squeeze %dma_start3A_231 : memref<1x128xi32, #tpu.memory_space<vmem>> -> memref<128xi32, #tpu.memory_space<vmem>>
        %dma_start3A_233 = arith.constant 0 : i32
        %dma_start3A_234 = arith.constant 0 : i32
        %dma_start3A_235 = tpu.memref_slice %arg18[%dma_start3A_233, %dma_start3A_234] : memref<10240x128xf32, #tpu.memory_space<vmem_shared>> -> memref<10240x128xf32, #tpu.memory_space<vmem_shared>>
        tpu.enqueue_indirect_dma source(%arg10 : memref<128x128xf32, #tpu.memory_space<vmem>>) target(%dma_start3A_235 : memref<10240x128xf32, #tpu.memory_space<vmem_shared>>) offsets(%dma_start3A_232 : memref<128xi32, #tpu.memory_space<vmem>>) semaphore(%run_scoped3A : memref<!tpu.dma_semaphore, #tpu.memory_space<semaphore_mem>>) {add = true}
        %dma_wait3A_236 = arith.constant 0 : i32
        %dma_wait3A_237 = tpu.memref_slice %arg8[%add3A_204, %dma_wait3A_236] : memref<16x128xi32, #tpu.memory_space<vmem>> -> memref<1x128xi32, #tpu.memory_space<vmem>>
        %dma_wait3A_238 = tpu.memref_squeeze %dma_wait3A_237 : memref<1x128xi32, #tpu.memory_space<vmem>> -> memref<128xi32, #tpu.memory_space<vmem>>
        %dma_wait3A_239 = arith.constant 0 : i32
        %dma_wait3A_240 = arith.constant 0 : i32
        %dma_wait3A_241 = tpu.memref_slice %arg18[%dma_wait3A_239, %dma_wait3A_240] : memref<10240x128xf32, #tpu.memory_space<vmem_shared>> -> memref<10240x128xf32, #tpu.memory_space<vmem_shared>>
        tpu.wait_indirect_dma semaphore(%run_scoped3A : memref<!tpu.dma_semaphore, #tpu.memory_space<semaphore_mem>>) src(%arg10 : memref<128x128xf32, #tpu.memory_space<vmem>>) dst(%dma_wait3A_241 : memref<10240x128xf32, #tpu.memory_space<vmem_shared>>)
        tpu.yield
      }) : () -> ()
      %add3A_205 = arith.constant 0 : i32
      %add3A_206 = arith.addi %add3A_194, %add3A_205 : i32
      %add3A_207 = arith.constant 2 : i32
      %add3A_208 = arith.addi %add3A_206, %add3A_207 : i32
      %lt3A = arith.constant 16 : i32
      %lt3A_209 = arith.cmpi slt, %add3A_208, %lt3A : i32
      %convert_element_type3A = arith.extui %lt3A_209 : i1 to i32
      %cond3A = arith.constant 0 : i32
      %cond3A_210 = arith.cmpi ne, %convert_element_type3A, %cond3A : i32
      scf.if %cond3A_210 {
        %add3A_230 = arith.constant 0 : i32
        %add3A_231 = arith.addi %add3A_194, %add3A_230 : i32
        %add3A_232 = arith.constant 2 : i32
        %add3A_233 = arith.addi %add3A_231, %add3A_232 : i32
        %dma_start3A_234 = arith.constant 0 : i32
        %dma_start3A_235 = tpu.memref_slice %arg6[%add3A_233, %dma_start3A_234] : memref<16x128xi32, #tpu.memory_space<vmem>> -> memref<1x128xi32, #tpu.memory_space<vmem>>
        %dma_start3A_236 = tpu.memref_squeeze %dma_start3A_235 : memref<1x128xi32, #tpu.memory_space<vmem>> -> memref<128xi32, #tpu.memory_space<vmem>>
        %dma_start3A_237 = arith.constant 0 : i32
        %dma_start3A_238 = arith.constant 0 : i32
        %dma_start3A_239 = tpu.memref_slice %arg2[%dma_start3A_237, %dma_start3A_238] : memref<10240x128xf32, #tpu.memory_space<hbm>> -> memref<10240x128xf32, #tpu.memory_space<hbm>>
        tpu.enqueue_indirect_dma source(%dma_start3A_239 : memref<10240x128xf32, #tpu.memory_space<hbm>>) target(%arg10 : memref<128x128xf32, #tpu.memory_space<vmem>>) offsets(%dma_start3A_236 : memref<128xi32, #tpu.memory_space<vmem>>) semaphore(%arg12 : memref<!tpu.dma_semaphore, #tpu.memory_space<semaphore_mem>>)
      } else {
      }
      %add3A_211 = arith.constant 1 : i32
      %add3A_212 = arith.addi %add3A_194, %add3A_211 : i32
      %dma_wait3A_213 = arith.constant 0 : i32
      %dma_wait3A_214 = tpu.memref_slice %arg6[%add3A_212, %dma_wait3A_213] : memref<16x128xi32, #tpu.memory_space<vmem>> -> memref<1x128xi32, #tpu.memory_space<vmem>>
      %dma_wait3A_215 = tpu.memref_squeeze %dma_wait3A_214 : memref<1x128xi32, #tpu.memory_space<vmem>> -> memref<128xi32, #tpu.memory_space<vmem>>
      %dma_wait3A_216 = arith.constant 0 : i32
      %dma_wait3A_217 = arith.constant 0 : i32
      %dma_wait3A_218 = tpu.memref_slice %arg2[%dma_wait3A_216, %dma_wait3A_217] : memref<10240x128xf32, #tpu.memory_space<hbm>> -> memref<10240x128xf32, #tpu.memory_space<hbm>>
      tpu.wait_indirect_dma semaphore(%arg13 : memref<!tpu.dma_semaphore, #tpu.memory_space<semaphore_mem>>) src(%dma_wait3A_218 : memref<10240x128xf32, #tpu.memory_space<hbm>>) dst(%arg11 : memref<128x128xf32, #tpu.memory_space<vmem>>)
      %add3A_219 = arith.constant 1 : i32
      %add3A_220 = arith.addi %add3A_194, %add3A_219 : i32
      "tpu.region"() ({
        %run_scoped3A = tpu.sem_alloc : memref<!tpu.dma_semaphore, #tpu.memory_space<semaphore_mem>>
        %dma_start3A_230 = arith.constant 0 : i32
        %dma_start3A_231 = tpu.memref_slice %arg8[%add3A_220, %dma_start3A_230] : memref<16x128xi32, #tpu.memory_space<vmem>> -> memref<1x128xi32, #tpu.memory_space<vmem>>
        %dma_start3A_232 = tpu.memref_squeeze %dma_start3A_231 : memref<1x128xi32, #tpu.memory_space<vmem>> -> memref<128xi32, #tpu.memory_space<vmem>>
        %dma_start3A_233 = arith.constant 0 : i32
        %dma_start3A_234 = arith.constant 0 : i32
        %dma_start3A_235 = tpu.memref_slice %arg18[%dma_start3A_233, %dma_start3A_234] : memref<10240x128xf32, #tpu.memory_space<vmem_shared>> -> memref<10240x128xf32, #tpu.memory_space<vmem_shared>>
        tpu.enqueue_indirect_dma source(%arg11 : memref<128x128xf32, #tpu.memory_space<vmem>>) target(%dma_start3A_235 : memref<10240x128xf32, #tpu.memory_space<vmem_shared>>) offsets(%dma_start3A_232 : memref<128xi32, #tpu.memory_space<vmem>>) semaphore(%run_scoped3A : memref<!tpu.dma_semaphore, #tpu.memory_space<semaphore_mem>>) {add = true}
        %dma_wait3A_236 = arith.constant 0 : i32
        %dma_wait3A_237 = tpu.memref_slice %arg8[%add3A_220, %dma_wait3A_236] : memref<16x128xi32, #tpu.memory_space<vmem>> -> memref<1x128xi32, #tpu.memory_space<vmem>>
        %dma_wait3A_238 = tpu.memref_squeeze %dma_wait3A_237 : memref<1x128xi32, #tpu.memory_space<vmem>> -> memref<128xi32, #tpu.memory_space<vmem>>
        %dma_wait3A_239 = arith.constant 0 : i32
        %dma_wait3A_240 = arith.constant 0 : i32
        %dma_wait3A_241 = tpu.memref_slice %arg18[%dma_wait3A_239, %dma_wait3A_240] : memref<10240x128xf32, #tpu.memory_space<vmem_shared>> -> memref<10240x128xf32, #tpu.memory_space<vmem_shared>>
        tpu.wait_indirect_dma semaphore(%run_scoped3A : memref<!tpu.dma_semaphore, #tpu.memory_space<semaphore_mem>>) src(%arg11 : memref<128x128xf32, #tpu.memory_space<vmem>>) dst(%dma_wait3A_241 : memref<10240x128xf32, #tpu.memory_space<vmem_shared>>)
        tpu.yield
      }) : () -> ()
      %add3A_221 = arith.constant 1 : i32
      %add3A_222 = arith.addi %add3A_194, %add3A_221 : i32
      %add3A_223 = arith.constant 2 : i32
      %add3A_224 = arith.addi %add3A_222, %add3A_223 : i32
      %lt3A_225 = arith.constant 16 : i32
      %lt3A_226 = arith.cmpi slt, %add3A_224, %lt3A_225 : i32
      %convert_element_type3A_227 = arith.extui %lt3A_226 : i1 to i32
      %cond3A_228 = arith.constant 0 : i32
      %cond3A_229 = arith.cmpi ne, %convert_element_type3A_227, %cond3A_228 : i32
      scf.if %cond3A_229 {
        %add3A_230 = arith.constant 1 : i32
        %add3A_231 = arith.addi %add3A_194, %add3A_230 : i32
        %add3A_232 = arith.constant 2 : i32
        %add3A_233 = arith.addi %add3A_231, %add3A_232 : i32
        %dma_start3A_234 = arith.constant 0 : i32
        %dma_start3A_235 = tpu.memref_slice %arg6[%add3A_233, %dma_start3A_234] : memref<16x128xi32, #tpu.memory_space<vmem>> -> memref<1x128xi32, #tpu.memory_space<vmem>>
        %dma_start3A_236 = tpu.memref_squeeze %dma_start3A_235 : memref<1x128xi32, #tpu.memory_space<vmem>> -> memref<128xi32, #tpu.memory_space<vmem>>
        %dma_start3A_237 = arith.constant 0 : i32
        %dma_start3A_238 = arith.constant 0 : i32
        %dma_start3A_239 = tpu.memref_slice %arg2[%dma_start3A_237, %dma_start3A_238] : memref<10240x128xf32, #tpu.memory_space<hbm>> -> memref<10240x128xf32, #tpu.memory_space<hbm>>
        tpu.enqueue_indirect_dma source(%dma_start3A_239 : memref<10240x128xf32, #tpu.memory_space<hbm>>) target(%arg11 : memref<128x128xf32, #tpu.memory_space<vmem>>) offsets(%dma_start3A_236 : memref<128xi32, #tpu.memory_space<vmem>>) semaphore(%arg13 : memref<!tpu.dma_semaphore, #tpu.memory_space<semaphore_mem>>)
      } else {
      }
    }
    %scan3A_116 = arith.constant 8 : i32
    %add3A_117 = arith.constant 48 : i32
    %add3A_118 = arith.addi %mul3A_11, %add3A_117 : i32
    %dma_wait3A_119 = arith.constant 0 : i32
    %dma_wait3A_120 = tpu.memref_slice %arg3[%add3A_118, %dma_wait3A_119] : memref<2560x128xi32, #tpu.memory_space<hbm>> -> memref<16x128xi32, #tpu.memory_space<hbm>>
    %dma_wait3A_121 = arith.constant 0 : i32
    %dma_wait3A_122 = tpu.memref_slice %arg3[%add3A_118, %dma_wait3A_121] : memref<2560x128xi32, #tpu.memory_space<hbm>> -> memref<16x128xi32, #tpu.memory_space<hbm>>
    tpu.wait_dma2 semaphore(%arg16 : memref<!tpu.dma_semaphore, #tpu.memory_space<semaphore_mem>>) src(%dma_wait3A_122 : memref<16x128xi32, #tpu.memory_space<hbm>>) dst(%arg7 : memref<16x128xi32, #tpu.memory_space<vmem>>)
    %dma_wait3A_123 = arith.constant 0 : i32
    %dma_wait3A_124 = tpu.memref_slice %arg4[%add3A_118, %dma_wait3A_123] : memref<2560x128xi32, #tpu.memory_space<hbm>> -> memref<16x128xi32, #tpu.memory_space<hbm>>
    %dma_wait3A_125 = arith.constant 0 : i32
    %dma_wait3A_126 = tpu.memref_slice %arg4[%add3A_118, %dma_wait3A_125] : memref<2560x128xi32, #tpu.memory_space<hbm>> -> memref<16x128xi32, #tpu.memory_space<hbm>>
    tpu.wait_dma2 semaphore(%arg17 : memref<!tpu.dma_semaphore, #tpu.memory_space<semaphore_mem>>) src(%dma_wait3A_126 : memref<16x128xi32, #tpu.memory_space<hbm>>) dst(%arg9 : memref<16x128xi32, #tpu.memory_space<vmem>>)
    %dma_start3A_127 = arith.constant 0 : i32
    %dma_start3A_128 = arith.constant 0 : i32
    %dma_start3A_129 = tpu.memref_slice %arg7[%dma_start3A_127, %dma_start3A_128] : memref<16x128xi32, #tpu.memory_space<vmem>> -> memref<1x128xi32, #tpu.memory_space<vmem>>
    %dma_start3A_130 = tpu.memref_squeeze %dma_start3A_129 : memref<1x128xi32, #tpu.memory_space<vmem>> -> memref<128xi32, #tpu.memory_space<vmem>>
    %dma_start3A_131 = arith.constant 0 : i32
    %dma_start3A_132 = arith.constant 0 : i32
    %dma_start3A_133 = tpu.memref_slice %arg2[%dma_start3A_131, %dma_start3A_132] : memref<10240x128xf32, #tpu.memory_space<hbm>> -> memref<10240x128xf32, #tpu.memory_space<hbm>>
    tpu.enqueue_indirect_dma source(%dma_start3A_133 : memref<10240x128xf32, #tpu.memory_space<hbm>>) target(%arg10 : memref<128x128xf32, #tpu.memory_space<vmem>>) offsets(%dma_start3A_130 : memref<128xi32, #tpu.memory_space<vmem>>) semaphore(%arg12 : memref<!tpu.dma_semaphore, #tpu.memory_space<semaphore_mem>>)
    %dma_start3A_134 = arith.constant 1 : i32
    %dma_start3A_135 = arith.constant 0 : i32
    %dma_start3A_136 = tpu.memref_slice %arg7[%dma_start3A_134, %dma_start3A_135] : memref<16x128xi32, #tpu.memory_space<vmem>> -> memref<1x128xi32, #tpu.memory_space<vmem>>
    %dma_start3A_137 = tpu.memref_squeeze %dma_start3A_136 : memref<1x128xi32, #tpu.memory_space<vmem>> -> memref<128xi32, #tpu.memory_space<vmem>>
    %dma_start3A_138 = arith.constant 0 : i32
    %dma_start3A_139 = arith.constant 0 : i32
    %dma_start3A_140 = tpu.memref_slice %arg2[%dma_start3A_138, %dma_start3A_139] : memref<10240x128xf32, #tpu.memory_space<hbm>> -> memref<10240x128xf32, #tpu.memory_space<hbm>>
    tpu.enqueue_indirect_dma source(%dma_start3A_140 : memref<10240x128xf32, #tpu.memory_space<hbm>>) target(%arg11 : memref<128x128xf32, #tpu.memory_space<vmem>>) offsets(%dma_start3A_137 : memref<128xi32, #tpu.memory_space<vmem>>) semaphore(%arg13 : memref<!tpu.dma_semaphore, #tpu.memory_space<semaphore_mem>>)
    %add3A_141 = arith.constant 64 : i32
    %add3A_142 = arith.addi %mul3A_11, %add3A_141 : i32
    %dma_start3A_143 = arith.constant 0 : i32
    %dma_start3A_144 = tpu.memref_slice %arg3[%add3A_142, %dma_start3A_143] : memref<2560x128xi32, #tpu.memory_space<hbm>> -> memref<16x128xi32, #tpu.memory_space<hbm>>
    %dma_start3A_145 = arith.constant 0 : i32
    %dma_start3A_146 = tpu.memref_slice %arg3[%add3A_142, %dma_start3A_145] : memref<2560x128xi32, #tpu.memory_space<hbm>> -> memref<16x128xi32, #tpu.memory_space<hbm>>
    tpu.enqueue_dma source(%dma_start3A_146 : memref<16x128xi32, #tpu.memory_space<hbm>>) target(%arg6 : memref<16x128xi32, #tpu.memory_space<vmem>>) target_semaphore(%arg16 : memref<!tpu.dma_semaphore, #tpu.memory_space<semaphore_mem>>)
    %dma_start3A_147 = arith.constant 0 : i32
    %dma_start3A_148 = tpu.memref_slice %arg4[%add3A_142, %dma_start3A_147] : memref<2560x128xi32, #tpu.memory_space<hbm>> -> memref<16x128xi32, #tpu.memory_space<hbm>>
    %dma_start3A_149 = arith.constant 0 : i32
    %dma_start3A_150 = tpu.memref_slice %arg4[%add3A_142, %dma_start3A_149] : memref<2560x128xi32, #tpu.memory_space<hbm>> -> memref<16x128xi32, #tpu.memory_space<hbm>>
    tpu.enqueue_dma source(%dma_start3A_150 : memref<16x128xi32, #tpu.memory_space<hbm>>) target(%arg8 : memref<16x128xi32, #tpu.memory_space<vmem>>) target_semaphore(%arg17 : memref<!tpu.dma_semaphore, #tpu.memory_space<semaphore_mem>>)
    %scan3A_151 = arith.constant 0 : i32
    %scan3A_152 = arith.constant 8 : i32
    %scan3A_153 = arith.addi %scan3A_151, %scan3A_152 : i32
    %scan3A_154 = arith.constant 1 : i32
    scf.for %scan3A_190 = %scan3A_151 to %scan3A_153 step %scan3A_154  : i32 {
      %mul3A_191 = arith.constant 2 : i32
      %mul3A_192 = arith.muli %scan3A_190, %mul3A_191 : i32
      %add3A_193 = arith.constant 0 : i32
      %add3A_194 = arith.addi %add3A_193, %mul3A_192 : i32
      %add3A_195 = arith.constant 0 : i32
      %add3A_196 = arith.addi %add3A_194, %add3A_195 : i32
      %dma_wait3A_197 = arith.constant 0 : i32
      %dma_wait3A_198 = tpu.memref_slice %arg7[%add3A_196, %dma_wait3A_197] : memref<16x128xi32, #tpu.memory_space<vmem>> -> memref<1x128xi32, #tpu.memory_space<vmem>>
      %dma_wait3A_199 = tpu.memref_squeeze %dma_wait3A_198 : memref<1x128xi32, #tpu.memory_space<vmem>> -> memref<128xi32, #tpu.memory_space<vmem>>
      %dma_wait3A_200 = arith.constant 0 : i32
      %dma_wait3A_201 = arith.constant 0 : i32
      %dma_wait3A_202 = tpu.memref_slice %arg2[%dma_wait3A_200, %dma_wait3A_201] : memref<10240x128xf32, #tpu.memory_space<hbm>> -> memref<10240x128xf32, #tpu.memory_space<hbm>>
      tpu.wait_indirect_dma semaphore(%arg12 : memref<!tpu.dma_semaphore, #tpu.memory_space<semaphore_mem>>) src(%dma_wait3A_202 : memref<10240x128xf32, #tpu.memory_space<hbm>>) dst(%arg10 : memref<128x128xf32, #tpu.memory_space<vmem>>)
      %add3A_203 = arith.constant 0 : i32
      %add3A_204 = arith.addi %add3A_194, %add3A_203 : i32
      "tpu.region"() ({
        %run_scoped3A = tpu.sem_alloc : memref<!tpu.dma_semaphore, #tpu.memory_space<semaphore_mem>>
        %dma_start3A_230 = arith.constant 0 : i32
        %dma_start3A_231 = tpu.memref_slice %arg9[%add3A_204, %dma_start3A_230] : memref<16x128xi32, #tpu.memory_space<vmem>> -> memref<1x128xi32, #tpu.memory_space<vmem>>
        %dma_start3A_232 = tpu.memref_squeeze %dma_start3A_231 : memref<1x128xi32, #tpu.memory_space<vmem>> -> memref<128xi32, #tpu.memory_space<vmem>>
        %dma_start3A_233 = arith.constant 0 : i32
        %dma_start3A_234 = arith.constant 0 : i32
        %dma_start3A_235 = tpu.memref_slice %arg18[%dma_start3A_233, %dma_start3A_234] : memref<10240x128xf32, #tpu.memory_space<vmem_shared>> -> memref<10240x128xf32, #tpu.memory_space<vmem_shared>>
        tpu.enqueue_indirect_dma source(%arg10 : memref<128x128xf32, #tpu.memory_space<vmem>>) target(%dma_start3A_235 : memref<10240x128xf32, #tpu.memory_space<vmem_shared>>) offsets(%dma_start3A_232 : memref<128xi32, #tpu.memory_space<vmem>>) semaphore(%run_scoped3A : memref<!tpu.dma_semaphore, #tpu.memory_space<semaphore_mem>>) {add = true}
        %dma_wait3A_236 = arith.constant 0 : i32
        %dma_wait3A_237 = tpu.memref_slice %arg9[%add3A_204, %dma_wait3A_236] : memref<16x128xi32, #tpu.memory_space<vmem>> -> memref<1x128xi32, #tpu.memory_space<vmem>>
        %dma_wait3A_238 = tpu.memref_squeeze %dma_wait3A_237 : memref<1x128xi32, #tpu.memory_space<vmem>> -> memref<128xi32, #tpu.memory_space<vmem>>
        %dma_wait3A_239 = arith.constant 0 : i32
        %dma_wait3A_240 = arith.constant 0 : i32
        %dma_wait3A_241 = tpu.memref_slice %arg18[%dma_wait3A_239, %dma_wait3A_240] : memref<10240x128xf32, #tpu.memory_space<vmem_shared>> -> memref<10240x128xf32, #tpu.memory_space<vmem_shared>>
        tpu.wait_indirect_dma semaphore(%run_scoped3A : memref<!tpu.dma_semaphore, #tpu.memory_space<semaphore_mem>>) src(%arg10 : memref<128x128xf32, #tpu.memory_space<vmem>>) dst(%dma_wait3A_241 : memref<10240x128xf32, #tpu.memory_space<vmem_shared>>)
        tpu.yield
      }) : () -> ()
      %add3A_205 = arith.constant 0 : i32
      %add3A_206 = arith.addi %add3A_194, %add3A_205 : i32
      %add3A_207 = arith.constant 2 : i32
      %add3A_208 = arith.addi %add3A_206, %add3A_207 : i32
      %lt3A = arith.constant 16 : i32
      %lt3A_209 = arith.cmpi slt, %add3A_208, %lt3A : i32
      %convert_element_type3A = arith.extui %lt3A_209 : i1 to i32
      %cond3A = arith.constant 0 : i32
      %cond3A_210 = arith.cmpi ne, %convert_element_type3A, %cond3A : i32
      scf.if %cond3A_210 {
        %add3A_230 = arith.constant 0 : i32
        %add3A_231 = arith.addi %add3A_194, %add3A_230 : i32
        %add3A_232 = arith.constant 2 : i32
        %add3A_233 = arith.addi %add3A_231, %add3A_232 : i32
        %dma_start3A_234 = arith.constant 0 : i32
        %dma_start3A_235 = tpu.memref_slice %arg7[%add3A_233, %dma_start3A_234] : memref<16x128xi32, #tpu.memory_space<vmem>> -> memref<1x128xi32, #tpu.memory_space<vmem>>
        %dma_start3A_236 = tpu.memref_squeeze %dma_start3A_235 : memref<1x128xi32, #tpu.memory_space<vmem>> -> memref<128xi32, #tpu.memory_space<vmem>>
        %dma_start3A_237 = arith.constant 0 : i32
        %dma_start3A_238 = arith.constant 0 : i32
        %dma_start3A_239 = tpu.memref_slice %arg2[%dma_start3A_237, %dma_start3A_238] : memref<10240x128xf32, #tpu.memory_space<hbm>> -> memref<10240x128xf32, #tpu.memory_space<hbm>>
        tpu.enqueue_indirect_dma source(%dma_start3A_239 : memref<10240x128xf32, #tpu.memory_space<hbm>>) target(%arg10 : memref<128x128xf32, #tpu.memory_space<vmem>>) offsets(%dma_start3A_236 : memref<128xi32, #tpu.memory_space<vmem>>) semaphore(%arg12 : memref<!tpu.dma_semaphore, #tpu.memory_space<semaphore_mem>>)
      } else {
      }
      %add3A_211 = arith.constant 1 : i32
      %add3A_212 = arith.addi %add3A_194, %add3A_211 : i32
      %dma_wait3A_213 = arith.constant 0 : i32
      %dma_wait3A_214 = tpu.memref_slice %arg7[%add3A_212, %dma_wait3A_213] : memref<16x128xi32, #tpu.memory_space<vmem>> -> memref<1x128xi32, #tpu.memory_space<vmem>>
      %dma_wait3A_215 = tpu.memref_squeeze %dma_wait3A_214 : memref<1x128xi32, #tpu.memory_space<vmem>> -> memref<128xi32, #tpu.memory_space<vmem>>
      %dma_wait3A_216 = arith.constant 0 : i32
      %dma_wait3A_217 = arith.constant 0 : i32
      %dma_wait3A_218 = tpu.memref_slice %arg2[%dma_wait3A_216, %dma_wait3A_217] : memref<10240x128xf32, #tpu.memory_space<hbm>> -> memref<10240x128xf32, #tpu.memory_space<hbm>>
      tpu.wait_indirect_dma semaphore(%arg13 : memref<!tpu.dma_semaphore, #tpu.memory_space<semaphore_mem>>) src(%dma_wait3A_218 : memref<10240x128xf32, #tpu.memory_space<hbm>>) dst(%arg11 : memref<128x128xf32, #tpu.memory_space<vmem>>)
      %add3A_219 = arith.constant 1 : i32
      %add3A_220 = arith.addi %add3A_194, %add3A_219 : i32
      "tpu.region"() ({
        %run_scoped3A = tpu.sem_alloc : memref<!tpu.dma_semaphore, #tpu.memory_space<semaphore_mem>>
        %dma_start3A_230 = arith.constant 0 : i32
        %dma_start3A_231 = tpu.memref_slice %arg9[%add3A_220, %dma_start3A_230] : memref<16x128xi32, #tpu.memory_space<vmem>> -> memref<1x128xi32, #tpu.memory_space<vmem>>
        %dma_start3A_232 = tpu.memref_squeeze %dma_start3A_231 : memref<1x128xi32, #tpu.memory_space<vmem>> -> memref<128xi32, #tpu.memory_space<vmem>>
        %dma_start3A_233 = arith.constant 0 : i32
        %dma_start3A_234 = arith.constant 0 : i32
        %dma_start3A_235 = tpu.memref_slice %arg18[%dma_start3A_233, %dma_start3A_234] : memref<10240x128xf32, #tpu.memory_space<vmem_shared>> -> memref<10240x128xf32, #tpu.memory_space<vmem_shared>>
        tpu.enqueue_indirect_dma source(%arg11 : memref<128x128xf32, #tpu.memory_space<vmem>>) target(%dma_start3A_235 : memref<10240x128xf32, #tpu.memory_space<vmem_shared>>) offsets(%dma_start3A_232 : memref<128xi32, #tpu.memory_space<vmem>>) semaphore(%run_scoped3A : memref<!tpu.dma_semaphore, #tpu.memory_space<semaphore_mem>>) {add = true}
        %dma_wait3A_236 = arith.constant 0 : i32
        %dma_wait3A_237 = tpu.memref_slice %arg9[%add3A_220, %dma_wait3A_236] : memref<16x128xi32, #tpu.memory_space<vmem>> -> memref<1x128xi32, #tpu.memory_space<vmem>>
        %dma_wait3A_238 = tpu.memref_squeeze %dma_wait3A_237 : memref<1x128xi32, #tpu.memory_space<vmem>> -> memref<128xi32, #tpu.memory_space<vmem>>
        %dma_wait3A_239 = arith.constant 0 : i32
        %dma_wait3A_240 = arith.constant 0 : i32
        %dma_wait3A_241 = tpu.memref_slice %arg18[%dma_wait3A_239, %dma_wait3A_240] : memref<10240x128xf32, #tpu.memory_space<vmem_shared>> -> memref<10240x128xf32, #tpu.memory_space<vmem_shared>>
        tpu.wait_indirect_dma semaphore(%run_scoped3A : memref<!tpu.dma_semaphore, #tpu.memory_space<semaphore_mem>>) src(%arg11 : memref<128x128xf32, #tpu.memory_space<vmem>>) dst(%dma_wait3A_241 : memref<10240x128xf32, #tpu.memory_space<vmem_shared>>)
        tpu.yield
      }) : () -> ()
      %add3A_221 = arith.constant 1 : i32
      %add3A_222 = arith.addi %add3A_194, %add3A_221 : i32
      %add3A_223 = arith.constant 2 : i32
      %add3A_224 = arith.addi %add3A_222, %add3A_223 : i32
      %lt3A_225 = arith.constant 16 : i32
      %lt3A_226 = arith.cmpi slt, %add3A_224, %lt3A_225 : i32
      %convert_element_type3A_227 = arith.extui %lt3A_226 : i1 to i32
      %cond3A_228 = arith.constant 0 : i32
      %cond3A_229 = arith.cmpi ne, %convert_element_type3A_227, %cond3A_228 : i32
      scf.if %cond3A_229 {
        %add3A_230 = arith.constant 1 : i32
        %add3A_231 = arith.addi %add3A_194, %add3A_230 : i32
        %add3A_232 = arith.constant 2 : i32
        %add3A_233 = arith.addi %add3A_231, %add3A_232 : i32
        %dma_start3A_234 = arith.constant 0 : i32
        %dma_start3A_235 = tpu.memref_slice %arg7[%add3A_233, %dma_start3A_234] : memref<16x128xi32, #tpu.memory_space<vmem>> -> memref<1x128xi32, #tpu.memory_space<vmem>>
        %dma_start3A_236 = tpu.memref_squeeze %dma_start3A_235 : memref<1x128xi32, #tpu.memory_space<vmem>> -> memref<128xi32, #tpu.memory_space<vmem>>
        %dma_start3A_237 = arith.constant 0 : i32
        %dma_start3A_238 = arith.constant 0 : i32
        %dma_start3A_239 = tpu.memref_slice %arg2[%dma_start3A_237, %dma_start3A_238] : memref<10240x128xf32, #tpu.memory_space<hbm>> -> memref<10240x128xf32, #tpu.memory_space<hbm>>
        tpu.enqueue_indirect_dma source(%dma_start3A_239 : memref<10240x128xf32, #tpu.memory_space<hbm>>) target(%arg11 : memref<128x128xf32, #tpu.memory_space<vmem>>) offsets(%dma_start3A_236 : memref<128xi32, #tpu.memory_space<vmem>>) semaphore(%arg13 : memref<!tpu.dma_semaphore, #tpu.memory_space<semaphore_mem>>)
      } else {
      }
    }
    %scan3A_155 = arith.constant 8 : i32
    %add3A_156 = arith.constant 64 : i32
    %add3A_157 = arith.addi %mul3A_11, %add3A_156 : i32
    %dma_wait3A_158 = arith.constant 0 : i32
    %dma_wait3A_159 = tpu.memref_slice %arg3[%add3A_157, %dma_wait3A_158] : memref<2560x128xi32, #tpu.memory_space<hbm>> -> memref<16x128xi32, #tpu.memory_space<hbm>>
    %dma_wait3A_160 = arith.constant 0 : i32
    %dma_wait3A_161 = tpu.memref_slice %arg3[%add3A_157, %dma_wait3A_160] : memref<2560x128xi32, #tpu.memory_space<hbm>> -> memref<16x128xi32, #tpu.memory_space<hbm>>
    tpu.wait_dma2 semaphore(%arg16 : memref<!tpu.dma_semaphore, #tpu.memory_space<semaphore_mem>>) src(%dma_wait3A_161 : memref<16x128xi32, #tpu.memory_space<hbm>>) dst(%arg6 : memref<16x128xi32, #tpu.memory_space<vmem>>)
    %dma_wait3A_162 = arith.constant 0 : i32
    %dma_wait3A_163 = tpu.memref_slice %arg4[%add3A_157, %dma_wait3A_162] : memref<2560x128xi32, #tpu.memory_space<hbm>> -> memref<16x128xi32, #tpu.memory_space<hbm>>
    %dma_wait3A_164 = arith.constant 0 : i32
    %dma_wait3A_165 = tpu.memref_slice %arg4[%add3A_157, %dma_wait3A_164] : memref<2560x128xi32, #tpu.memory_space<hbm>> -> memref<16x128xi32, #tpu.memory_space<hbm>>
    tpu.wait_dma2 semaphore(%arg17 : memref<!tpu.dma_semaphore, #tpu.memory_space<semaphore_mem>>) src(%dma_wait3A_165 : memref<16x128xi32, #tpu.memory_space<hbm>>) dst(%arg8 : memref<16x128xi32, #tpu.memory_space<vmem>>)
    %dma_start3A_166 = arith.constant 0 : i32
    %dma_start3A_167 = arith.constant 0 : i32
    %dma_start3A_168 = tpu.memref_slice %arg6[%dma_start3A_166, %dma_start3A_167] : memref<16x128xi32, #tpu.memory_space<vmem>> -> memref<1x128xi32, #tpu.memory_space<vmem>>
    %dma_start3A_169 = tpu.memref_squeeze %dma_start3A_168 : memref<1x128xi32, #tpu.memory_space<vmem>> -> memref<128xi32, #tpu.memory_space<vmem>>
    %dma_start3A_170 = arith.constant 0 : i32
    %dma_start3A_171 = arith.constant 0 : i32
    %dma_start3A_172 = tpu.memref_slice %arg2[%dma_start3A_170, %dma_start3A_171] : memref<10240x128xf32, #tpu.memory_space<hbm>> -> memref<10240x128xf32, #tpu.memory_space<hbm>>
    tpu.enqueue_indirect_dma source(%dma_start3A_172 : memref<10240x128xf32, #tpu.memory_space<hbm>>) target(%arg10 : memref<128x128xf32, #tpu.memory_space<vmem>>) offsets(%dma_start3A_169 : memref<128xi32, #tpu.memory_space<vmem>>) semaphore(%arg12 : memref<!tpu.dma_semaphore, #tpu.memory_space<semaphore_mem>>)
    %dma_start3A_173 = arith.constant 1 : i32
    %dma_start3A_174 = arith.constant 0 : i32
    %dma_start3A_175 = tpu.memref_slice %arg6[%dma_start3A_173, %dma_start3A_174] : memref<16x128xi32, #tpu.memory_space<vmem>> -> memref<1x128xi32, #tpu.memory_space<vmem>>
    %dma_start3A_176 = tpu.memref_squeeze %dma_start3A_175 : memref<1x128xi32, #tpu.memory_space<vmem>> -> memref<128xi32, #tpu.memory_space<vmem>>
    %dma_start3A_177 = arith.constant 0 : i32
    %dma_start3A_178 = arith.constant 0 : i32
    %dma_start3A_179 = tpu.memref_slice %arg2[%dma_start3A_177, %dma_start3A_178] : memref<10240x128xf32, #tpu.memory_space<hbm>> -> memref<10240x128xf32, #tpu.memory_space<hbm>>
    tpu.enqueue_indirect_dma source(%dma_start3A_179 : memref<10240x128xf32, #tpu.memory_space<hbm>>) target(%arg11 : memref<128x128xf32, #tpu.memory_space<vmem>>) offsets(%dma_start3A_176 : memref<128xi32, #tpu.memory_space<vmem>>) semaphore(%arg13 : memref<!tpu.dma_semaphore, #tpu.memory_space<semaphore_mem>>)
    %scan3A_180 = arith.constant 0 : i32
    %scan3A_181 = arith.constant 8 : i32
    %scan3A_182 = arith.addi %scan3A_180, %scan3A_181 : i32
    %scan3A_183 = arith.constant 1 : i32
    scf.for %scan3A_190 = %scan3A_180 to %scan3A_182 step %scan3A_183  : i32 {
      %mul3A_191 = arith.constant 2 : i32
      %mul3A_192 = arith.muli %scan3A_190, %mul3A_191 : i32
      %add3A_193 = arith.constant 0 : i32
      %add3A_194 = arith.addi %add3A_193, %mul3A_192 : i32
      %add3A_195 = arith.constant 0 : i32
      %add3A_196 = arith.addi %add3A_194, %add3A_195 : i32
      %dma_wait3A_197 = arith.constant 0 : i32
      %dma_wait3A_198 = tpu.memref_slice %arg6[%add3A_196, %dma_wait3A_197] : memref<16x128xi32, #tpu.memory_space<vmem>> -> memref<1x128xi32, #tpu.memory_space<vmem>>
      %dma_wait3A_199 = tpu.memref_squeeze %dma_wait3A_198 : memref<1x128xi32, #tpu.memory_space<vmem>> -> memref<128xi32, #tpu.memory_space<vmem>>
      %dma_wait3A_200 = arith.constant 0 : i32
      %dma_wait3A_201 = arith.constant 0 : i32
      %dma_wait3A_202 = tpu.memref_slice %arg2[%dma_wait3A_200, %dma_wait3A_201] : memref<10240x128xf32, #tpu.memory_space<hbm>> -> memref<10240x128xf32, #tpu.memory_space<hbm>>
      tpu.wait_indirect_dma semaphore(%arg12 : memref<!tpu.dma_semaphore, #tpu.memory_space<semaphore_mem>>) src(%dma_wait3A_202 : memref<10240x128xf32, #tpu.memory_space<hbm>>) dst(%arg10 : memref<128x128xf32, #tpu.memory_space<vmem>>)
      %add3A_203 = arith.constant 0 : i32
      %add3A_204 = arith.addi %add3A_194, %add3A_203 : i32
      "tpu.region"() ({
        %run_scoped3A = tpu.sem_alloc : memref<!tpu.dma_semaphore, #tpu.memory_space<semaphore_mem>>
        %dma_start3A_230 = arith.constant 0 : i32
        %dma_start3A_231 = tpu.memref_slice %arg8[%add3A_204, %dma_start3A_230] : memref<16x128xi32, #tpu.memory_space<vmem>> -> memref<1x128xi32, #tpu.memory_space<vmem>>
        %dma_start3A_232 = tpu.memref_squeeze %dma_start3A_231 : memref<1x128xi32, #tpu.memory_space<vmem>> -> memref<128xi32, #tpu.memory_space<vmem>>
        %dma_start3A_233 = arith.constant 0 : i32
        %dma_start3A_234 = arith.constant 0 : i32
        %dma_start3A_235 = tpu.memref_slice %arg18[%dma_start3A_233, %dma_start3A_234] : memref<10240x128xf32, #tpu.memory_space<vmem_shared>> -> memref<10240x128xf32, #tpu.memory_space<vmem_shared>>
        tpu.enqueue_indirect_dma source(%arg10 : memref<128x128xf32, #tpu.memory_space<vmem>>) target(%dma_start3A_235 : memref<10240x128xf32, #tpu.memory_space<vmem_shared>>) offsets(%dma_start3A_232 : memref<128xi32, #tpu.memory_space<vmem>>) semaphore(%run_scoped3A : memref<!tpu.dma_semaphore, #tpu.memory_space<semaphore_mem>>) {add = true}
        %dma_wait3A_236 = arith.constant 0 : i32
        %dma_wait3A_237 = tpu.memref_slice %arg8[%add3A_204, %dma_wait3A_236] : memref<16x128xi32, #tpu.memory_space<vmem>> -> memref<1x128xi32, #tpu.memory_space<vmem>>
        %dma_wait3A_238 = tpu.memref_squeeze %dma_wait3A_237 : memref<1x128xi32, #tpu.memory_space<vmem>> -> memref<128xi32, #tpu.memory_space<vmem>>
        %dma_wait3A_239 = arith.constant 0 : i32
        %dma_wait3A_240 = arith.constant 0 : i32
        %dma_wait3A_241 = tpu.memref_slice %arg18[%dma_wait3A_239, %dma_wait3A_240] : memref<10240x128xf32, #tpu.memory_space<vmem_shared>> -> memref<10240x128xf32, #tpu.memory_space<vmem_shared>>
        tpu.wait_indirect_dma semaphore(%run_scoped3A : memref<!tpu.dma_semaphore, #tpu.memory_space<semaphore_mem>>) src(%arg10 : memref<128x128xf32, #tpu.memory_space<vmem>>) dst(%dma_wait3A_241 : memref<10240x128xf32, #tpu.memory_space<vmem_shared>>)
        tpu.yield
      }) : () -> ()
      %add3A_205 = arith.constant 0 : i32
      %add3A_206 = arith.addi %add3A_194, %add3A_205 : i32
      %add3A_207 = arith.constant 2 : i32
      %add3A_208 = arith.addi %add3A_206, %add3A_207 : i32
      %lt3A = arith.constant 16 : i32
      %lt3A_209 = arith.cmpi slt, %add3A_208, %lt3A : i32
      %convert_element_type3A = arith.extui %lt3A_209 : i1 to i32
      %cond3A = arith.constant 0 : i32
      %cond3A_210 = arith.cmpi ne, %convert_element_type3A, %cond3A : i32
      scf.if %cond3A_210 {
        %add3A_230 = arith.constant 0 : i32
        %add3A_231 = arith.addi %add3A_194, %add3A_230 : i32
        %add3A_232 = arith.constant 2 : i32
        %add3A_233 = arith.addi %add3A_231, %add3A_232 : i32
        %dma_start3A_234 = arith.constant 0 : i32
        %dma_start3A_235 = tpu.memref_slice %arg6[%add3A_233, %dma_start3A_234] : memref<16x128xi32, #tpu.memory_space<vmem>> -> memref<1x128xi32, #tpu.memory_space<vmem>>
        %dma_start3A_236 = tpu.memref_squeeze %dma_start3A_235 : memref<1x128xi32, #tpu.memory_space<vmem>> -> memref<128xi32, #tpu.memory_space<vmem>>
        %dma_start3A_237 = arith.constant 0 : i32
        %dma_start3A_238 = arith.constant 0 : i32
        %dma_start3A_239 = tpu.memref_slice %arg2[%dma_start3A_237, %dma_start3A_238] : memref<10240x128xf32, #tpu.memory_space<hbm>> -> memref<10240x128xf32, #tpu.memory_space<hbm>>
        tpu.enqueue_indirect_dma source(%dma_start3A_239 : memref<10240x128xf32, #tpu.memory_space<hbm>>) target(%arg10 : memref<128x128xf32, #tpu.memory_space<vmem>>) offsets(%dma_start3A_236 : memref<128xi32, #tpu.memory_space<vmem>>) semaphore(%arg12 : memref<!tpu.dma_semaphore, #tpu.memory_space<semaphore_mem>>)
      } else {
      }
      %add3A_211 = arith.constant 1 : i32
      %add3A_212 = arith.addi %add3A_194, %add3A_211 : i32
      %dma_wait3A_213 = arith.constant 0 : i32
      %dma_wait3A_214 = tpu.memref_slice %arg6[%add3A_212, %dma_wait3A_213] : memref<16x128xi32, #tpu.memory_space<vmem>> -> memref<1x128xi32, #tpu.memory_space<vmem>>
      %dma_wait3A_215 = tpu.memref_squeeze %dma_wait3A_214 : memref<1x128xi32, #tpu.memory_space<vmem>> -> memref<128xi32, #tpu.memory_space<vmem>>
      %dma_wait3A_216 = arith.constant 0 : i32
      %dma_wait3A_217 = arith.constant 0 : i32
      %dma_wait3A_218 = tpu.memref_slice %arg2[%dma_wait3A_216, %dma_wait3A_217] : memref<10240x128xf32, #tpu.memory_space<hbm>> -> memref<10240x128xf32, #tpu.memory_space<hbm>>
      tpu.wait_indirect_dma semaphore(%arg13 : memref<!tpu.dma_semaphore, #tpu.memory_space<semaphore_mem>>) src(%dma_wait3A_218 : memref<10240x128xf32, #tpu.memory_space<hbm>>) dst(%arg11 : memref<128x128xf32, #tpu.memory_space<vmem>>)
      %add3A_219 = arith.constant 1 : i32
      %add3A_220 = arith.addi %add3A_194, %add3A_219 : i32
      "tpu.region"() ({
        %run_scoped3A = tpu.sem_alloc : memref<!tpu.dma_semaphore, #tpu.memory_space<semaphore_mem>>
        %dma_start3A_230 = arith.constant 0 : i32
        %dma_start3A_231 = tpu.memref_slice %arg8[%add3A_220, %dma_start3A_230] : memref<16x128xi32, #tpu.memory_space<vmem>> -> memref<1x128xi32, #tpu.memory_space<vmem>>
        %dma_start3A_232 = tpu.memref_squeeze %dma_start3A_231 : memref<1x128xi32, #tpu.memory_space<vmem>> -> memref<128xi32, #tpu.memory_space<vmem>>
        %dma_start3A_233 = arith.constant 0 : i32
        %dma_start3A_234 = arith.constant 0 : i32
        %dma_start3A_235 = tpu.memref_slice %arg18[%dma_start3A_233, %dma_start3A_234] : memref<10240x128xf32, #tpu.memory_space<vmem_shared>> -> memref<10240x128xf32, #tpu.memory_space<vmem_shared>>
        tpu.enqueue_indirect_dma source(%arg11 : memref<128x128xf32, #tpu.memory_space<vmem>>) target(%dma_start3A_235 : memref<10240x128xf32, #tpu.memory_space<vmem_shared>>) offsets(%dma_start3A_232 : memref<128xi32, #tpu.memory_space<vmem>>) semaphore(%run_scoped3A : memref<!tpu.dma_semaphore, #tpu.memory_space<semaphore_mem>>) {add = true}
        %dma_wait3A_236 = arith.constant 0 : i32
        %dma_wait3A_237 = tpu.memref_slice %arg8[%add3A_220, %dma_wait3A_236] : memref<16x128xi32, #tpu.memory_space<vmem>> -> memref<1x128xi32, #tpu.memory_space<vmem>>
        %dma_wait3A_238 = tpu.memref_squeeze %dma_wait3A_237 : memref<1x128xi32, #tpu.memory_space<vmem>> -> memref<128xi32, #tpu.memory_space<vmem>>
        %dma_wait3A_239 = arith.constant 0 : i32
        %dma_wait3A_240 = arith.constant 0 : i32
        %dma_wait3A_241 = tpu.memref_slice %arg18[%dma_wait3A_239, %dma_wait3A_240] : memref<10240x128xf32, #tpu.memory_space<vmem_shared>> -> memref<10240x128xf32, #tpu.memory_space<vmem_shared>>
        tpu.wait_indirect_dma semaphore(%run_scoped3A : memref<!tpu.dma_semaphore, #tpu.memory_space<semaphore_mem>>) src(%arg11 : memref<128x128xf32, #tpu.memory_space<vmem>>) dst(%dma_wait3A_241 : memref<10240x128xf32, #tpu.memory_space<vmem_shared>>)
        tpu.yield
      }) : () -> ()
      %add3A_221 = arith.constant 1 : i32
      %add3A_222 = arith.addi %add3A_194, %add3A_221 : i32
      %add3A_223 = arith.constant 2 : i32
      %add3A_224 = arith.addi %add3A_222, %add3A_223 : i32
      %lt3A_225 = arith.constant 16 : i32
      %lt3A_226 = arith.cmpi slt, %add3A_224, %lt3A_225 : i32
      %convert_element_type3A_227 = arith.extui %lt3A_226 : i1 to i32
      %cond3A_228 = arith.constant 0 : i32
      %cond3A_229 = arith.cmpi ne, %convert_element_type3A_227, %cond3A_228 : i32
      scf.if %cond3A_229 {
        %add3A_230 = arith.constant 1 : i32
        %add3A_231 = arith.addi %add3A_194, %add3A_230 : i32
        %add3A_232 = arith.constant 2 : i32
        %add3A_233 = arith.addi %add3A_231, %add3A_232 : i32
        %dma_start3A_234 = arith.constant 0 : i32
        %dma_start3A_235 = tpu.memref_slice %arg6[%add3A_233, %dma_start3A_234] : memref<16x128xi32, #tpu.memory_space<vmem>> -> memref<1x128xi32, #tpu.memory_space<vmem>>
        %dma_start3A_236 = tpu.memref_squeeze %dma_start3A_235 : memref<1x128xi32, #tpu.memory_space<vmem>> -> memref<128xi32, #tpu.memory_space<vmem>>
        %dma_start3A_237 = arith.constant 0 : i32
        %dma_start3A_238 = arith.constant 0 : i32
        %dma_start3A_239 = tpu.memref_slice %arg2[%dma_start3A_237, %dma_start3A_238] : memref<10240x128xf32, #tpu.memory_space<hbm>> -> memref<10240x128xf32, #tpu.memory_space<hbm>>
        tpu.enqueue_indirect_dma source(%dma_start3A_239 : memref<10240x128xf32, #tpu.memory_space<hbm>>) target(%arg11 : memref<128x128xf32, #tpu.memory_space<vmem>>) offsets(%dma_start3A_236 : memref<128xi32, #tpu.memory_space<vmem>>) semaphore(%arg13 : memref<!tpu.dma_semaphore, #tpu.memory_space<semaphore_mem>>)
      } else {
      }
    }
    %scan3A_184 = arith.constant 8 : i32
    %barrier3A_185 = arith.constant 0 : index
    tpu.barrier barrier_id(%barrier3A_185)
    %mul3A_186 = arith.constant 640 : i32
    %mul3A_187 = arith.muli %arg1, %mul3A_186 : i32
    %mul3A_188 = arith.constant 640 : i32
    %mul3A_189 = arith.muli %arg1, %mul3A_188 : i32
    "tpu.region"() ({
      %run_scoped3A = tpu.sem_alloc : memref<!tpu.dma_semaphore, #tpu.memory_space<semaphore_mem>>
      %dma_start3A_190 = arith.constant 0 : i32
      %dma_start3A_191 = tpu.memref_slice %arg5[%arg0, %mul3A_189, %dma_start3A_190] : memref<2x10240x128xf32, #tpu.memory_space<hbm>> -> memref<1x640x128xf32, #tpu.memory_space<hbm>>
      %dma_start3A_192 = tpu.memref_squeeze %dma_start3A_191 : memref<1x640x128xf32, #tpu.memory_space<hbm>> -> memref<640x128xf32, #tpu.memory_space<hbm>>
      %dma_start3A_193 = arith.constant 0 : i32
      %dma_start3A_194 = tpu.memref_slice %arg18[%mul3A_187, %dma_start3A_193] : memref<10240x128xf32, #tpu.memory_space<vmem_shared>> -> memref<640x128xf32, #tpu.memory_space<vmem_shared>>
      tpu.enqueue_dma source(%dma_start3A_194 : memref<640x128xf32, #tpu.memory_space<vmem_shared>>) target(%dma_start3A_192 : memref<640x128xf32, #tpu.memory_space<hbm>>) target_semaphore(%run_scoped3A : memref<!tpu.dma_semaphore, #tpu.memory_space<semaphore_mem>>)
      %dma_wait3A_195 = arith.constant 0 : i32
      %dma_wait3A_196 = tpu.memref_slice %arg5[%arg0, %mul3A_189, %dma_wait3A_195] : memref<2x10240x128xf32, #tpu.memory_space<hbm>> -> memref<1x640x128xf32, #tpu.memory_space<hbm>>
      %dma_wait3A_197 = tpu.memref_squeeze %dma_wait3A_196 : memref<1x640x128xf32, #tpu.memory_space<hbm>> -> memref<640x128xf32, #tpu.memory_space<hbm>>
      %dma_wait3A_198 = arith.constant 0 : i32
      %dma_wait3A_199 = tpu.memref_slice %arg18[%mul3A_187, %dma_wait3A_198] : memref<10240x128xf32, #tpu.memory_space<vmem_shared>> -> memref<640x128xf32, #tpu.memory_space<vmem_shared>>
      tpu.wait_dma2 semaphore(%run_scoped3A : memref<!tpu.dma_semaphore, #tpu.memory_space<semaphore_mem>>) src(%dma_wait3A_199 : memref<640x128xf32, #tpu.memory_space<vmem_shared>>) dst(%dma_wait3A_197 : memref<640x128xf32, #tpu.memory_space<hbm>>)
      tpu.yield
    }) : () -> ()
    return
  }
}

module attributes {stable_mosaic.version = 14 : i64} {
  func.func @_prep_body(%arg0: i32, %arg1: memref<2x65536xi32, #tpu.memory_space<vmem>>, %arg2: memref<512x128xi32, #tpu.memory_space<vmem>>, %arg3: memref<512x128xi32, #tpu.memory_space<vmem>>) attributes {dimension_semantics = [#tpu.dimension_semantics<arbitrary>], iteration_bounds = array<i64: 5>, scalar_prefetch = 0 : i64, scratch_operands = 0 : i64, tpu.core_type = #tpu.core_type<tc>, window_params = [{transform_indices = @transform_0, window_bounds = array<i64: 2, 65536>}, {transform_indices = @transform_1, window_bounds = array<i64: 512, 128>}, {transform_indices = @transform_2, window_bounds = array<i64: 512, 128>}]} {
    %get3A = arith.constant 0 : index
    %get3A_0 = arith.constant 0 : index
    %get3A_1 = vector.load %arg1[%get3A, %get3A_0] : memref<2x65536xi32, #tpu.memory_space<vmem>>, vector<2x65536xi32>
    %iota3A = tpu.iota {dimensions = array<i32: 0>} : vector<512x128xi32>
    %mul3A = arith.constant 512 : i32
    %mul3A_2 = arith.muli %arg0, %mul3A : i32
    %add3A = vector.broadcast %mul3A_2 : i32 to vector<512x128xi32>
    %add3A_3 = arith.addi %iota3A, %add3A : vector<512x128xi32>
    %iota3A_4 = tpu.iota {dimensions = array<i32: 1>} : vector<512x128xi32>
    %add3A_5 = arith.constant 10000 : i32
    %add3A_6 = vector.broadcast %add3A_5 : i32 to vector<512x128xi32>
    %add3A_7 = arith.addi %add3A_6, %iota3A_4 : vector<512x128xi32>
    %lt3A = arith.constant 2500 : i32
    %lt3A_8 = vector.broadcast %lt3A : i32 to vector<512x128xi32>
    %lt3A_9 = arith.cmpi slt, %add3A_3, %lt3A_8 : vector<512x128xi32>
    %slice3A = vector.extract_strided_slice %get3A_1 {offsets = [0, 0], sizes = [1, 65536], strides = [1, 1]} : vector<2x65536xi32> to vector<1x65536xi32>
    %squeeze3A = vector.shape_cast %slice3A : vector<1x65536xi32> to vector<65536xi32>
    %reshape3A = vector.shape_cast %squeeze3A : vector<65536xi32> to vector<512x128xi32>
    %select_n3A = arith.select %lt3A_9, %reshape3A, %add3A_7 : vector<512x128xi1>, vector<512x128xi32>
    %swap3A = arith.constant 0 : index
    %swap3A_10 = arith.constant 0 : index
    %swap3A_11 = vector.load %arg2[%swap3A, %swap3A_10] : memref<512x128xi32, #tpu.memory_space<vmem>>, vector<512x128xi32>
    tpu.vector_store %arg2[%swap3A, %swap3A_10], %select_n3A {strides = array<i32>} : memref<512x128xi32, #tpu.memory_space<vmem>>, vector<512x128xi32>,
    %slice3A_12 = vector.extract_strided_slice %get3A_1 {offsets = [1, 0], sizes = [1, 65536], strides = [1, 1]} : vector<2x65536xi32> to vector<1x65536xi32>
    %squeeze3A_13 = vector.shape_cast %slice3A_12 : vector<1x65536xi32> to vector<65536xi32>
    %reshape3A_14 = vector.shape_cast %squeeze3A_13 : vector<65536xi32> to vector<512x128xi32>
    %select_n3A_15 = arith.select %lt3A_9, %reshape3A_14, %add3A_7 : vector<512x128xi1>, vector<512x128xi32>
    %swap3A_16 = arith.constant 0 : index
    %swap3A_17 = arith.constant 0 : index
    %swap3A_18 = vector.load %arg3[%swap3A_16, %swap3A_17] : memref<512x128xi32, #tpu.memory_space<vmem>>, vector<512x128xi32>
    tpu.vector_store %arg3[%swap3A_16, %swap3A_17], %select_n3A_15 {strides = array<i32>} : memref<512x128xi32, #tpu.memory_space<vmem>>, vector<512x128xi32>,
    return
  }
  func.func @transform_0(%arg0: i32) -> (i32, i32) {
    %c0_i32 = arith.constant 0 : i32
    %c0_i32_0 = arith.constant 0 : i32
    return %c0_i32, %arg0 : i32, i32
  }
  func.func @transform_1(%arg0: i32) -> (i32, i32) {
    %c0_i32 = arith.constant 0 : i32
    %c0_i32_0 = arith.constant 0 : i32
    return %arg0, %c0_i32 : i32, i32
  }
  func.func @transform_2(%arg0: i32) -> (i32, i32) {
    %c0_i32 = arith.constant 0 : i32
    %c0_i32_0 = arith.constant 0 : i32
    return %arg0, %c0_i32 : i32, i32
  }
}

module attributes {stable_mosaic.version = 14 : i64} {
  func.func @_mm_body(%arg0: i32, %arg1: memref<2048x128xf32, #tpu.memory_space<vmem>>, %arg2: memref<128x128xf32, #tpu.memory_space<vmem>>, %arg3: memref<2x2048xf32, #tpu.memory_space<vmem>>, %arg4: memref<2048x128xf32, #tpu.memory_space<vmem>>) attributes {dimension_semantics = [#tpu.dimension_semantics<arbitrary>], iteration_bounds = array<i64: 5>, scalar_prefetch = 0 : i64, scratch_operands = 0 : i64, tpu.core_type = #tpu.core_type<tc>, window_params = [{transform_indices = @transform_0, window_bounds = array<i64: 2048, 128>}, {pipeline_mode = #tpu.pipeline_mode<synchronous>, transform_indices = @transform_1, window_bounds = array<i64: 128, 128>}, {transform_indices = @transform_2, window_bounds = array<i64: 2, 2048>}, {transform_indices = @transform_3, window_bounds = array<i64: 2048, 128>}]} {
    %get3A = arith.constant 0 : index
    %get3A_0 = arith.constant 0 : index
    %get3A_1 = vector.load %arg3[%get3A, %get3A_0] : memref<2x2048xf32, #tpu.memory_space<vmem>>, vector<1x2048xf32>
    %get3A_2 = vector.shape_cast %get3A_1 : vector<1x2048xf32> to vector<2048xf32>
    %get3A_3 = arith.constant 1 : index
    %get3A_4 = arith.constant 0 : index
    %get3A_5 = vector.load %arg3[%get3A_3, %get3A_4] : memref<2x2048xf32, #tpu.memory_space<vmem>>, vector<1x2048xf32>
    %get3A_6 = vector.shape_cast %get3A_5 : vector<1x2048xf32> to vector<2048xf32>
    %add3A = arith.addf %get3A_2, %get3A_6 : vector<2048xf32>
    %add3A_7 = arith.constant 1.000000e+00 : f32
    %add3A_8 = vector.broadcast %add3A_7 : f32 to vector<2048xf32>
    %add3A_9 = arith.addf %add3A, %add3A_8 : vector<2048xf32>
    %rsqrt3A = math.rsqrt %add3A_9 : vector<2048xf32>
    %reshape3A = vector.shape_cast %rsqrt3A : vector<2048xf32> to vector<2048x1xf32>
    %get3A_10 = arith.constant 0 : index
    %get3A_11 = arith.constant 0 : index
    %get3A_12 = vector.load %arg1[%get3A_10, %get3A_11] : memref<2048x128xf32, #tpu.memory_space<vmem>>, vector<2048x128xf32>
    %get3A_13 = arith.constant 0 : index
    %get3A_14 = arith.constant 0 : index
    %get3A_15 = vector.load %arg2[%get3A_13, %get3A_14] : memref<128x128xf32, #tpu.memory_space<vmem>>, vector<128x128xf32>
    %dot_general3A = arith.constant dense<0.000000e+00> : vector<2048x128xf32>
    %dot_general3A_16 = tpu.matmul %get3A_12, %get3A_15, %dot_general3A {dimension_numbers = #tpu.dot_dimension_numbers<[1], [0], [0], [1], [0, 0, 1, 1], [], []>, transpose_lhs_hint = false} : vector<2048x128xf32>, vector<128x128xf32>, vector<2048x128xf32> -> vector<2048x128xf32>
    %mul3A = vector.broadcast %reshape3A : vector<2048x1xf32> to vector<2048x128xf32>
    %mul3A_17 = arith.mulf %dot_general3A_16, %mul3A : vector<2048x128xf32>
    %swap3A = arith.constant 0 : index
    %swap3A_18 = arith.constant 0 : index
    %swap3A_19 = vector.load %arg4[%swap3A, %swap3A_18] : memref<2048x128xf32, #tpu.memory_space<vmem>>, vector<2048x128xf32>
    tpu.vector_store %arg4[%swap3A, %swap3A_18], %mul3A_17 {strides = array<i32>} : memref<2048x128xf32, #tpu.memory_space<vmem>>, vector<2048x128xf32>,
    return
  }
  func.func @transform_0(%arg0: i32) -> (i32, i32) {
    %c0_i32 = arith.constant 0 : i32
    %c0_i32_0 = arith.constant 0 : i32
    return %arg0, %c0_i32 : i32, i32
  }
  func.func @transform_1(%arg0: i32) -> (i32, i32) {
    %c0_i32 = arith.constant 0 : i32
    %c0_i32_0 = arith.constant 0 : i32
    %c0_i32_1 = arith.constant 0 : i32
    return %c0_i32, %c0_i32_0 : i32, i32
  }
  func.func @transform_2(%arg0: i32) -> (i32, i32) {
    %c0_i32 = arith.constant 0 : i32
    %c0_i32_0 = arith.constant 0 : i32
    return %c0_i32, %arg0 : i32, i32
  }
  func.func @transform_3(%arg0: i32) -> (i32, i32) {
    %c0_i32 = arith.constant 0 : i32
    %c0_i32_0 = arith.constant 0 : i32
    return %arg0, %c0_i32 : i32, i32
  }
}

module attributes {stable_mosaic.version = 14 : i64} {
  func.func @_fin_body(%arg0: i32, %arg1: memref<2x2048x128xf32, #tpu.memory_space<vmem>>, %arg2: memref<2048x128xf32, #tpu.memory_space<vmem>>, %arg3: memref<2x2048xf32, #tpu.memory_space<vmem>>, %arg4: memref<1x128xf32, #tpu.memory_space<vmem>>, %arg5: memref<1x128xf32, #tpu.memory_space<vmem>>, %arg6: memref<1x1xf32, #tpu.memory_space<vmem>>, %arg7: memref<2048x1xf32, #tpu.memory_space<vmem>>) attributes {dimension_semantics = [#tpu.dimension_semantics<arbitrary>], iteration_bounds = array<i64: 5>, scalar_prefetch = 0 : i64, scratch_operands = 0 : i64, tpu.core_type = #tpu.core_type<tc>, window_params = [{transform_indices = @transform_0, window_bounds = array<i64: 2, 2048, 128>}, {transform_indices = @transform_1, window_bounds = array<i64: 2048, 128>}, {transform_indices = @transform_2, window_bounds = array<i64: 2, 2048>}, {pipeline_mode = #tpu.pipeline_mode<synchronous>, transform_indices = @transform_3, window_bounds = array<i64: 1, 128>}, {pipeline_mode = #tpu.pipeline_mode<synchronous>, transform_indices = @transform_4, window_bounds = array<i64: 1, 128>}, {pipeline_mode = #tpu.pipeline_mode<synchronous>, transform_indices = @transform_5, window_bounds = array<i64: 1, 1>}, {transform_indices = @transform_6, window_bounds = array<i64: 2048, 1>}]} {
    %get3A = arith.constant 0 : index
    %get3A_0 = arith.constant 0 : index
    %get3A_1 = vector.load %arg3[%get3A, %get3A_0] : memref<2x2048xf32, #tpu.memory_space<vmem>>, vector<1x2048xf32>
    %get3A_2 = vector.shape_cast %get3A_1 : vector<1x2048xf32> to vector<2048xf32>
    %get3A_3 = arith.constant 1 : index
    %get3A_4 = arith.constant 0 : index
    %get3A_5 = vector.load %arg3[%get3A_3, %get3A_4] : memref<2x2048xf32, #tpu.memory_space<vmem>>, vector<1x2048xf32>
    %get3A_6 = vector.shape_cast %get3A_5 : vector<1x2048xf32> to vector<2048xf32>
    %add3A = arith.addf %get3A_2, %get3A_6 : vector<2048xf32>
    %add3A_7 = arith.constant 1.000000e+00 : f32
    %add3A_8 = vector.broadcast %add3A_7 : f32 to vector<2048xf32>
    %add3A_9 = arith.addf %add3A, %add3A_8 : vector<2048xf32>
    %rsqrt3A = math.rsqrt %add3A_9 : vector<2048xf32>
    %reshape3A = vector.shape_cast %rsqrt3A : vector<2048xf32> to vector<2048x1xf32>
    %get3A_10 = arith.constant 0 : index
    %get3A_11 = arith.constant 0 : index
    %get3A_12 = arith.constant 0 : index
    %get3A_13 = vector.load %arg1[%get3A_10, %get3A_11, %get3A_12] : memref<2x2048x128xf32, #tpu.memory_space<vmem>>, vector<1x2048x128xf32>
    %get3A_14 = vector.shape_cast %get3A_13 : vector<1x2048x128xf32> to vector<2048x128xf32>
    %get3A_15 = arith.constant 1 : index
    %get3A_16 = arith.constant 0 : index
    %get3A_17 = arith.constant 0 : index
    %get3A_18 = vector.load %arg1[%get3A_15, %get3A_16, %get3A_17] : memref<2x2048x128xf32, #tpu.memory_space<vmem>>, vector<1x2048x128xf32>
    %get3A_19 = vector.shape_cast %get3A_18 : vector<1x2048x128xf32> to vector<2048x128xf32>
    %add3A_20 = arith.addf %get3A_14, %get3A_19 : vector<2048x128xf32>
    %get3A_21 = arith.constant 0 : index
    %get3A_22 = arith.constant 0 : index
    %get3A_23 = vector.load %arg2[%get3A_21, %get3A_22] : memref<2048x128xf32, #tpu.memory_space<vmem>>, vector<2048x128xf32>
    %add3A_24 = arith.addf %add3A_20, %get3A_23 : vector<2048x128xf32>
    %mul3A = vector.broadcast %reshape3A : vector<2048x1xf32> to vector<2048x128xf32>
    %mul3A_25 = arith.mulf %add3A_24, %mul3A : vector<2048x128xf32>
    %get3A_26 = arith.constant 0 : index
    %get3A_27 = arith.constant 0 : index
    %get3A_28 = vector.load %arg4[%get3A_26, %get3A_27] : memref<1x128xf32, #tpu.memory_space<vmem>>, vector<1x128xf32>
    %add3A_29 = vector.broadcast %get3A_28 : vector<1x128xf32> to vector<2048x128xf32>
    %add3A_30 = arith.addf %mul3A_25, %add3A_29 : vector<2048x128xf32>
    %max3A = arith.constant 0.000000e+00 : f32
    %max3A_31 = vector.broadcast %max3A : f32 to vector<2048x128xf32>
    %max3A_32 = arith.maximumf %add3A_30, %max3A_31 : vector<2048x128xf32>
    %get3A_33 = arith.constant 0 : index
    %get3A_34 = arith.constant 0 : index
    %get3A_35 = vector.load %arg5[%get3A_33, %get3A_34] : memref<1x128xf32, #tpu.memory_space<vmem>>, vector<1x128xf32>
    %mul3A_36 = vector.broadcast %get3A_35 : vector<1x128xf32> to vector<2048x128xf32>
    %mul3A_37 = arith.mulf %max3A_32, %mul3A_36 : vector<2048x128xf32>
    %reduce_sum3A = arith.constant dense<0.000000e+00> : vector<2048xf32>
    %reduce_sum3A_38 = vector.multi_reduction <add>, %mul3A_37, %reduce_sum3A [1] : vector<2048x128xf32> to vector<2048xf32>
    %broadcast_in_dim3A = vector.shape_cast %reduce_sum3A_38 : vector<2048xf32> to vector<2048x1xf32>
    %get3A_39 = arith.constant 0 : index
    %get3A_40 = arith.constant 0 : index
    %get3A_41 = vector.load %arg6[%get3A_39, %get3A_40] : memref<1x1xf32, #tpu.memory_space<vmem>>, vector<1x1xf32>
    %add3A_42 = vector.broadcast %get3A_41 : vector<1x1xf32> to vector<2048x1xf32>
    %add3A_43 = arith.addf %broadcast_in_dim3A, %add3A_42 : vector<2048x1xf32>
    %max3A_44 = arith.constant 0.000000e+00 : f32
    %max3A_45 = vector.broadcast %max3A_44 : f32 to vector<2048x1xf32>
    %max3A_46 = arith.maximumf %add3A_43, %max3A_45 : vector<2048x1xf32>
    %swap3A = arith.constant 0 : index
    %swap3A_47 = arith.constant 0 : index
    %swap3A_48 = vector.load %arg7[%swap3A, %swap3A_47] : memref<2048x1xf32, #tpu.memory_space<vmem>>, vector<2048x1xf32>
    tpu.vector_store %arg7[%swap3A, %swap3A_47], %max3A_46 {strides = array<i32>} : memref<2048x1xf32, #tpu.memory_space<vmem>>, vector<2048x1xf32>,
    return
  }
  func.func @transform_0(%arg0: i32) -> (i32, i32, i32) {
    %c0_i32 = arith.constant 0 : i32
    %c0_i32_0 = arith.constant 0 : i32
    %c0_i32_1 = arith.constant 0 : i32
    return %c0_i32, %arg0, %c0_i32_0 : i32, i32, i32
  }
  func.func @transform_1(%arg0: i32) -> (i32, i32) {
    %c0_i32 = arith.constant 0 : i32
    %c0_i32_0 = arith.constant 0 : i32
    return %arg0, %c0_i32 : i32, i32
  }
  func.func @transform_2(%arg0: i32) -> (i32, i32) {
    %c0_i32 = arith.constant 0 : i32
    %c0_i32_0 = arith.constant 0 : i32
    return %c0_i32, %arg0 : i32, i32
  }
  func.func @transform_3(%arg0: i32) -> (i32, i32) {
    %c0_i32 = arith.constant 0 : i32
    %c0_i32_0 = arith.constant 0 : i32
    %c0_i32_1 = arith.constant 0 : i32
    return %c0_i32, %c0_i32_0 : i32, i32
  }
  func.func @transform_4(%arg0: i32) -> (i32, i32) {
    %c0_i32 = arith.constant 0 : i32
    %c0_i32_0 = arith.constant 0 : i32
    %c0_i32_1 = arith.constant 0 : i32
    return %c0_i32, %c0_i32_0 : i32, i32
  }
  func.func @transform_5(%arg0: i32) -> (i32, i32) {
    %c0_i32 = arith.constant 0 : i32
    %c0_i32_0 = arith.constant 0 : i32
    %c0_i32_1 = arith.constant 0 : i32
    return %c0_i32, %c0_i32_0 : i32, i32
  }
  func.func @transform_6(%arg0: i32) -> (i32, i32) {
    %c0_i32 = arith.constant 0 : i32
    %c0_i32_0 = arith.constant 0 : i32
    return %arg0, %c0_i32 : i32, i32
  }
}

</mosaic_0001>

<sc_bundles>
// kernel: kernel.10.cloned.1.call-start
scs
__scs_entry_jumppad:
0x0: {  	(pc) =	sbr.rel $0x88, $3  }
0x1: {  	(tag) =	ssettag $0x0;
	lr =	simm.s32 $0x1  }
0x2: {  	[smem:$0x3F9B] =	sst lr;
	_ =	strace $0xD0000000  }
0x3: {  	_ = 	snop  }
0x4: {  	_ = 	snop  }
0x5: {  	_ = 	snop  }
0x6: {  	_ = 	snop  }
0x7: {  	_ = 	snop  }
__scs_overlays_trampoline_lowered:
0x8: {  	[smem:$0x3FAA] =	sst s0  }
0x9: {  	[smem:$0x3FAB] =	sst s1  }
0xa: {  	[smem:$0x3FAC] =	sst s2  }
0xb: {  	[smem:$0x3FAD] =	sst s3  }
0xc: {  	[smem:$0x3FAE] =	sst s4  }
0xd: {  	[smem:$0x3FAF] =	sst s5  }
0xe: {  	[smem:$0x3FB0] =	sst s6  }
0xf: {  	[smem:$0x3FB1] =	sst s7  }
0x10: {  	[smem:$0x3FB2] =	sst s8  }
0x11: {  	[smem:$0x3FB3] =	sst s9;
	s0 =	simm.s32 @!p0 $0x0  }
0x12: {  	s1 =	sld [smem:$0x3F99];
	s0 =	simm.s32 @p0 $0x1  }
0x13: {  	[smem:$0x3FB4] =	sst s0;
	s0 =	simm.s32 @!p1 $0x0  }
0x14: {  	s2 =	sld [smem:$0x3F98];
	s0 =	simm.s32 @p1 $0x1  }
0x15: {  	[smem:$0x3FB5] =	sst s0;
	s0 =	simm.s32 @!p2 $0x0  }
0x16: {  	s3 =	sld [smem:$0x3FDB];
	s0 =	simm.s32 @p2 $0x1  }
0x17: {  	s4 =	simm.s32 $0x1BF5;
	[smem:$0x3FB7] =	sst s0  }
0x18: {  	s0 =	sld [smem:$0x3F9A];
	_ =	swait.ge [sflag:s4], $0x0  }
0x19: {  	s7 =	sld [smem:$0x3F9B]  }
0x1a: {  	s8 =	sadd.s32 $0xFFFFE003, lr  }
0x1b: {  	s9 =	sadd.s32 $0xFFFFFEF7, lr;
	s5 =	simm.s32 $0xFFFFFFFF;
	p2 =	slt.u32 s8, $0xFFFFF086  }
0x1c: {  	p1 =	slt.u32 s9, $0xF7A;
	s5 =	simm.s32 @!p2 $0x0  }
0x1d: {  	s5 =	simm.s32 @p1 $0x1;
	p0 =	seq.s32 s7, s2  }
0x1e: {  	s7 =	smul.u32 @!p0 $0xF7A, s2;
	p2 =	seq.s32 @!p0 s5, $0x0  }
0x1f: {  	s9 =	smul.u32 $0xF7A, s1;
	s8 =	simm.s32 @!p0 $0x1BF5;
	p2 =	por !p2, p0  }
0x20: {  	[sflag:s8] =	ssyncset.s32 @!p0 $0xFFFFF086;
	s6 =	sadd.s32 @!p0 s3, s7;
	s7 =	simm.s32 @!p0 $0x108  }
0x21: {  	s3 =	sadd.s32 s3, s9;
	s6 =	sadd.s32 @!p0 $0x88, s6;
	s7 =	simm.s32 @p2 $0x1082  }
0x22: {  	[simem:s7], [sflag:s8] =	dma.local @!p0 [hbm:s6], $0xF7A  }
0x23: {  	s9 =	sor.u32 $0xD0000000, s2;
	s6 =	simm.s32 $0x108;
	_ =	swait.ge @!p0 [sflag:s8], $0x0  }
0x24: {  	s3 =	sadd.s32 $0x88, s3;
	s6 =	simm.s32 @!p1 $0x1082;
	[sflag:s4] =	ssyncset.s32 $0xFFFFF086  }
0x25: {  	[simem:s6], [sflag:s4] =	dma.local [hbm:s3], $0xF7A  }
0x26: {  	[smem:$0x3F9B] =	sst s1;
	(tag) =	ssettag s2;
	_ =	strace s9  }
0x27: {  	s1 =	sld [smem:$0x3FAB]  }
0x28: {  	s2 =	sld [smem:$0x3FAC]  }
0x29: {  	s4 =	sld [smem:$0x3FAE]  }
0x2a: {  	p0 =	seq.s32 s5, $0x0;
	s5 =	sld [smem:$0x3FAF]  }
0x2b: {  	s6 =	sld [smem:$0x3FB0]  }
0x2c: {  	s7 =	sld [smem:$0x3FB1]  }
0x2d: {  	s3 =	simm.s32 $0x108;
	s8 =	sld [smem:$0x3FB2]  }
0x2e: {  	s3 =	simm.s32 @!p0 $0x1082;
	s9 =	sld [smem:$0x3FB3]  }
0x2f: {  	lr =	sadd.s32 s0, s3;
	s0 =	sld [smem:$0x3FAA]  }
0x30: {  	s3 =	sld [smem:$0x3FAD]  }
0x31: {  	[smem:$0x3FB6] =	sst s10  }
0x32: {  	s10 =	sld [smem:$0x3FB4];
	_ =	sdelay $0x3  }
0x33: {  	p0 =	seq.s32 s10, $0x1;
	s10 =	sld [smem:$0x3FB6];
	_ =	sdelay $0x3  }
0x34: {  	[smem:$0x3FB6] =	sst s10  }
0x35: {  	s10 =	sld [smem:$0x3FB5];
	_ =	sdelay $0x3  }
0x36: {  	p1 =	seq.s32 s10, $0x1;
	s10 =	sld [smem:$0x3FB6];
	_ =	sdelay $0x3  }
0x37: {  	[smem:$0x3FB6] =	sst s10  }
0x38: {  	s10 =	sld [smem:$0x3FB7]  }
0x39: {  	_ = 	snop;
	(pc) =	sbr.ind lr, $3  }
0x3a: {  	_ = 	snop  }
0x3b: {  	_ = 	snop  }
0x3c: {  	p2 =	seq.s32 s10, $0x1;
	s10 =	sld [smem:$0x3FB6]  }
0x3d: {  	_ =	shalt  }
0x3e: {  	_ =	shalt  }
0x3f: {  	_ =	shalt  }
0x40: {  	_ =	shalt  }
0x41: {  	_ =	shalt  }
0x42: {  	_ =	shalt  }
0x43: {  	_ =	shalt  }
0x44: {  	_ =	shalt  }
0x45: {  	_ =	shalt  }
0x46: {  	_ =	shalt  }
0x47: {  	_ =	shalt  }
0x48: {  	_ =	shalt  }
0x49: {  	_ =	shalt  }
0x4a: {  	_ =	shalt  }
0x4b: {  	_ =	shalt  }
0x4c: {  	_ =	shalt  }
0x4d: {  	_ =	shalt  }
0x4e: {  	_ =	shalt  }
0x4f: {  	_ =	shalt  }
0x50: {  	_ =	shalt  }
0x51: {  	_ =	shalt  }
0x52: {  	_ =	shalt  }
0x53: {  	_ =	shalt  }
0x54: {  	_ =	shalt  }
0x55: {  	_ =	shalt  }
0x56: {  	_ =	shalt  }
0x57: {  	_ =	shalt  }
0x58: {  	_ =	shalt  }
0x59: {  	_ =	shalt  }
0x5a: {  	_ =	shalt  }
0x5b: {  	_ =	shalt  }
0x5c: {  	_ =	shalt  }
0x5d: {  	_ =	shalt  }
0x5e: {  	_ =	shalt  }
0x5f: {  	_ =	shalt  }
0x60: {  	_ =	shalt  }
0x61: {  	_ =	shalt  }
0x62: {  	_ =	shalt  }
0x63: {  	_ =	shalt  }
0x64: {  	_ =	shalt  }
0x65: {  	_ =	shalt  }
0x66: {  	_ =	shalt  }
0x67: {  	_ =	shalt  }
0x68: {  	_ =	shalt  }
0x69: {  	_ =	shalt  }
0x6a: {  	_ =	shalt  }
0x6b: {  	_ =	shalt  }
0x6c: {  	_ =	shalt  }
0x6d: {  	_ =	shalt  }
0x6e: {  	_ =	shalt  }
0x6f: {  	_ =	shalt  }
0x70: {  	_ =	shalt  }
0x71: {  	_ =	shalt  }
0x72: {  	_ =	shalt  }
0x73: {  	_ =	shalt  }
0x74: {  	_ =	shalt  }
0x75: {  	_ =	shalt  }
0x76: {  	_ =	shalt  }
0x77: {  	_ =	shalt  }
0x78: {  	_ =	shalt  }
0x79: {  	_ =	shalt  }
0x7a: {  	_ =	shalt  }
0x7b: {  	_ =	shalt  }
0x7c: {  	_ =	shalt  }
0x7d: {  	_ =	shalt  }
0x7e: {  	_ =	shalt  }
0x7f: {  	_ =	shalt  }
0x80: {  	_ =	shalt  }
0x81: {  	_ =	shalt  }
0x82: {  	_ =	shalt  }
0x83: {  	_ =	shalt  }
0x84: {  	_ =	shalt  }
0x85: {  	_ =	shalt  }
0x86: {  	_ =	shalt  }
0x87: {  	_ =	shalt  }
.Lfunc_end0:
.L_simem_size_0:
called_computation.1_lowered:
.L_overlay_start_0:
0x88: {  	s2 =	sld [smem:$0x3FD9]  }
0x89: {  	s3 =	sld [smem:$0x3FFE];
	_ =	sdelay $0x1  }
0x8a: {  	s1 =	srdreg.scid  }
0x8b: {  	s0 =	sand.u32 $0x1, s1  }
0x8c: {  	s16 =	sshll.u32 s0, $0xA;
	s2 =	sadd.s32 s3, s2  }
0x8d: {  	s2 =	sadd.s32 s2, s16  }
0x8e: {  	[smem:$0x3FC2] =	sst s2  }
0x8f: {  	_ = 	snop  }
0x90: {  	(tm) =	ssettm $0x1  }
0x91: {  	s17 =	sld [smem:$0x3FFB];
	_ =	sdelay $0x3  }
0x92: {  	_ =	strace s17  }
0x93: {  	s2 =	sld [smem:$0x3FFC];
	_ =	sdelay $0x3  }
0x94: {  	_ =	strace s2  }
0x95: {  	s2 =	sld [smem:$0x3FFD];
	_ =	sdelay $0x3  }
0x96: {  	_ =	strace s2  }
0x97: {  	_ =	strace $0x8FFFFFFF  }
0x98: {  	s18 =	sld [smem:$0x3FDB];
	_ =	sdelay $0x1  }
0x99: {  	s19 =	simm.s32 $_scs_section_size  }
0x9a: {  	s4 =	simm.s32 $_size__tile_overlayer_lowered;
	s5 =	simm.s32 $_tile_overlayer_lowered  }
0x9b: {  	s22 =	simm.s32 $0x1BFF;
	s21 =	sshll.u32 s5, $0x1;
	s2 =	sadd.s32 s19, s18  }
0x9c: {  	s6 =	simm.s32 $0x0;
	s20 =	sshll.u32 s4, $0x1;
	s4 =	sadd.s32 s21, s2  }
0x9d: {  	[timem:s6], [sflag:s22] =	dma.local [hbm:s4], s20  }
0x9e: {  	_ =	swait.ge [sflag:s22], s20  }
0x9f: {  	s3 =	ssub.s32 $0x0, s20;
	[sflag:s22] =	ssyncset.done $0x0  }
0xa0: {  	[sflag:s22] =	ssyncadd.s32 s3;
	_ =	sdelay $0x1  }
0xa1: {  	s23 =	simm.s32 $0x1B8B  }
0xa2: {  	_ =	swait.ge [sflag:s23], $0x1  }
0xa3: {  	[sflag:s23] =	ssyncset.done $0x0  }
0xa4: {  	s25 =	simm.s32 $0x1B8E;
	s24 =	sld [smem:$0x3FFE];
	[sflag:s23] =	ssyncadd.s32 $0xFFFFFFFF  }
0xa5: {  	s26 =	simm.s32 $execute0_lowered;
	[smem:$0x3FD2] =	sst s25  }
0xa6: {  	s4 =	sshll.u32 s26, $0x1;
	_ =	strace $0x80000049;
	[dreg:$0x1] =	wrdreg $0xFFFFFFFF  }
0xa7: {  	s28 =	simm.s32 $_size_execute0_lowered;
	s2 =	sadd.s32 s2, s4;
	[dreg:$0x0] =	wrdreg $0x0  }
0xa8: {  	s4 =	sshll.u32 s28, $0x1;
	[dreg:$0x2] =	wrdreg s2  }
0xa9: {  	[dreg:$0x3] =	wrdreg s4  }
0xaa: {  	[dreg:$0x4] =	wrdreg $0xC0  }
0xab: {  	_ =	task [dreg:s6], $0x5FFFF  }
0xac: {  	[dreg:$0x1] =	wrdreg $0xFFFFFFFF  }
0xad: {  	[dreg:$0x0] =	wrdreg $0x60  }
0xae: {  	[dreg:$0x2] =	wrdreg s24  }
0xaf: {  	[dreg:$0x3] =	wrdreg $0xA0000  }
0xb0: {  	[dreg:$0x4] =	wrdreg $0x9  }
0xb1: {  	_ =	task.clear_ibuf [dreg:s6], $0x5FFFF;
	_ =	strace $0x90000049  }
0xb2: {  	s29 =	simm.s32 $0x9;
	_ =	strace $0x8000004B  }
0xb3: {  	_ =	swait.ge [sflag:s29], $0x1  }
0xb4: {  	[sflag:s29] =	ssyncadd.s32 $0xFFFFFFFF  }
0xb5: {  	_ =	strace $0x9000004B  }
0xb6: {  	_ =	sfence  }
0xb7: {  	s30 =	sld [smem:$0x0];
	_ =	sdelay $0x2  }
0xb8: {  	s31 =	sshll.u32 s1, $0xD;
	s1 =	sshrl.u32 s1, $0x2  }
0xb9: {  	s3 =	sand.u32 $0x4000, s31;
	s1 =	sadd.s32 s1, s30  }
0xba: {  	s0 =	sor.u32 s3, s0;
	s1 =	sshll.u32 s1, $0x11  }
0xbb: {  	s0 =	sor.u32 s1, s0  }
0xbc: {  	s0 =	sadd.s32 $0x8F2B, s0  }
0xbd: {  	[sflag:s0] =	ssyncadd.remote.s32 $0x1  }
0xbe: {  	_ =	sfence.sel $0xFFFF  }
0xbf: {  	[dreg:$0x0] =	wrdreg $0xFFFFFFFF;
	(pc) =	sbr.abs _section_cstart, $3  }
0xc0: {  	[dreg:$0x1] =	wrdreg $0xFFFFFFFF  }
0xc1: {  	_ =	task.clear_ibuf [dreg:s6], $0x2FFFF;
	_ =	strace $0x9FFFFFFF  }
0xc2: {  	(tm) =	ssettm $0x7FFFFFFF  }
0xc3: {  	_ =	shalt  }
tec
execute0_lowered:
.L_overlay_start_1:
0x0: {  	(tag) =	ssettag $0x1  }
0x1: {  	s0 =	rddreg [dreg:$0x0]  }
0x2: {  	s1 =	rddreg [dreg:$0x1]  }
0x3: {  	s2 =	simm.s32 $0x0;
	s3 =	srdreg.scid;
	s10 =	stileid.u32  }
0x4: {  	s30 =	simm.s32 $0x1;
	s29 =	simm.s32 $0x800;
	s28 =	simm.s32 $0xB80  }
0x5: {  	s31 =	simm.s32 $0x1B00;
	[smem:$0x7FF] =	sst s2;
	s3 =	sand.u32 $0x1, s3  }
0x6: {  	s4 =	sadd.s32 $0x16000, s0;
	s6 =	sadd.s32 $0xC000, s0;
	s7 =	smul.u32 $0x14000, s10  }
0x7: {  	s8 =	sshll.u32 s10, $0x1;
	s9 =	sadd.s32 $0x2000, s0;
	s10 =	smul.u32 $0x50000, s10  }
0x8: {  	s5 =	smul.u32 $0x140000, s3;
	s8 =	sor.u32 s3, s8;
	s3 =	ssub.s32 $0x2, s3  }
0x9: {  	_ =	strace $0x8000004A;
	s26 =	smul.u32 $0x500, s8;
	s11 =	sshrl.u32 s3, $0x1  }
0xa: {  	s8 =	smul.u32 $0x2800, s8;
	s12 =	sshrl.u32 s10, $0x2;
	s5 =	sadd.s32 s7, s5  }
0xb: {  	s3 =	ssub.s32 s3, s11;
	s5 =	sshrl.u32 s5, $0x3;
	s13 =	sadd.s32 s6, s26  }
0xc: {  	s8 =	sshrl.u32 s8, $0x3;
	s7 =	sadd.s32 s9, s26;
	[dreg:$0x3] =	wrdreg s13  }
0xd: {  	s22 =	smax.u32 s3, $0x1;
	s0 =	sadd.s32 s5, s0;
	[dreg:$0x4] =	wrdreg s7  }
0xe: {  	s5 =	sadd.s32 s12, s1;
	s14 =	sadd.s32 $0x100, s8;
	[dreg:$0xe] =	wrdreg s22  }
0xf: {  	s10 =	simm.s32 $0xA00;
	s16 =	sadd.s32 s6, s14;
	[dreg:$0x13] =	wrdreg s5  }
0x10: {  	s15 =	sadd.s32 $0x200, s8;
	s7 =	sadd.s32 s9, s14;
	[dreg:$0x5] =	wrdreg s16  }
0x11: {  	s11 =	simm.s32 $0x1980;
	s17 =	sadd.s32 s6, s15;
	[dreg:$0x6] =	wrdreg s7  }
0x12: {  	s19 =	sadd.s32 $0x300, s8;
	s18 =	sadd.s32 s9, s15;
	[dreg:$0x7] =	wrdreg s17  }
0x13: {  	s8 =	sadd.s32 $0x400, s8;
	s20 =	sadd.s32 s6, s19;
	[dreg:$0x8] =	wrdreg s18  }
0x14: {  	s22 =	simm.s32 $0x2000;
	s6 =	sadd.s32 s6, s8;
	[dreg:$0x9] =	wrdreg s20  }
0x15: {  	s12 =	simm.s32 $0xA80;
	s21 =	sadd.s32 s9, s8;
	[dreg:$0xb] =	wrdreg s6  }
0x16: {  	s13 =	simm.s32 $0x1A00;
	s0 =	sadd.s32 $0x3E000, s0;
	[dreg:$0xc] =	wrdreg s21  }
0x17: {  	s23 =	sadd.s32 $0x4000, s5;
	s24 =	sadd.s32 $0x8000, s5;
	[dreg:$0xd] =	wrdreg s0  }
0x18: {  	s25 =	sadd.s32 $0xC000, s5;
	s26 =	sadd.s32 $0x10000, s5;
	[dreg:$0xf] =	wrdreg s23  }
0x19: {  	s15 =	simm.s32 $0x3;
	s8 =	simm.s32 $0x980;
	[dreg:$0x10] =	wrdreg s24  }
0x1a: {  	s14 =	simm.s32 $0xB00;
	s7 =	sadd.s32 s9, s19;
	[dreg:$0x11] =	wrdreg s25  }
0x1b: {  	[dreg:$0x12] =	wrdreg s26;
	s23 =	simm.s32 $0x5;
	s25 =	simm.s32 $0x80  }
0x1c: {  	s26 =	simm.s32 $0x6000;
	s0 =	simm.s32 $0x2;
	s16 =	simm.s32 $0x4  }
0x1d: {  	s17 =	simm.s32 $0x0;
	s24 =	simm.s32 $0x880;
	s9 =	simm.s32 $0x1900  }
0x1e: {  	v0 =	vimm.f32 $0.0e+00;
	s21 =	simm.s32 $0x1A80;
	[dreg:$0xa] =	wrdreg s7;
	s7 =	simm.s32 $0x1880  }
.LBB2_1:
0x1f: {  	s18 =	simm.s32 $0x0;
	s19 =	simm.s32 $0x200  }
.LBB2_2:
0x20: {  	p0 =	sne.s32 s19, $0xFE00;
	[tilespmem:s18+$0x2070] =	vst v0  }
0x21: {  	[tilespmem:s18+$0x2000] =	vst v0  }
0x22: {  	[tilespmem:s18+$0x2010] =	vst v0  }
.Ltmp0:
0x23: {  	[tilespmem:s18+$0x2020] =	vst v0;
	(pc) =	sbr.rel @p0 .LBB2_2-.Ltmp0, $4  }
0x24: {  	[tilespmem:s18+$0x2030] =	vst v0  }
0x25: {  	[tilespmem:s18+$0x2040] =	vst v0  }
0x26: {  	[tilespmem:s18+$0x2050] =	vst v0  }
0x27: {  	[tilespmem:s18+$0x2060] =	vst v0;
	s18 =	sshra.s32 s19, $0x2;
	s19 =	sadd.s32 $0x200, s19  }
0x28: {  	[tilespmem:s18+$0x2070] =	vst v0  }
0x29: {  	[tilespmem:s18+$0x2000] =	vst v0  }
0x2a: {  	[tilespmem:s18+$0x2010] =	vst v0  }
0x2b: {  	[tilespmem:s18+$0x2020] =	vst v0  }
0x2c: {  	[tilespmem:s18+$0x2030] =	vst v0  }
0x2d: {  	[tilespmem:s18+$0x2040] =	vst v0  }
0x2e: {  	[tilespmem:s18+$0x2050] =	vst v0  }
0x2f: {  	[tilespmem:s18+$0x2060] =	vst v0;
	s3 =	rddreg [dreg:$0x13]  }
0x30: {  	[spmem:s3] =	stream.linear.scatter [tilespmem:s22], [sflag:$0x5], $0x4000, $0x38;
	[tilespmem:$0x1E000] =	vst v63  }
0x31: {  	_ =	swait.ge [sflag:s23], $0x4000  }
0x32: {  	[sflag:s23] =	ssyncset.done $0x0  }
0x33: {  	s20 =	rddreg [dreg:$0xf];
	[sflag:s23] =	ssyncadd.s32 $0xFFFFC000  }
0x34: {  	[spmem:s20] =	stream.linear.scatter [tilespmem:s22], [sflag:$0x5], $0x4000, $0x38;
	[tilespmem:$0x1E000] =	vst v63  }
0x35: {  	_ =	swait.ge [sflag:s23], $0x4000  }
0x36: {  	[sflag:s23] =	ssyncset.done $0x0  }
0x37: {  	s3 =	rddreg [dreg:$0x10];
	[sflag:s23] =	ssyncadd.s32 $0xFFFFC000  }
0x38: {  	[spmem:s3] =	stream.linear.scatter [tilespmem:s22], [sflag:$0x5], $0x4000, $0x38;
	[tilespmem:$0x1E000] =	vst v63  }
0x39: {  	_ =	swait.ge [sflag:s23], $0x4000  }
0x3a: {  	[sflag:s23] =	ssyncset.done $0x0  }
0x3b: {  	s5 =	rddreg [dreg:$0x11];
	[sflag:s23] =	ssyncadd.s32 $0xFFFFC000  }
0x3c: {  	[spmem:s5] =	stream.linear.scatter [tilespmem:s22], [sflag:$0x5], $0x4000, $0x38;
	[tilespmem:$0x1E000] =	vst v63  }
0x3d: {  	_ =	swait.ge [sflag:s23], $0x4000  }
0x3e: {  	[sflag:s23] =	ssyncset.done $0x0  }
0x3f: {  	s6 =	rddreg [dreg:$0x12];
	[sflag:s23] =	ssyncadd.s32 $0xFFFFC000  }
0x40: {  	[spmem:s6] =	stream.linear.scatter [tilespmem:s22], [sflag:$0x5], $0x4000, $0x38;
	[tilespmem:$0x1E000] =	vst v63  }
0x41: {  	_ =	swait.ge [sflag:s23], $0x4000  }
0x42: {  	[sflag:s23] =	ssyncset.done $0x0  }
0x43: {  	s19 =	rddreg [dreg:$0x3];
	[sflag:s23] =	ssyncadd.s32 $0xFFFFC000  }
0x44: {  	[tilespmem:s2], [sflag:$0x5] =	stream.linear.gather [hbm4b:s19+s2], $0x800, $0x38;
	[tilespmem:$0x1E000] =	vst v63  }
0x45: {  	_ =	swait.ge [sflag:s23], $0x800  }
0x46: {  	[sflag:s23] =	ssyncset.done $0x0  }
0x47: {  	s3 =	simm.s32 $0x1000;
	s20 =	rddreg [dreg:$0x4];
	[sflag:s23] =	ssyncadd.s32 $0xFFFFF800  }
0x48: {  	[tilespmem:s3], [sflag:$0x5] =	stream.linear.gather [hbm4b:s20+s2], $0x800, $0x38;
	[tilespmem:$0x1E000] =	vst v63  }
0x49: {  	_ =	swait.ge [sflag:s23], $0x800  }
0x4a: {  	[sflag:s23] =	ssyncset.done $0x0  }
0x4b: {  	[sflag:s23] =	ssyncadd.s32 $0xFFFFF800  }
0x4c: {  	[bflag:$0x0] =	sbarrier.arrive $0xFFFF  }
0x4d: {  	[tilespmem:s22], [sflag:$0x1] =	stream.indirect.gather [hbm4b:s4+s25], $0x80, s2, s25, $0xb8;
	[tilespmem:$0x1E000] =	vst v63  }
0x4e: {  	_ = 	snop  }
0x4f: {  	[tilespmem:s26], [sflag:$0x2] =	stream.indirect.gather [hbm4b:s4+s25], $0x80, s25, s25, $0xb8;
	[tilespmem:$0x1E000] =	vst v63  }
0x50: {  	s5 =	rddreg [dreg:$0x5]  }
0x51: {  	[tilespmem:s29], [sflag:$0x3] =	stream.linear.gather [hbm4b:s5+s2], $0x800, $0x38;
	[tilespmem:$0x1E000] =	vst v63  }
0x52: {  	s6 =	rddreg [dreg:$0x6];
	s5 =	simm.s32 $0x1800  }
0x53: {  	[tilespmem:s5], [sflag:$0x4] =	stream.linear.gather [hbm4b:s6+s2], $0x800, $0x38;
	[tilespmem:$0x1E000] =	vst v63  }
0x54: {  	_ =	swait.ge [sflag:s30], $0x4000  }
0x55: {  	[sflag:s30] =	ssyncset.done $0x0  }
0x56: {  	[sflag:s30] =	ssyncadd.s32 $0xFFFFC000  }
0x57: {  	[spmem:s1] =	stream.indirect.scatter.add.f32 [tilespmem:s22], [sflag:$0x5], $0x80, s3, s25, $0xb8;
	[tilespmem:$0x1E000] =	vst v63  }
0x58: {  	_ =	swait.ge [sflag:s23], $0x4000  }
0x59: {  	[sflag:s23] =	ssyncset.done $0x0  }
0x5a: {  	s6 =	simm.s32 $0x100;
	[sflag:s23] =	ssyncadd.s32 $0xFFFFC000  }
0x5b: {  	[tilespmem:s22], [sflag:$0x1] =	stream.indirect.gather [hbm4b:s4+s25], $0x80, s6, s25, $0xb8;
	[tilespmem:$0x1E000] =	vst v63  }
0x5c: {  	_ =	swait.ge [sflag:s0], $0x4000  }
0x5d: {  	[sflag:s0] =	ssyncset.done $0x0  }
0x5e: {  	s18 =	simm.s32 $0x1080;
	[sflag:s0] =	ssyncadd.s32 $0xFFFFC000  }
0x5f: {  	[spmem:s1] =	stream.indirect.scatter.add.f32 [tilespmem:s26], [sflag:$0x5], $0x80, s18, s25, $0xb8;
	[tilespmem:$0x1E000] =	vst v63  }
0x60: {  	_ =	swait.ge [sflag:s23], $0x4000  }
0x61: {  	[sflag:s23] =	ssyncset.done $0x0  }
0x62: {  	s19 =	simm.s32 $0x180;
	[sflag:s23] =	ssyncadd.s32 $0xFFFFC000  }
0x63: {  	[tilespmem:s26], [sflag:$0x2] =	stream.indirect.gather [hbm4b:s4+s25], $0x80, s19, s25, $0xb8;
	[tilespmem:$0x1E000] =	vst v63  }
0x64: {  	_ =	swait.ge [sflag:s30], $0x4000  }
0x65: {  	[sflag:s30] =	ssyncset.done $0x0  }
0x66: {  	s20 =	simm.s32 $0x1100;
	[sflag:s30] =	ssyncadd.s32 $0xFFFFC000  }
0x67: {  	[spmem:s1] =	stream.indirect.scatter.add.f32 [tilespmem:s22], [sflag:$0x5], $0x80, s20, s25, $0xb8;
	[tilespmem:$0x1E000] =	vst v63  }
0x68: {  	_ =	swait.ge [sflag:s23], $0x4000  }
0x69: {  	[sflag:s23] =	ssyncset.done $0x0  }
0x6a: {  	s18 =	simm.s32 $0x200;
	[sflag:s23] =	ssyncadd.s32 $0xFFFFC000  }
0x6b: {  	[tilespmem:s22], [sflag:$0x1] =	stream.indirect.gather [hbm4b:s4+s25], $0x80, s18, s25, $0xb8;
	[tilespmem:$0x1E000] =	vst v63  }
0x6c: {  	_ =	swait.ge [sflag:s0], $0x4000  }
0x6d: {  	[sflag:s0] =	ssyncset.done $0x0  }
0x6e: {  	s19 =	simm.s32 $0x1180;
	[sflag:s0] =	ssyncadd.s32 $0xFFFFC000  }
0x6f: {  	[spmem:s1] =	stream.indirect.scatter.add.f32 [tilespmem:s26], [sflag:$0x5], $0x80, s19, s25, $0xb8;
	[tilespmem:$0x1E000] =	vst v63  }
0x70: {  	_ =	swait.ge [sflag:s23], $0x4000  }
0x71: {  	[sflag:s23] =	ssyncset.done $0x0  }
0x72: {  	s20 =	simm.s32 $0x280;
	[sflag:s23] =	ssyncadd.s32 $0xFFFFC000  }
0x73: {  	[tilespmem:s26], [sflag:$0x2] =	stream.indirect.gather [hbm4b:s4+s25], $0x80, s20, s25, $0xb8;
	[tilespmem:$0x1E000] =	vst v63  }
0x74: {  	_ =	swait.ge [sflag:s30], $0x4000  }
0x75: {  	[sflag:s30] =	ssyncset.done $0x0  }
0x76: {  	s18 =	simm.s32 $0x1200;
	[sflag:s30] =	ssyncadd.s32 $0xFFFFC000  }
0x77: {  	[spmem:s1] =	stream.indirect.scatter.add.f32 [tilespmem:s22], [sflag:$0x5], $0x80, s18, s25, $0xb8;
	[tilespmem:$0x1E000] =	vst v63  }
0x78: {  	_ =	swait.ge [sflag:s23], $0x4000  }
0x79: {  	[sflag:s23] =	ssyncset.done $0x0  }
0x7a: {  	s19 =	simm.s32 $0x300;
	[sflag:s23] =	ssyncadd.s32 $0xFFFFC000  }
0x7b: {  	[tilespmem:s22], [sflag:$0x1] =	stream.indirect.gather [hbm4b:s4+s25], $0x80, s19, s25, $0xb8;
	[tilespmem:$0x1E000] =	vst v63  }
0x7c: {  	_ =	swait.ge [sflag:s0], $0x4000  }
0x7d: {  	[sflag:s0] =	ssyncset.done $0x0  }
0x7e: {  	s20 =	simm.s32 $0x1280;
	[sflag:s0] =	ssyncadd.s32 $0xFFFFC000  }
0x7f: {  	[spmem:s1] =	stream.indirect.scatter.add.f32 [tilespmem:s26], [sflag:$0x5], $0x80, s20, s25, $0xb8;
	[tilespmem:$0x1E000] =	vst v63  }
0x80: {  	_ =	swait.ge [sflag:s23], $0x4000  }
0x81: {  	[sflag:s23] =	ssyncset.done $0x0  }
0x82: {  	s18 =	simm.s32 $0x380;
	[sflag:s23] =	ssyncadd.s32 $0xFFFFC000  }
0x83: {  	[tilespmem:s26], [sflag:$0x2] =	stream.indirect.gather [hbm4b:s4+s25], $0x80, s18, s25, $0xb8;
	[tilespmem:$0x1E000] =	vst v63  }
0x84: {  	_ =	swait.ge [sflag:s30], $0x4000  }
0x85: {  	[sflag:s30] =	ssyncset.done $0x0  }
0x86: {  	s19 =	simm.s32 $0x1300;
	[sflag:s30] =	ssyncadd.s32 $0xFFFFC000  }
0x87: {  	[spmem:s1] =	stream.indirect.scatter.add.f32 [tilespmem:s22], [sflag:$0x5], $0x80, s19, s25, $0xb8;
	[tilespmem:$0x1E000] =	vst v63  }
0x88: {  	_ =	swait.ge [sflag:s23], $0x4000  }
0x89: {  	[sflag:s23] =	ssyncset.done $0x0  }
0x8a: {  	s20 =	simm.s32 $0x400;
	[sflag:s23] =	ssyncadd.s32 $0xFFFFC000  }
0x8b: {  	[tilespmem:s22], [sflag:$0x1] =	stream.indirect.gather [hbm4b:s4+s25], $0x80, s20, s25, $0xb8;
	[tilespmem:$0x1E000] =	vst v63  }
0x8c: {  	_ =	swait.ge [sflag:s0], $0x4000  }
0x8d: {  	[sflag:s0] =	ssyncset.done $0x0  }
0x8e: {  	s18 =	simm.s32 $0x1380;
	[sflag:s0] =	ssyncadd.s32 $0xFFFFC000  }
0x8f: {  	[spmem:s1] =	stream.indirect.scatter.add.f32 [tilespmem:s26], [sflag:$0x5], $0x80, s18, s25, $0xb8;
	[tilespmem:$0x1E000] =	vst v63  }
0x90: {  	_ =	swait.ge [sflag:s23], $0x4000  }
0x91: {  	[sflag:s23] =	ssyncset.done $0x0  }
0x92: {  	s19 =	simm.s32 $0x480;
	[sflag:s23] =	ssyncadd.s32 $0xFFFFC000  }
0x93: {  	[tilespmem:s26], [sflag:$0x2] =	stream.indirect.gather [hbm4b:s4+s25], $0x80, s19, s25, $0xb8;
	[tilespmem:$0x1E000] =	vst v63  }
0x94: {  	_ =	swait.ge [sflag:s30], $0x4000  }
0x95: {  	[sflag:s30] =	ssyncset.done $0x0  }
0x96: {  	s20 =	simm.s32 $0x1400;
	[sflag:s30] =	ssyncadd.s32 $0xFFFFC000  }
0x97: {  	[spmem:s1] =	stream.indirect.scatter.add.f32 [tilespmem:s22], [sflag:$0x5], $0x80, s20, s25, $0xb8;
	[tilespmem:$0x1E000] =	vst v63  }
0x98: {  	_ =	swait.ge [sflag:s23], $0x4000  }
0x99: {  	[sflag:s23] =	ssyncset.done $0x0  }
0x9a: {  	s18 =	simm.s32 $0x500;
	[sflag:s23] =	ssyncadd.s32 $0xFFFFC000  }
0x9b: {  	[tilespmem:s22], [sflag:$0x1] =	stream.indirect.gather [hbm4b:s4+s25], $0x80, s18, s25, $0xb8;
	[tilespmem:$0x1E000] =	vst v63  }
0x9c: {  	_ =	swait.ge [sflag:s0], $0x4000  }
0x9d: {  	[sflag:s0] =	ssyncset.done $0x0  }
0x9e: {  	s19 =	simm.s32 $0x1480;
	[sflag:s0] =	ssyncadd.s32 $0xFFFFC000  }
0x9f: {  	[spmem:s1] =	stream.indirect.scatter.add.f32 [tilespmem:s26], [sflag:$0x5], $0x80, s19, s25, $0xb8;
	[tilespmem:$0x1E000] =	vst v63  }
0xa0: {  	_ =	swait.ge [sflag:s23], $0x4000  }
0xa1: {  	[sflag:s23] =	ssyncset.done $0x0  }
0xa2: {  	s20 =	simm.s32 $0x580;
	[sflag:s23] =	ssyncadd.s32 $0xFFFFC000  }
0xa3: {  	[tilespmem:s26], [sflag:$0x2] =	stream.indirect.gather [hbm4b:s4+s25], $0x80, s20, s25, $0xb8;
	[tilespmem:$0x1E000] =	vst v63  }
0xa4: {  	_ =	swait.ge [sflag:s30], $0x4000  }
0xa5: {  	[sflag:s30] =	ssyncset.done $0x0  }
0xa6: {  	s18 =	simm.s32 $0x1500;
	[sflag:s30] =	ssyncadd.s32 $0xFFFFC000  }
0xa7: {  	[spmem:s1] =	stream.indirect.scatter.add.f32 [tilespmem:s22], [sflag:$0x5], $0x80, s18, s25, $0xb8;
	[tilespmem:$0x1E000] =	vst v63  }
0xa8: {  	_ =	swait.ge [sflag:s23], $0x4000  }
0xa9: {  	[sflag:s23] =	ssyncset.done $0x0  }
0xaa: {  	s19 =	simm.s32 $0x600;
	[sflag:s23] =	ssyncadd.s32 $0xFFFFC000  }
0xab: {  	[tilespmem:s22], [sflag:$0x1] =	stream.indirect.gather [hbm4b:s4+s25], $0x80, s19, s25, $0xb8;
	[tilespmem:$0x1E000] =	vst v63  }
0xac: {  	_ =	swait.ge [sflag:s0], $0x4000  }
0xad: {  	[sflag:s0] =	ssyncset.done $0x0  }
0xae: {  	s20 =	simm.s32 $0x1580;
	[sflag:s0] =	ssyncadd.s32 $0xFFFFC000  }
0xaf: {  	[spmem:s1] =	stream.indirect.scatter.add.f32 [tilespmem:s26], [sflag:$0x5], $0x80, s20, s25, $0xb8;
	[tilespmem:$0x1E000] =	vst v63  }
0xb0: {  	_ =	swait.ge [sflag:s23], $0x4000  }
0xb1: {  	[sflag:s23] =	ssyncset.done $0x0  }
0xb2: {  	s18 =	simm.s32 $0x680;
	[sflag:s23] =	ssyncadd.s32 $0xFFFFC000  }
0xb3: {  	[tilespmem:s26], [sflag:$0x2] =	stream.indirect.gather [hbm4b:s4+s25], $0x80, s18, s25, $0xb8;
	[tilespmem:$0x1E000] =	vst v63  }
0xb4: {  	_ =	swait.ge [sflag:s30], $0x4000  }
0xb5: {  	[sflag:s30] =	ssyncset.done $0x0  }
0xb6: {  	s19 =	simm.s32 $0x1600;
	[sflag:s30] =	ssyncadd.s32 $0xFFFFC000  }
0xb7: {  	[spmem:s1] =	stream.indirect.scatter.add.f32 [tilespmem:s22], [sflag:$0x5], $0x80, s19, s25, $0xb8;
	[tilespmem:$0x1E000] =	vst v63  }
0xb8: {  	_ =	swait.ge [sflag:s23], $0x4000  }
0xb9: {  	[sflag:s23] =	ssyncset.done $0x0  }
0xba: {  	s20 =	simm.s32 $0x700;
	[sflag:s23] =	ssyncadd.s32 $0xFFFFC000  }
0xbb: {  	[tilespmem:s22], [sflag:$0x1] =	stream.indirect.gather [hbm4b:s4+s25], $0x80, s20, s25, $0xb8;
	[tilespmem:$0x1E000] =	vst v63  }
0xbc: {  	_ =	swait.ge [sflag:s0], $0x4000  }
0xbd: {  	[sflag:s0] =	ssyncset.done $0x0  }
0xbe: {  	s18 =	simm.s32 $0x1680;
	[sflag:s0] =	ssyncadd.s32 $0xFFFFC000  }
0xbf: {  	[spmem:s1] =	stream.indirect.scatter.add.f32 [tilespmem:s26], [sflag:$0x5], $0x80, s18, s25, $0xb8;
	[tilespmem:$0x1E000] =	vst v63  }
0xc0: {  	_ =	swait.ge [sflag:s23], $0x4000  }
0xc1: {  	[sflag:s23] =	ssyncset.done $0x0  }
0xc2: {  	s19 =	simm.s32 $0x780;
	[sflag:s23] =	ssyncadd.s32 $0xFFFFC000  }
0xc3: {  	[tilespmem:s26], [sflag:$0x2] =	stream.indirect.gather [hbm4b:s4+s25], $0x80, s19, s25, $0xb8;
	[tilespmem:$0x1E000] =	vst v63  }
0xc4: {  	_ =	swait.ge [sflag:s30], $0x4000  }
0xc5: {  	[sflag:s30] =	ssyncset.done $0x0  }
0xc6: {  	s20 =	simm.s32 $0x1700;
	[sflag:s30] =	ssyncadd.s32 $0xFFFFC000  }
0xc7: {  	[spmem:s1] =	stream.indirect.scatter.add.f32 [tilespmem:s22], [sflag:$0x5], $0x80, s20, s25, $0xb8;
	[tilespmem:$0x1E000] =	vst v63  }
0xc8: {  	_ =	swait.ge [sflag:s23], $0x4000  }
0xc9: {  	[sflag:s23] =	ssyncset.done $0x0  }
0xca: {  	[sflag:s23] =	ssyncadd.s32 $0xFFFFC000  }
0xcb: {  	_ =	swait.ge [sflag:s0], $0x4000  }
0xcc: {  	[sflag:s0] =	ssyncset.done $0x0  }
0xcd: {  	s18 =	simm.s32 $0x1780;
	[sflag:s0] =	ssyncadd.s32 $0xFFFFC000  }
0xce: {  	[spmem:s1] =	stream.indirect.scatter.add.f32 [tilespmem:s26], [sflag:$0x5], $0x80, s18, s25, $0xb8;
	[tilespmem:$0x1E000] =	vst v63  }
0xcf: {  	_ =	swait.ge [sflag:s23], $0x4000  }
0xd0: {  	[sflag:s23] =	ssyncset.done $0x0  }
0xd1: {  	[sflag:s23] =	ssyncadd.s32 $0xFFFFC000  }
0xd2: {  	_ =	swait.ge [sflag:s15], $0x800  }
0xd3: {  	[sflag:s15] =	ssyncset.done $0x0  }
0xd4: {  	[sflag:s15] =	ssyncadd.s32 $0xFFFFF800  }
0xd5: {  	_ =	swait.ge [sflag:s16], $0x800  }
0xd6: {  	[sflag:s16] =	ssyncset.done $0x0  }
0xd7: {  	[sflag:s16] =	ssyncadd.s32 $0xFFFFF800  }
0xd8: {  	[tilespmem:s22], [sflag:$0x1] =	stream.indirect.gather [hbm4b:s4+s25], $0x80, s29, s25, $0xb8;
	[tilespmem:$0x1E000] =	vst v63  }
0xd9: {  	_ = 	snop  }
0xda: {  	[tilespmem:s26], [sflag:$0x2] =	stream.indirect.gather [hbm4b:s4+s25], $0x80, s24, s25, $0xb8;
	[tilespmem:$0x1E000] =	vst v63  }
0xdb: {  	s19 =	rddreg [dreg:$0x7]  }
0xdc: {  	[tilespmem:s2], [sflag:$0x3] =	stream.linear.gather [hbm4b:s19+s2], $0x800, $0x38;
	[tilespmem:$0x1E000] =	vst v63  }
0xdd: {  	s20 =	rddreg [dreg:$0x8]  }
0xde: {  	[tilespmem:s3], [sflag:$0x4] =	stream.linear.gather [hbm4b:s20+s2], $0x800, $0x38;
	[tilespmem:$0x1E000] =	vst v63  }
0xdf: {  	_ =	swait.ge [sflag:s30], $0x4000  }
0xe0: {  	[sflag:s30] =	ssyncset.done $0x0  }
0xe1: {  	[sflag:s30] =	ssyncadd.s32 $0xFFFFC000  }
0xe2: {  	[spmem:s1] =	stream.indirect.scatter.add.f32 [tilespmem:s22], [sflag:$0x5], $0x80, s5, s25, $0xb8;
	[tilespmem:$0x1E000] =	vst v63  }
0xe3: {  	_ =	swait.ge [sflag:s23], $0x4000  }
0xe4: {  	[sflag:s23] =	ssyncset.done $0x0  }
0xe5: {  	s6 =	simm.s32 $0x900;
	[sflag:s23] =	ssyncadd.s32 $0xFFFFC000  }
0xe6: {  	[tilespmem:s22], [sflag:$0x1] =	stream.indirect.gather [hbm4b:s4+s25], $0x80, s6, s25, $0xb8;
	[tilespmem:$0x1E000] =	vst v63  }
0xe7: {  	_ =	swait.ge [sflag:s0], $0x4000  }
0xe8: {  	[sflag:s0] =	ssyncset.done $0x0  }
0xe9: {  	[sflag:s0] =	ssyncadd.s32 $0xFFFFC000  }
0xea: {  	[spmem:s1] =	stream.indirect.scatter.add.f32 [tilespmem:s26], [sflag:$0x5], $0x80, s7, s25, $0xb8;
	[tilespmem:$0x1E000] =	vst v63  }
0xeb: {  	_ =	swait.ge [sflag:s23], $0x4000  }
0xec: {  	[sflag:s23] =	ssyncset.done $0x0  }
0xed: {  	[sflag:s23] =	ssyncadd.s32 $0xFFFFC000  }
0xee: {  	[tilespmem:s26], [sflag:$0x2] =	stream.indirect.gather [hbm4b:s4+s25], $0x80, s8, s25, $0xb8;
	[tilespmem:$0x1E000] =	vst v63  }
0xef: {  	_ =	swait.ge [sflag:s30], $0x4000  }
0xf0: {  	[sflag:s30] =	ssyncset.done $0x0  }
0xf1: {  	[sflag:s30] =	ssyncadd.s32 $0xFFFFC000  }
0xf2: {  	[spmem:s1] =	stream.indirect.scatter.add.f32 [tilespmem:s22], [sflag:$0x5], $0x80, s9, s25, $0xb8;
	[tilespmem:$0x1E000] =	vst v63  }
0xf3: {  	_ =	swait.ge [sflag:s23], $0x4000  }
0xf4: {  	[sflag:s23] =	ssyncset.done $0x0  }
0xf5: {  	[sflag:s23] =	ssyncadd.s32 $0xFFFFC000  }
0xf6: {  	[tilespmem:s22], [sflag:$0x1] =	stream.indirect.gather [hbm4b:s4+s25], $0x80, s10, s25, $0xb8;
	[tilespmem:$0x1E000] =	vst v63  }
0xf7: {  	_ =	swait.ge [sflag:s0], $0x4000  }
0xf8: {  	[sflag:s0] =	ssyncset.done $0x0  }
0xf9: {  	[sflag:s0] =	ssyncadd.s32 $0xFFFFC000  }
0xfa: {  	[spmem:s1] =	stream.indirect.scatter.add.f32 [tilespmem:s26], [sflag:$0x5], $0x80, s11, s25, $0xb8;
	[tilespmem:$0x1E000] =	vst v63  }
0xfb: {  	_ =	swait.ge [sflag:s23], $0x4000  }
0xfc: {  	[sflag:s23] =	ssyncset.done $0x0  }
0xfd: {  	[sflag:s23] =	ssyncadd.s32 $0xFFFFC000  }
0xfe: {  	[tilespmem:s26], [sflag:$0x2] =	stream.indirect.gather [hbm4b:s4+s25], $0x80, s12, s25, $0xb8;
	[tilespmem:$0x1E000] =	vst v63  }
0xff: {  	_ =	swait.ge [sflag:s30], $0x4000  }
0x100: {  	[sflag:s30] =	ssyncset.done $0x0  }
0x101: {  	[sflag:s30] =	ssyncadd.s32 $0xFFFFC000  }
0x102: {  	[spmem:s1] =	stream.indirect.scatter.add.f32 [tilespmem:s22], [sflag:$0x5], $0x80, s13, s25, $0xb8;
	[tilespmem:$0x1E000] =	vst v63  }
0x103: {  	_ =	swait.ge [sflag:s23], $0x4000  }
0x104: {  	[sflag:s23] =	ssyncset.done $0x0  }
0x105: {  	[sflag:s23] =	ssyncadd.s32 $0xFFFFC000  }
0x106: {  	[tilespmem:s22], [sflag:$0x1] =	stream.indirect.gather [hbm4b:s4+s25], $0x80, s14, s25, $0xb8;
	[tilespmem:$0x1E000] =	vst v63  }
0x107: {  	_ =	swait.ge [sflag:s0], $0x4000  }
0x108: {  	[sflag:s0] =	ssyncset.done $0x0  }
0x109: {  	[sflag:s0] =	ssyncadd.s32 $0xFFFFC000  }
0x10a: {  	[spmem:s1] =	stream.indirect.scatter.add.f32 [tilespmem:s26], [sflag:$0x5], $0x80, s21, s25, $0xb8;
	[tilespmem:$0x1E000] =	vst v63  }
0x10b: {  	_ =	swait.ge [sflag:s23], $0x4000  }
0x10c: {  	[sflag:s23] =	ssyncset.done $0x0  }
0x10d: {  	[sflag:s23] =	ssyncadd.s32 $0xFFFFC000  }
0x10e: {  	[tilespmem:s26], [sflag:$0x2] =	stream.indirect.gather [hbm4b:s4+s25], $0x80, s28, s25, $0xb8;
	[tilespmem:$0x1E000] =	vst v63  }
0x10f: {  	_ =	swait.ge [sflag:s30], $0x4000  }
0x110: {  	[sflag:s30] =	ssyncset.done $0x0  }
0x111: {  	[sflag:s30] =	ssyncadd.s32 $0xFFFFC000  }
0x112: {  	[spmem:s1] =	stream.indirect.scatter.add.f32 [tilespmem:s22], [sflag:$0x5], $0x80, s31, s25, $0xb8;
	[tilespmem:$0x1E000] =	vst v63  }
0x113: {  	_ =	swait.ge [sflag:s23], $0x4000  }
0x114: {  	[sflag:s23] =	ssyncset.done $0x0  }
0x115: {  	s19 =	simm.s32 $0xC00;
	[sflag:s23] =	ssyncadd.s32 $0xFFFFC000  }
0x116: {  	[tilespmem:s22], [sflag:$0x1] =	stream.indirect.gather [hbm4b:s4+s25], $0x80, s19, s25, $0xb8;
	[tilespmem:$0x1E000] =	vst v63  }
0x117: {  	_ =	swait.ge [sflag:s0], $0x4000  }
0x118: {  	[sflag:s0] =	ssyncset.done $0x0  }
0x119: {  	s20 =	simm.s32 $0x1B80;
	[sflag:s0] =	ssyncadd.s32 $0xFFFFC000  }
0x11a: {  	[spmem:s1] =	stream.indirect.scatter.add.f32 [tilespmem:s26], [sflag:$0x5], $0x80, s20, s25, $0xb8;
	[tilespmem:$0x1E000] =	vst v63  }
0x11b: {  	_ =	swait.ge [sflag:s23], $0x4000  }
0x11c: {  	[sflag:s23] =	ssyncset.done $0x0  }
0x11d: {  	s18 =	simm.s32 $0xC80;
	[sflag:s23] =	ssyncadd.s32 $0xFFFFC000  }
0x11e: {  	[tilespmem:s26], [sflag:$0x2] =	stream.indirect.gather [hbm4b:s4+s25], $0x80, s18, s25, $0xb8;
	[tilespmem:$0x1E000] =	vst v63  }
0x11f: {  	_ =	swait.ge [sflag:s30], $0x4000  }
0x120: {  	[sflag:s30] =	ssyncset.done $0x0  }
0x121: {  	s18 =	simm.s32 $0x1C00;
	[sflag:s30] =	ssyncadd.s32 $0xFFFFC000  }
0x122: {  	[spmem:s1] =	stream.indirect.scatter.add.f32 [tilespmem:s22], [sflag:$0x5], $0x80, s18, s25, $0xb8;
	[tilespmem:$0x1E000] =	vst v63  }
0x123: {  	_ =	swait.ge [sflag:s23], $0x4000  }
0x124: {  	[sflag:s23] =	ssyncset.done $0x0  }
0x125: {  	s18 =	simm.s32 $0xD00;
	[sflag:s23] =	ssyncadd.s32 $0xFFFFC000  }
0x126: {  	[tilespmem:s22], [sflag:$0x1] =	stream.indirect.gather [hbm4b:s4+s25], $0x80, s18, s25, $0xb8;
	[tilespmem:$0x1E000] =	vst v63  }
0x127: {  	_ =	swait.ge [sflag:s0], $0x4000  }
0x128: {  	[sflag:s0] =	ssyncset.done $0x0  }
0x129: {  	s18 =	simm.s32 $0x1C80;
	[sflag:s0] =	ssyncadd.s32 $0xFFFFC000  }
0x12a: {  	[spmem:s1] =	stream.indirect.scatter.add.f32 [tilespmem:s26], [sflag:$0x5], $0x80, s18, s25, $0xb8;
	[tilespmem:$0x1E000] =	vst v63  }
0x12b: {  	_ =	swait.ge [sflag:s23], $0x4000  }
0x12c: {  	[sflag:s23] =	ssyncset.done $0x0  }
0x12d: {  	s18 =	simm.s32 $0xD80;
	[sflag:s23] =	ssyncadd.s32 $0xFFFFC000  }
0x12e: {  	[tilespmem:s26], [sflag:$0x2] =	stream.indirect.gather [hbm4b:s4+s25], $0x80, s18, s25, $0xb8;
	[tilespmem:$0x1E000] =	vst v63  }
0x12f: {  	_ =	swait.ge [sflag:s30], $0x4000  }
0x130: {  	[sflag:s30] =	ssyncset.done $0x0  }
0x131: {  	s18 =	simm.s32 $0x1D00;
	[sflag:s30] =	ssyncadd.s32 $0xFFFFC000  }
0x132: {  	[spmem:s1] =	stream.indirect.scatter.add.f32 [tilespmem:s22], [sflag:$0x5], $0x80, s18, s25, $0xb8;
	[tilespmem:$0x1E000] =	vst v63  }
0x133: {  	_ =	swait.ge [sflag:s23], $0x4000  }
0x134: {  	[sflag:s23] =	ssyncset.done $0x0  }
0x135: {  	s18 =	simm.s32 $0xE00;
	[sflag:s23] =	ssyncadd.s32 $0xFFFFC000  }
0x136: {  	[tilespmem:s22], [sflag:$0x1] =	stream.indirect.gather [hbm4b:s4+s25], $0x80, s18, s25, $0xb8;
	[tilespmem:$0x1E000] =	vst v63  }
0x137: {  	_ =	swait.ge [sflag:s0], $0x4000  }
0x138: {  	[sflag:s0] =	ssyncset.done $0x0  }
0x139: {  	s18 =	simm.s32 $0x1D80;
	[sflag:s0] =	ssyncadd.s32 $0xFFFFC000  }
0x13a: {  	[spmem:s1] =	stream.indirect.scatter.add.f32 [tilespmem:s26], [sflag:$0x5], $0x80, s18, s25, $0xb8;
	[tilespmem:$0x1E000] =	vst v63  }
0x13b: {  	_ =	swait.ge [sflag:s23], $0x4000  }
0x13c: {  	[sflag:s23] =	ssyncset.done $0x0  }
0x13d: {  	s18 =	simm.s32 $0xE80;
	[sflag:s23] =	ssyncadd.s32 $0xFFFFC000  }
0x13e: {  	[tilespmem:s26], [sflag:$0x2] =	stream.indirect.gather [hbm4b:s4+s25], $0x80, s18, s25, $0xb8;
	[tilespmem:$0x1E000] =	vst v63  }
0x13f: {  	_ =	swait.ge [sflag:s30], $0x4000  }
0x140: {  	[sflag:s30] =	ssyncset.done $0x0  }
0x141: {  	s18 =	simm.s32 $0x1E00;
	[sflag:s30] =	ssyncadd.s32 $0xFFFFC000  }
0x142: {  	[spmem:s1] =	stream.indirect.scatter.add.f32 [tilespmem:s22], [sflag:$0x5], $0x80, s18, s25, $0xb8;
	[tilespmem:$0x1E000] =	vst v63  }
0x143: {  	_ =	swait.ge [sflag:s23], $0x4000  }
0x144: {  	[sflag:s23] =	ssyncset.done $0x0  }
0x145: {  	s18 =	simm.s32 $0xF00;
	[sflag:s23] =	ssyncadd.s32 $0xFFFFC000  }
0x146: {  	[tilespmem:s22], [sflag:$0x1] =	stream.indirect.gather [hbm4b:s4+s25], $0x80, s18, s25, $0xb8;
	[tilespmem:$0x1E000] =	vst v63  }
0x147: {  	_ =	swait.ge [sflag:s0], $0x4000  }
0x148: {  	[sflag:s0] =	ssyncset.done $0x0  }
0x149: {  	s18 =	simm.s32 $0x1E80;
	[sflag:s0] =	ssyncadd.s32 $0xFFFFC000  }
0x14a: {  	[spmem:s1] =	stream.indirect.scatter.add.f32 [tilespmem:s26], [sflag:$0x5], $0x80, s18, s25, $0xb8;
	[tilespmem:$0x1E000] =	vst v63  }
0x14b: {  	_ =	swait.ge [sflag:s23], $0x4000  }
0x14c: {  	[sflag:s23] =	ssyncset.done $0x0  }
0x14d: {  	s18 =	simm.s32 $0xF80;
	[sflag:s23] =	ssyncadd.s32 $0xFFFFC000  }
0x14e: {  	[tilespmem:s26], [sflag:$0x2] =	stream.indirect.gather [hbm4b:s4+s25], $0x80, s18, s25, $0xb8;
	[tilespmem:$0x1E000] =	vst v63  }
0x14f: {  	_ =	swait.ge [sflag:s30], $0x4000  }
0x150: {  	[sflag:s30] =	ssyncset.done $0x0  }
0x151: {  	s18 =	simm.s32 $0x1F00;
	[sflag:s30] =	ssyncadd.s32 $0xFFFFC000  }
0x152: {  	[spmem:s1] =	stream.indirect.scatter.add.f32 [tilespmem:s22], [sflag:$0x5], $0x80, s18, s25, $0xb8;
	[tilespmem:$0x1E000] =	vst v63  }
0x153: {  	_ =	swait.ge [sflag:s23], $0x4000  }
0x154: {  	[sflag:s23] =	ssyncset.done $0x0  }
0x155: {  	[sflag:s23] =	ssyncadd.s32 $0xFFFFC000  }
0x156: {  	_ =	swait.ge [sflag:s0], $0x4000  }
0x157: {  	[sflag:s0] =	ssyncset.done $0x0  }
0x158: {  	s18 =	simm.s32 $0x1F80;
	[sflag:s0] =	ssyncadd.s32 $0xFFFFC000  }
0x159: {  	[spmem:s1] =	stream.indirect.scatter.add.f32 [tilespmem:s26], [sflag:$0x5], $0x80, s18, s25, $0xb8;
	[tilespmem:$0x1E000] =	vst v63  }
0x15a: {  	_ =	swait.ge [sflag:s23], $0x4000  }
0x15b: {  	[sflag:s23] =	ssyncset.done $0x0  }
0x15c: {  	[sflag:s23] =	ssyncadd.s32 $0xFFFFC000  }
0x15d: {  	_ =	swait.ge [sflag:s15], $0x800  }
0x15e: {  	[sflag:s15] =	ssyncset.done $0x0  }
0x15f: {  	[sflag:s15] =	ssyncadd.s32 $0xFFFFF800  }
0x160: {  	_ =	swait.ge [sflag:s16], $0x800  }
0x161: {  	[sflag:s16] =	ssyncset.done $0x0  }
0x162: {  	[sflag:s16] =	ssyncadd.s32 $0xFFFFF800  }
0x163: {  	[tilespmem:s22], [sflag:$0x1] =	stream.indirect.gather [hbm4b:s4+s25], $0x80, s2, s25, $0xb8;
	[tilespmem:$0x1E000] =	vst v63  }
0x164: {  	_ = 	snop  }
0x165: {  	[tilespmem:s26], [sflag:$0x2] =	stream.indirect.gather [hbm4b:s4+s25], $0x80, s25, s25, $0xb8;
	[tilespmem:$0x1E000] =	vst v63  }
0x166: {  	s18 =	rddreg [dreg:$0x9]  }
0x167: {  	[tilespmem:s29], [sflag:$0x3] =	stream.linear.gather [hbm4b:s18+s2], $0x800, $0x38;
	[tilespmem:$0x1E000] =	vst v63  }
0x168: {  	s18 =	rddreg [dreg:$0xa]  }
0x169: {  	[tilespmem:s5], [sflag:$0x4] =	stream.linear.gather [hbm4b:s18+s2], $0x800, $0x38;
	[tilespmem:$0x1E000] =	vst v63  }
0x16a: {  	_ =	swait.ge [sflag:s30], $0x4000  }
0x16b: {  	[sflag:s30] =	ssyncset.done $0x0  }
0x16c: {  	[sflag:s30] =	ssyncadd.s32 $0xFFFFC000  }
0x16d: {  	[spmem:s1] =	stream.indirect.scatter.add.f32 [tilespmem:s22], [sflag:$0x5], $0x80, s3, s25, $0xb8;
	[tilespmem:$0x1E000] =	vst v63  }
0x16e: {  	_ =	swait.ge [sflag:s23], $0x4000  }
0x16f: {  	[sflag:s23] =	ssyncset.done $0x0  }
0x170: {  	s18 =	simm.s32 $0x100;
	[sflag:s23] =	ssyncadd.s32 $0xFFFFC000  }
0x171: {  	[tilespmem:s22], [sflag:$0x1] =	stream.indirect.gather [hbm4b:s4+s25], $0x80, s18, s25, $0xb8;
	[tilespmem:$0x1E000] =	vst v63  }
0x172: {  	_ =	swait.ge [sflag:s0], $0x4000  }
0x173: {  	[sflag:s0] =	ssyncset.done $0x0  }
0x174: {  	s18 =	simm.s32 $0x1080;
	[sflag:s0] =	ssyncadd.s32 $0xFFFFC000  }
0x175: {  	[spmem:s1] =	stream.indirect.scatter.add.f32 [tilespmem:s26], [sflag:$0x5], $0x80, s18, s25, $0xb8;
	[tilespmem:$0x1E000] =	vst v63  }
0x176: {  	_ =	swait.ge [sflag:s23], $0x4000  }
0x177: {  	[sflag:s23] =	ssyncset.done $0x0  }
0x178: {  	s18 =	simm.s32 $0x180;
	[sflag:s23] =	ssyncadd.s32 $0xFFFFC000  }
0x179: {  	[tilespmem:s26], [sflag:$0x2] =	stream.indirect.gather [hbm4b:s4+s25], $0x80, s18, s25, $0xb8;
	[tilespmem:$0x1E000] =	vst v63  }
0x17a: {  	_ =	swait.ge [sflag:s30], $0x4000  }
0x17b: {  	[sflag:s30] =	ssyncset.done $0x0  }
0x17c: {  	s18 =	simm.s32 $0x1100;
	[sflag:s30] =	ssyncadd.s32 $0xFFFFC000  }
0x17d: {  	[spmem:s1] =	stream.indirect.scatter.add.f32 [tilespmem:s22], [sflag:$0x5], $0x80, s18, s25, $0xb8;
	[tilespmem:$0x1E000] =	vst v63  }
0x17e: {  	_ =	swait.ge [sflag:s23], $0x4000  }
0x17f: {  	[sflag:s23] =	ssyncset.done $0x0  }
0x180: {  	s18 =	simm.s32 $0x200;
	[sflag:s23] =	ssyncadd.s32 $0xFFFFC000  }
0x181: {  	[tilespmem:s22], [sflag:$0x1] =	stream.indirect.gather [hbm4b:s4+s25], $0x80, s18, s25, $0xb8;
	[tilespmem:$0x1E000] =	vst v63  }
0x182: {  	_ =	swait.ge [sflag:s0], $0x4000  }
0x183: {  	[sflag:s0] =	ssyncset.done $0x0  }
0x184: {  	s18 =	simm.s32 $0x1180;
	[sflag:s0] =	ssyncadd.s32 $0xFFFFC000  }
0x185: {  	[spmem:s1] =	stream.indirect.scatter.add.f32 [tilespmem:s26], [sflag:$0x5], $0x80, s18, s25, $0xb8;
	[tilespmem:$0x1E000] =	vst v63  }
0x186: {  	_ =	swait.ge [sflag:s23], $0x4000  }
0x187: {  	[sflag:s23] =	ssyncset.done $0x0  }
0x188: {  	s18 =	simm.s32 $0x280;
	[sflag:s23] =	ssyncadd.s32 $0xFFFFC000  }
0x189: {  	[tilespmem:s26], [sflag:$0x2] =	stream.indirect.gather [hbm4b:s4+s25], $0x80, s18, s25, $0xb8;
	[tilespmem:$0x1E000] =	vst v63  }
0x18a: {  	_ =	swait.ge [sflag:s30], $0x4000  }
0x18b: {  	[sflag:s30] =	ssyncset.done $0x0  }
0x18c: {  	s18 =	simm.s32 $0x1200;
	[sflag:s30] =	ssyncadd.s32 $0xFFFFC000  }
0x18d: {  	[spmem:s1] =	stream.indirect.scatter.add.f32 [tilespmem:s22], [sflag:$0x5], $0x80, s18, s25, $0xb8;
	[tilespmem:$0x1E000] =	vst v63  }
0x18e: {  	_ =	swait.ge [sflag:s23], $0x4000  }
0x18f: {  	[sflag:s23] =	ssyncset.done $0x0  }
0x190: {  	s18 =	simm.s32 $0x300;
	[sflag:s23] =	ssyncadd.s32 $0xFFFFC000  }
0x191: {  	[tilespmem:s22], [sflag:$0x1] =	stream.indirect.gather [hbm4b:s4+s25], $0x80, s18, s25, $0xb8;
	[tilespmem:$0x1E000] =	vst v63  }
0x192: {  	_ =	swait.ge [sflag:s0], $0x4000  }
0x193: {  	[sflag:s0] =	ssyncset.done $0x0  }
0x194: {  	s18 =	simm.s32 $0x1280;
	[sflag:s0] =	ssyncadd.s32 $0xFFFFC000  }
0x195: {  	[spmem:s1] =	stream.indirect.scatter.add.f32 [tilespmem:s26], [sflag:$0x5], $0x80, s18, s25, $0xb8;
	[tilespmem:$0x1E000] =	vst v63  }
0x196: {  	_ =	swait.ge [sflag:s23], $0x4000  }
0x197: {  	[sflag:s23] =	ssyncset.done $0x0  }
0x198: {  	s18 =	simm.s32 $0x380;
	[sflag:s23] =	ssyncadd.s32 $0xFFFFC000  }
0x199: {  	[tilespmem:s26], [sflag:$0x2] =	stream.indirect.gather [hbm4b:s4+s25], $0x80, s18, s25, $0xb8;
	[tilespmem:$0x1E000] =	vst v63  }
0x19a: {  	_ =	swait.ge [sflag:s30], $0x4000  }
0x19b: {  	[sflag:s30] =	ssyncset.done $0x0  }
0x19c: {  	s18 =	simm.s32 $0x1300;
	[sflag:s30] =	ssyncadd.s32 $0xFFFFC000  }
0x19d: {  	[spmem:s1] =	stream.indirect.scatter.add.f32 [tilespmem:s22], [sflag:$0x5], $0x80, s18, s25, $0xb8;
	[tilespmem:$0x1E000] =	vst v63  }
0x19e: {  	_ =	swait.ge [sflag:s23], $0x4000  }
0x19f: {  	[sflag:s23] =	ssyncset.done $0x0  }
0x1a0: {  	s18 =	simm.s32 $0x400;
	[sflag:s23] =	ssyncadd.s32 $0xFFFFC000  }
0x1a1: {  	[tilespmem:s22], [sflag:$0x1] =	stream.indirect.gather [hbm4b:s4+s25], $0x80, s18, s25, $0xb8;
	[tilespmem:$0x1E000] =	vst v63  }
0x1a2: {  	_ =	swait.ge [sflag:s0], $0x4000  }
0x1a3: {  	[sflag:s0] =	ssyncset.done $0x0  }
0x1a4: {  	s18 =	simm.s32 $0x1380;
	[sflag:s0] =	ssyncadd.s32 $0xFFFFC000  }
0x1a5: {  	[spmem:s1] =	stream.indirect.scatter.add.f32 [tilespmem:s26], [sflag:$0x5], $0x80, s18, s25, $0xb8;
	[tilespmem:$0x1E000] =	vst v63  }
0x1a6: {  	_ =	swait.ge [sflag:s23], $0x4000  }
0x1a7: {  	[sflag:s23] =	ssyncset.done $0x0  }
0x1a8: {  	s18 =	simm.s32 $0x480;
	[sflag:s23] =	ssyncadd.s32 $0xFFFFC000  }
0x1a9: {  	[tilespmem:s26], [sflag:$0x2] =	stream.indirect.gather [hbm4b:s4+s25], $0x80, s18, s25, $0xb8;
	[tilespmem:$0x1E000] =	vst v63  }
0x1aa: {  	_ =	swait.ge [sflag:s30], $0x4000  }
0x1ab: {  	[sflag:s30] =	ssyncset.done $0x0  }
0x1ac: {  	s18 =	simm.s32 $0x1400;
	[sflag:s30] =	ssyncadd.s32 $0xFFFFC000  }
0x1ad: {  	[spmem:s1] =	stream.indirect.scatter.add.f32 [tilespmem:s22], [sflag:$0x5], $0x80, s18, s25, $0xb8;
	[tilespmem:$0x1E000] =	vst v63  }
0x1ae: {  	_ =	swait.ge [sflag:s23], $0x4000  }
0x1af: {  	[sflag:s23] =	ssyncset.done $0x0  }
0x1b0: {  	s18 =	simm.s32 $0x500;
	[sflag:s23] =	ssyncadd.s32 $0xFFFFC000  }
0x1b1: {  	[tilespmem:s22], [sflag:$0x1] =	stream.indirect.gather [hbm4b:s4+s25], $0x80, s18, s25, $0xb8;
	[tilespmem:$0x1E000] =	vst v63  }
0x1b2: {  	_ =	swait.ge [sflag:s0], $0x4000  }
0x1b3: {  	[sflag:s0] =	ssyncset.done $0x0  }
0x1b4: {  	s18 =	simm.s32 $0x1480;
	[sflag:s0] =	ssyncadd.s32 $0xFFFFC000  }
0x1b5: {  	[spmem:s1] =	stream.indirect.scatter.add.f32 [tilespmem:s26], [sflag:$0x5], $0x80, s18, s25, $0xb8;
	[tilespmem:$0x1E000] =	vst v63  }
0x1b6: {  	_ =	swait.ge [sflag:s23], $0x4000  }
0x1b7: {  	[sflag:s23] =	ssyncset.done $0x0  }
0x1b8: {  	s18 =	simm.s32 $0x580;
	[sflag:s23] =	ssyncadd.s32 $0xFFFFC000  }
0x1b9: {  	[tilespmem:s26], [sflag:$0x2] =	stream.indirect.gather [hbm4b:s4+s25], $0x80, s18, s25, $0xb8;
	[tilespmem:$0x1E000] =	vst v63  }
0x1ba: {  	_ =	swait.ge [sflag:s30], $0x4000  }
0x1bb: {  	[sflag:s30] =	ssyncset.done $0x0  }
0x1bc: {  	s18 =	simm.s32 $0x1500;
	[sflag:s30] =	ssyncadd.s32 $0xFFFFC000  }
0x1bd: {  	[spmem:s1] =	stream.indirect.scatter.add.f32 [tilespmem:s22], [sflag:$0x5], $0x80, s18, s25, $0xb8;
	[tilespmem:$0x1E000] =	vst v63  }
0x1be: {  	_ =	swait.ge [sflag:s23], $0x4000  }
0x1bf: {  	[sflag:s23] =	ssyncset.done $0x0  }
0x1c0: {  	s18 =	simm.s32 $0x600;
	[sflag:s23] =	ssyncadd.s32 $0xFFFFC000  }
0x1c1: {  	[tilespmem:s22], [sflag:$0x1] =	stream.indirect.gather [hbm4b:s4+s25], $0x80, s18, s25, $0xb8;
	[tilespmem:$0x1E000] =	vst v63  }
0x1c2: {  	_ =	swait.ge [sflag:s0], $0x4000  }
0x1c3: {  	[sflag:s0] =	ssyncset.done $0x0  }
0x1c4: {  	s18 =	simm.s32 $0x1580;
	[sflag:s0] =	ssyncadd.s32 $0xFFFFC000  }
0x1c5: {  	[spmem:s1] =	stream.indirect.scatter.add.f32 [tilespmem:s26], [sflag:$0x5], $0x80, s18, s25, $0xb8;
	[tilespmem:$0x1E000] =	vst v63  }
0x1c6: {  	_ =	swait.ge [sflag:s23], $0x4000  }
0x1c7: {  	[sflag:s23] =	ssyncset.done $0x0  }
0x1c8: {  	s18 =	simm.s32 $0x680;
	[sflag:s23] =	ssyncadd.s32 $0xFFFFC000  }
0x1c9: {  	[tilespmem:s26], [sflag:$0x2] =	stream.indirect.gather [hbm4b:s4+s25], $0x80, s18, s25, $0xb8;
	[tilespmem:$0x1E000] =	vst v63  }
0x1ca: {  	_ =	swait.ge [sflag:s30], $0x4000  }
0x1cb: {  	[sflag:s30] =	ssyncset.done $0x0  }
0x1cc: {  	s18 =	simm.s32 $0x1600;
	[sflag:s30] =	ssyncadd.s32 $0xFFFFC000  }
0x1cd: {  	[spmem:s1] =	stream.indirect.scatter.add.f32 [tilespmem:s22], [sflag:$0x5], $0x80, s18, s25, $0xb8;
	[tilespmem:$0x1E000] =	vst v63  }
0x1ce: {  	_ =	swait.ge [sflag:s23], $0x4000  }
0x1cf: {  	[sflag:s23] =	ssyncset.done $0x0  }
0x1d0: {  	s18 =	simm.s32 $0x700;
	[sflag:s23] =	ssyncadd.s32 $0xFFFFC000  }
0x1d1: {  	[tilespmem:s22], [sflag:$0x1] =	stream.indirect.gather [hbm4b:s4+s25], $0x80, s18, s25, $0xb8;
	[tilespmem:$0x1E000] =	vst v63  }
0x1d2: {  	_ =	swait.ge [sflag:s0], $0x4000  }
0x1d3: {  	[sflag:s0] =	ssyncset.done $0x0  }
0x1d4: {  	s18 =	simm.s32 $0x1680;
	[sflag:s0] =	ssyncadd.s32 $0xFFFFC000  }
0x1d5: {  	[spmem:s1] =	stream.indirect.scatter.add.f32 [tilespmem:s26], [sflag:$0x5], $0x80, s18, s25, $0xb8;
	[tilespmem:$0x1E000] =	vst v63  }
0x1d6: {  	_ =	swait.ge [sflag:s23], $0x4000  }
0x1d7: {  	[sflag:s23] =	ssyncset.done $0x0  }
0x1d8: {  	s18 =	simm.s32 $0x780;
	[sflag:s23] =	ssyncadd.s32 $0xFFFFC000  }
0x1d9: {  	[tilespmem:s26], [sflag:$0x2] =	stream.indirect.gather [hbm4b:s4+s25], $0x80, s18, s25, $0xb8;
	[tilespmem:$0x1E000] =	vst v63  }
0x1da: {  	_ =	swait.ge [sflag:s30], $0x4000  }
0x1db: {  	[sflag:s30] =	ssyncset.done $0x0  }
0x1dc: {  	s18 =	simm.s32 $0x1700;
	[sflag:s30] =	ssyncadd.s32 $0xFFFFC000  }
0x1dd: {  	[spmem:s1] =	stream.indirect.scatter.add.f32 [tilespmem:s22], [sflag:$0x5], $0x80, s18, s25, $0xb8;
	[tilespmem:$0x1E000] =	vst v63  }
0x1de: {  	_ =	swait.ge [sflag:s23], $0x4000  }
0x1df: {  	[sflag:s23] =	ssyncset.done $0x0  }
0x1e0: {  	[sflag:s23] =	ssyncadd.s32 $0xFFFFC000  }
0x1e1: {  	_ =	swait.ge [sflag:s0], $0x4000  }
0x1e2: {  	[sflag:s0] =	ssyncset.done $0x0  }
0x1e3: {  	s18 =	simm.s32 $0x1780;
	[sflag:s0] =	ssyncadd.s32 $0xFFFFC000  }
0x1e4: {  	[spmem:s1] =	stream.indirect.scatter.add.f32 [tilespmem:s26], [sflag:$0x5], $0x80, s18, s25, $0xb8;
	[tilespmem:$0x1E000] =	vst v63  }
0x1e5: {  	_ =	swait.ge [sflag:s23], $0x4000  }
0x1e6: {  	[sflag:s23] =	ssyncset.done $0x0  }
0x1e7: {  	[sflag:s23] =	ssyncadd.s32 $0xFFFFC000  }
0x1e8: {  	_ =	swait.ge [sflag:s15], $0x800  }
0x1e9: {  	[sflag:s15] =	ssyncset.done $0x0  }
0x1ea: {  	[sflag:s15] =	ssyncadd.s32 $0xFFFFF800  }
0x1eb: {  	_ =	swait.ge [sflag:s16], $0x800  }
0x1ec: {  	[sflag:s16] =	ssyncset.done $0x0  }
0x1ed: {  	[sflag:s16] =	ssyncadd.s32 $0xFFFFF800  }
0x1ee: {  	[tilespmem:s22], [sflag:$0x1] =	stream.indirect.gather [hbm4b:s4+s25], $0x80, s29, s25, $0xb8;
	[tilespmem:$0x1E000] =	vst v63  }
0x1ef: {  	_ = 	snop  }
0x1f0: {  	[tilespmem:s26], [sflag:$0x2] =	stream.indirect.gather [hbm4b:s4+s25], $0x80, s24, s25, $0xb8;
	[tilespmem:$0x1E000] =	vst v63  }
0x1f1: {  	s18 =	rddreg [dreg:$0xb]  }
0x1f2: {  	[tilespmem:s2], [sflag:$0x3] =	stream.linear.gather [hbm4b:s18+s2], $0x800, $0x38;
	[tilespmem:$0x1E000] =	vst v63  }
0x1f3: {  	s18 =	rddreg [dreg:$0xc]  }
0x1f4: {  	[tilespmem:s3], [sflag:$0x4] =	stream.linear.gather [hbm4b:s18+s2], $0x800, $0x38;
	[tilespmem:$0x1E000] =	vst v63  }
0x1f5: {  	_ =	swait.ge [sflag:s30], $0x4000  }
0x1f6: {  	[sflag:s30] =	ssyncset.done $0x0  }
0x1f7: {  	[sflag:s30] =	ssyncadd.s32 $0xFFFFC000  }
0x1f8: {  	[spmem:s1] =	stream.indirect.scatter.add.f32 [tilespmem:s22], [sflag:$0x5], $0x80, s5, s25, $0xb8;
	[tilespmem:$0x1E000] =	vst v63  }
0x1f9: {  	_ =	swait.ge [sflag:s23], $0x4000  }
0x1fa: {  	[sflag:s23] =	ssyncset.done $0x0  }
0x1fb: {  	[sflag:s23] =	ssyncadd.s32 $0xFFFFC000  }
0x1fc: {  	[tilespmem:s22], [sflag:$0x1] =	stream.indirect.gather [hbm4b:s4+s25], $0x80, s6, s25, $0xb8;
	[tilespmem:$0x1E000] =	vst v63  }
0x1fd: {  	_ =	swait.ge [sflag:s0], $0x4000  }
0x1fe: {  	[sflag:s0] =	ssyncset.done $0x0  }
0x1ff: {  	[sflag:s0] =	ssyncadd.s32 $0xFFFFC000  }
0x200: {  	[spmem:s1] =	stream.indirect.scatter.add.f32 [tilespmem:s26], [sflag:$0x5], $0x80, s7, s25, $0xb8;
	[tilespmem:$0x1E000] =	vst v63  }
0x201: {  	_ =	swait.ge [sflag:s23], $0x4000  }
0x202: {  	[sflag:s23] =	ssyncset.done $0x0  }
0x203: {  	[sflag:s23] =	ssyncadd.s32 $0xFFFFC000  }
0x204: {  	[tilespmem:s26], [sflag:$0x2] =	stream.indirect.gather [hbm4b:s4+s25], $0x80, s8, s25, $0xb8;
	[tilespmem:$0x1E000] =	vst v63  }
0x205: {  	_ =	swait.ge [sflag:s30], $0x4000  }
0x206: {  	[sflag:s30] =	ssyncset.done $0x0  }
0x207: {  	[sflag:s30] =	ssyncadd.s32 $0xFFFFC000  }
0x208: {  	[spmem:s1] =	stream.indirect.scatter.add.f32 [tilespmem:s22], [sflag:$0x5], $0x80, s9, s25, $0xb8;
	[tilespmem:$0x1E000] =	vst v63  }
0x209: {  	_ =	swait.ge [sflag:s23], $0x4000  }
0x20a: {  	[sflag:s23] =	ssyncset.done $0x0  }
0x20b: {  	[sflag:s23] =	ssyncadd.s32 $0xFFFFC000  }
0x20c: {  	[tilespmem:s22], [sflag:$0x1] =	stream.indirect.gather [hbm4b:s4+s25], $0x80, s10, s25, $0xb8;
	[tilespmem:$0x1E000] =	vst v63  }
0x20d: {  	_ =	swait.ge [sflag:s0], $0x4000  }
0x20e: {  	[sflag:s0] =	ssyncset.done $0x0  }
0x20f: {  	[sflag:s0] =	ssyncadd.s32 $0xFFFFC000  }
0x210: {  	[spmem:s1] =	stream.indirect.scatter.add.f32 [tilespmem:s26], [sflag:$0x5], $0x80, s11, s25, $0xb8;
	[tilespmem:$0x1E000] =	vst v63  }
0x211: {  	_ =	swait.ge [sflag:s23], $0x4000  }
0x212: {  	[sflag:s23] =	ssyncset.done $0x0  }
0x213: {  	[sflag:s23] =	ssyncadd.s32 $0xFFFFC000  }
0x214: {  	[tilespmem:s26], [sflag:$0x2] =	stream.indirect.gather [hbm4b:s4+s25], $0x80, s12, s25, $0xb8;
	[tilespmem:$0x1E000] =	vst v63  }
0x215: {  	_ =	swait.ge [sflag:s30], $0x4000  }
0x216: {  	[sflag:s30] =	ssyncset.done $0x0  }
0x217: {  	[sflag:s30] =	ssyncadd.s32 $0xFFFFC000  }
0x218: {  	[spmem:s1] =	stream.indirect.scatter.add.f32 [tilespmem:s22], [sflag:$0x5], $0x80, s13, s25, $0xb8;
	[tilespmem:$0x1E000] =	vst v63  }
0x219: {  	_ =	swait.ge [sflag:s23], $0x4000  }
0x21a: {  	[sflag:s23] =	ssyncset.done $0x0  }
0x21b: {  	[sflag:s23] =	ssyncadd.s32 $0xFFFFC000  }
0x21c: {  	[tilespmem:s22], [sflag:$0x1] =	stream.indirect.gather [hbm4b:s4+s25], $0x80, s14, s25, $0xb8;
	[tilespmem:$0x1E000] =	vst v63  }
0x21d: {  	_ =	swait.ge [sflag:s0], $0x4000  }
0x21e: {  	[sflag:s0] =	ssyncset.done $0x0  }
0x21f: {  	[sflag:s0] =	ssyncadd.s32 $0xFFFFC000  }
0x220: {  	[spmem:s1] =	stream.indirect.scatter.add.f32 [tilespmem:s26], [sflag:$0x5], $0x80, s21, s25, $0xb8;
	[tilespmem:$0x1E000] =	vst v63  }
0x221: {  	_ =	swait.ge [sflag:s23], $0x4000  }
0x222: {  	[sflag:s23] =	ssyncset.done $0x0  }
0x223: {  	[sflag:s23] =	ssyncadd.s32 $0xFFFFC000  }
0x224: {  	[tilespmem:s26], [sflag:$0x2] =	stream.indirect.gather [hbm4b:s4+s25], $0x80, s28, s25, $0xb8;
	[tilespmem:$0x1E000] =	vst v63  }
0x225: {  	_ =	swait.ge [sflag:s30], $0x4000  }
0x226: {  	[sflag:s30] =	ssyncset.done $0x0  }
0x227: {  	[sflag:s30] =	ssyncadd.s32 $0xFFFFC000  }
0x228: {  	[spmem:s1] =	stream.indirect.scatter.add.f32 [tilespmem:s22], [sflag:$0x5], $0x80, s31, s25, $0xb8;
	[tilespmem:$0x1E000] =	vst v63  }
0x229: {  	_ =	swait.ge [sflag:s23], $0x4000  }
0x22a: {  	[sflag:s23] =	ssyncset.done $0x0  }
0x22b: {  	[sflag:s23] =	ssyncadd.s32 $0xFFFFC000  }
0x22c: {  	[tilespmem:s22], [sflag:$0x1] =	stream.indirect.gather [hbm4b:s4+s25], $0x80, s19, s25, $0xb8;
	[tilespmem:$0x1E000] =	vst v63  }
0x22d: {  	_ =	swait.ge [sflag:s0], $0x4000  }
0x22e: {  	[sflag:s0] =	ssyncset.done $0x0  }
0x22f: {  	[sflag:s0] =	ssyncadd.s32 $0xFFFFC000  }
0x230: {  	[spmem:s1] =	stream.indirect.scatter.add.f32 [tilespmem:s26], [sflag:$0x5], $0x80, s20, s25, $0xb8;
	[tilespmem:$0x1E000] =	vst v63  }
0x231: {  	_ =	swait.ge [sflag:s23], $0x4000  }
0x232: {  	[sflag:s23] =	ssyncset.done $0x0  }
0x233: {  	s6 =	simm.s32 $0xC80;
	[sflag:s23] =	ssyncadd.s32 $0xFFFFC000  }
0x234: {  	[tilespmem:s26], [sflag:$0x2] =	stream.indirect.gather [hbm4b:s4+s25], $0x80, s6, s25, $0xb8;
	[tilespmem:$0x1E000] =	vst v63  }
0x235: {  	_ =	swait.ge [sflag:s30], $0x4000  }
0x236: {  	[sflag:s30] =	ssyncset.done $0x0  }
0x237: {  	s18 =	simm.s32 $0x1C00;
	[sflag:s30] =	ssyncadd.s32 $0xFFFFC000  }
0x238: {  	[spmem:s1] =	stream.indirect.scatter.add.f32 [tilespmem:s22], [sflag:$0x5], $0x80, s18, s25, $0xb8;
	[tilespmem:$0x1E000] =	vst v63  }
0x239: {  	_ =	swait.ge [sflag:s23], $0x4000  }
0x23a: {  	[sflag:s23] =	ssyncset.done $0x0  }
0x23b: {  	s19 =	simm.s32 $0xD00;
	[sflag:s23] =	ssyncadd.s32 $0xFFFFC000  }
0x23c: {  	[tilespmem:s22], [sflag:$0x1] =	stream.indirect.gather [hbm4b:s4+s25], $0x80, s19, s25, $0xb8;
	[tilespmem:$0x1E000] =	vst v63  }
0x23d: {  	_ =	swait.ge [sflag:s0], $0x4000  }
0x23e: {  	[sflag:s0] =	ssyncset.done $0x0  }
0x23f: {  	s20 =	simm.s32 $0x1C80;
	[sflag:s0] =	ssyncadd.s32 $0xFFFFC000  }
0x240: {  	[spmem:s1] =	stream.indirect.scatter.add.f32 [tilespmem:s26], [sflag:$0x5], $0x80, s20, s25, $0xb8;
	[tilespmem:$0x1E000] =	vst v63  }
0x241: {  	_ =	swait.ge [sflag:s23], $0x4000  }
0x242: {  	[sflag:s23] =	ssyncset.done $0x0  }
0x243: {  	s6 =	simm.s32 $0xD80;
	[sflag:s23] =	ssyncadd.s32 $0xFFFFC000  }
0x244: {  	[tilespmem:s26], [sflag:$0x2] =	stream.indirect.gather [hbm4b:s4+s25], $0x80, s6, s25, $0xb8;
	[tilespmem:$0x1E000] =	vst v63  }
0x245: {  	_ =	swait.ge [sflag:s30], $0x4000  }
0x246: {  	[sflag:s30] =	ssyncset.done $0x0  }
0x247: {  	s18 =	simm.s32 $0x1D00;
	[sflag:s30] =	ssyncadd.s32 $0xFFFFC000  }
0x248: {  	[spmem:s1] =	stream.indirect.scatter.add.f32 [tilespmem:s22], [sflag:$0x5], $0x80, s18, s25, $0xb8;
	[tilespmem:$0x1E000] =	vst v63  }
0x249: {  	_ =	swait.ge [sflag:s23], $0x4000  }
0x24a: {  	[sflag:s23] =	ssyncset.done $0x0  }
0x24b: {  	s19 =	simm.s32 $0xE00;
	[sflag:s23] =	ssyncadd.s32 $0xFFFFC000  }
0x24c: {  	[tilespmem:s22], [sflag:$0x1] =	stream.indirect.gather [hbm4b:s4+s25], $0x80, s19, s25, $0xb8;
	[tilespmem:$0x1E000] =	vst v63  }
0x24d: {  	_ =	swait.ge [sflag:s0], $0x4000  }
0x24e: {  	[sflag:s0] =	ssyncset.done $0x0  }
0x24f: {  	s20 =	simm.s32 $0x1D80;
	[sflag:s0] =	ssyncadd.s32 $0xFFFFC000  }
0x250: {  	[spmem:s1] =	stream.indirect.scatter.add.f32 [tilespmem:s26], [sflag:$0x5], $0x80, s20, s25, $0xb8;
	[tilespmem:$0x1E000] =	vst v63  }
0x251: {  	_ =	swait.ge [sflag:s23], $0x4000  }
0x252: {  	[sflag:s23] =	ssyncset.done $0x0  }
0x253: {  	s6 =	simm.s32 $0xE80;
	[sflag:s23] =	ssyncadd.s32 $0xFFFFC000  }
0x254: {  	[tilespmem:s26], [sflag:$0x2] =	stream.indirect.gather [hbm4b:s4+s25], $0x80, s6, s25, $0xb8;
	[tilespmem:$0x1E000] =	vst v63  }
0x255: {  	_ =	swait.ge [sflag:s30], $0x4000  }
0x256: {  	[sflag:s30] =	ssyncset.done $0x0  }
0x257: {  	s18 =	simm.s32 $0x1E00;
	[sflag:s30] =	ssyncadd.s32 $0xFFFFC000  }
0x258: {  	[spmem:s1] =	stream.indirect.scatter.add.f32 [tilespmem:s22], [sflag:$0x5], $0x80, s18, s25, $0xb8;
	[tilespmem:$0x1E000] =	vst v63  }
0x259: {  	_ =	swait.ge [sflag:s23], $0x4000  }
0x25a: {  	[sflag:s23] =	ssyncset.done $0x0  }
0x25b: {  	s19 =	simm.s32 $0xF00;
	[sflag:s23] =	ssyncadd.s32 $0xFFFFC000  }
0x25c: {  	[tilespmem:s22], [sflag:$0x1] =	stream.indirect.gather [hbm4b:s4+s25], $0x80, s19, s25, $0xb8;
	[tilespmem:$0x1E000] =	vst v63  }
0x25d: {  	_ =	swait.ge [sflag:s0], $0x4000  }
0x25e: {  	[sflag:s0] =	ssyncset.done $0x0  }
0x25f: {  	s20 =	simm.s32 $0x1E80;
	[sflag:s0] =	ssyncadd.s32 $0xFFFFC000  }
0x260: {  	[spmem:s1] =	stream.indirect.scatter.add.f32 [tilespmem:s26], [sflag:$0x5], $0x80, s20, s25, $0xb8;
	[tilespmem:$0x1E000] =	vst v63  }
0x261: {  	_ =	swait.ge [sflag:s23], $0x4000  }
0x262: {  	[sflag:s23] =	ssyncset.done $0x0  }
0x263: {  	s6 =	simm.s32 $0xF80;
	[sflag:s23] =	ssyncadd.s32 $0xFFFFC000  }
0x264: {  	[tilespmem:s26], [sflag:$0x2] =	stream.indirect.gather [hbm4b:s4+s25], $0x80, s6, s25, $0xb8;
	[tilespmem:$0x1E000] =	vst v63  }
0x265: {  	_ =	swait.ge [sflag:s30], $0x4000  }
0x266: {  	[sflag:s30] =	ssyncset.done $0x0  }
0x267: {  	s18 =	simm.s32 $0x1F00;
	[sflag:s30] =	ssyncadd.s32 $0xFFFFC000  }
0x268: {  	[spmem:s1] =	stream.indirect.scatter.add.f32 [tilespmem:s22], [sflag:$0x5], $0x80, s18, s25, $0xb8;
	[tilespmem:$0x1E000] =	vst v63  }
0x269: {  	_ =	swait.ge [sflag:s23], $0x4000  }
0x26a: {  	[sflag:s23] =	ssyncset.done $0x0  }
0x26b: {  	[sflag:s23] =	ssyncadd.s32 $0xFFFFC000  }
0x26c: {  	_ =	swait.ge [sflag:s0], $0x4000  }
0x26d: {  	[sflag:s0] =	ssyncset.done $0x0  }
0x26e: {  	s19 =	simm.s32 $0x1F80;
	[sflag:s0] =	ssyncadd.s32 $0xFFFFC000  }
0x26f: {  	[spmem:s1] =	stream.indirect.scatter.add.f32 [tilespmem:s26], [sflag:$0x5], $0x80, s19, s25, $0xb8;
	[tilespmem:$0x1E000] =	vst v63  }
0x270: {  	_ =	swait.ge [sflag:s23], $0x4000  }
0x271: {  	[sflag:s23] =	ssyncset.done $0x0  }
0x272: {  	[sflag:s23] =	ssyncadd.s32 $0xFFFFC000  }
0x273: {  	_ =	swait.ge [sflag:s15], $0x800  }
0x274: {  	[sflag:s15] =	ssyncset.done $0x0  }
0x275: {  	[sflag:s15] =	ssyncadd.s32 $0xFFFFF800  }
0x276: {  	_ =	swait.ge [sflag:s16], $0x800  }
0x277: {  	[sflag:s16] =	ssyncset.done $0x0  }
0x278: {  	[sflag:s16] =	ssyncadd.s32 $0xFFFFF800  }
0x279: {  	[tilespmem:s22], [sflag:$0x1] =	stream.indirect.gather [hbm4b:s4+s25], $0x80, s2, s25, $0xb8;
	[tilespmem:$0x1E000] =	vst v63  }
0x27a: {  	_ = 	snop  }
0x27b: {  	[tilespmem:s26], [sflag:$0x2] =	stream.indirect.gather [hbm4b:s4+s25], $0x80, s25, s25, $0xb8;
	[tilespmem:$0x1E000] =	vst v63  }
0x27c: {  	_ =	swait.ge [sflag:s30], $0x4000  }
0x27d: {  	[sflag:s30] =	ssyncset.done $0x0  }
0x27e: {  	[sflag:s30] =	ssyncadd.s32 $0xFFFFC000  }
0x27f: {  	[spmem:s1] =	stream.indirect.scatter.add.f32 [tilespmem:s22], [sflag:$0x5], $0x80, s3, s25, $0xb8;
	[tilespmem:$0x1E000] =	vst v63  }
0x280: {  	_ =	swait.ge [sflag:s23], $0x4000  }
0x281: {  	[sflag:s23] =	ssyncset.done $0x0  }
0x282: {  	s20 =	simm.s32 $0x100;
	[sflag:s23] =	ssyncadd.s32 $0xFFFFC000  }
0x283: {  	[tilespmem:s22], [sflag:$0x1] =	stream.indirect.gather [hbm4b:s4+s25], $0x80, s20, s25, $0xb8;
	[tilespmem:$0x1E000] =	vst v63  }
0x284: {  	_ =	swait.ge [sflag:s0], $0x4000  }
0x285: {  	[sflag:s0] =	ssyncset.done $0x0  }
0x286: {  	s5 =	simm.s32 $0x1080;
	[sflag:s0] =	ssyncadd.s32 $0xFFFFC000  }
0x287: {  	[spmem:s1] =	stream.indirect.scatter.add.f32 [tilespmem:s26], [sflag:$0x5], $0x80, s5, s25, $0xb8;
	[tilespmem:$0x1E000] =	vst v63  }
0x288: {  	_ =	swait.ge [sflag:s23], $0x4000  }
0x289: {  	[sflag:s23] =	ssyncset.done $0x0  }
0x28a: {  	s6 =	simm.s32 $0x180;
	[sflag:s23] =	ssyncadd.s32 $0xFFFFC000  }
0x28b: {  	[tilespmem:s26], [sflag:$0x2] =	stream.indirect.gather [hbm4b:s4+s25], $0x80, s6, s25, $0xb8;
	[tilespmem:$0x1E000] =	vst v63  }
0x28c: {  	_ =	swait.ge [sflag:s30], $0x4000  }
0x28d: {  	[sflag:s30] =	ssyncset.done $0x0  }
0x28e: {  	s18 =	simm.s32 $0x1100;
	[sflag:s30] =	ssyncadd.s32 $0xFFFFC000  }
0x28f: {  	[spmem:s1] =	stream.indirect.scatter.add.f32 [tilespmem:s22], [sflag:$0x5], $0x80, s18, s25, $0xb8;
	[tilespmem:$0x1E000] =	vst v63  }
0x290: {  	_ =	swait.ge [sflag:s23], $0x4000  }
0x291: {  	[sflag:s23] =	ssyncset.done $0x0  }
0x292: {  	s19 =	simm.s32 $0x200;
	[sflag:s23] =	ssyncadd.s32 $0xFFFFC000  }
0x293: {  	[tilespmem:s22], [sflag:$0x1] =	stream.indirect.gather [hbm4b:s4+s25], $0x80, s19, s25, $0xb8;
	[tilespmem:$0x1E000] =	vst v63  }
0x294: {  	_ =	swait.ge [sflag:s0], $0x4000  }
0x295: {  	[sflag:s0] =	ssyncset.done $0x0  }
0x296: {  	s20 =	simm.s32 $0x1180;
	[sflag:s0] =	ssyncadd.s32 $0xFFFFC000  }
0x297: {  	[spmem:s1] =	stream.indirect.scatter.add.f32 [tilespmem:s26], [sflag:$0x5], $0x80, s20, s25, $0xb8;
	[tilespmem:$0x1E000] =	vst v63  }
0x298: {  	_ =	swait.ge [sflag:s23], $0x4000  }
0x299: {  	[sflag:s23] =	ssyncset.done $0x0  }
0x29a: {  	s5 =	simm.s32 $0x280;
	[sflag:s23] =	ssyncadd.s32 $0xFFFFC000  }
0x29b: {  	[tilespmem:s26], [sflag:$0x2] =	stream.indirect.gather [hbm4b:s4+s25], $0x80, s5, s25, $0xb8;
	[tilespmem:$0x1E000] =	vst v63  }
0x29c: {  	_ =	swait.ge [sflag:s30], $0x4000  }
0x29d: {  	[sflag:s30] =	ssyncset.done $0x0  }
0x29e: {  	s6 =	simm.s32 $0x1200;
	[sflag:s30] =	ssyncadd.s32 $0xFFFFC000  }
0x29f: {  	[spmem:s1] =	stream.indirect.scatter.add.f32 [tilespmem:s22], [sflag:$0x5], $0x80, s6, s25, $0xb8;
	[tilespmem:$0x1E000] =	vst v63  }
0x2a0: {  	_ =	swait.ge [sflag:s23], $0x4000  }
0x2a1: {  	[sflag:s23] =	ssyncset.done $0x0  }
0x2a2: {  	s18 =	simm.s32 $0x300;
	[sflag:s23] =	ssyncadd.s32 $0xFFFFC000  }
0x2a3: {  	[tilespmem:s22], [sflag:$0x1] =	stream.indirect.gather [hbm4b:s4+s25], $0x80, s18, s25, $0xb8;
	[tilespmem:$0x1E000] =	vst v63  }
0x2a4: {  	_ =	swait.ge [sflag:s0], $0x4000  }
0x2a5: {  	[sflag:s0] =	ssyncset.done $0x0  }
0x2a6: {  	s19 =	simm.s32 $0x1280;
	[sflag:s0] =	ssyncadd.s32 $0xFFFFC000  }
0x2a7: {  	[spmem:s1] =	stream.indirect.scatter.add.f32 [tilespmem:s26], [sflag:$0x5], $0x80, s19, s25, $0xb8;
	[tilespmem:$0x1E000] =	vst v63  }
0x2a8: {  	_ =	swait.ge [sflag:s23], $0x4000  }
0x2a9: {  	[sflag:s23] =	ssyncset.done $0x0  }
0x2aa: {  	s20 =	simm.s32 $0x380;
	[sflag:s23] =	ssyncadd.s32 $0xFFFFC000  }
0x2ab: {  	[tilespmem:s26], [sflag:$0x2] =	stream.indirect.gather [hbm4b:s4+s25], $0x80, s20, s25, $0xb8;
	[tilespmem:$0x1E000] =	vst v63  }
0x2ac: {  	_ =	swait.ge [sflag:s30], $0x4000  }
0x2ad: {  	[sflag:s30] =	ssyncset.done $0x0  }
0x2ae: {  	s5 =	simm.s32 $0x1300;
	[sflag:s30] =	ssyncadd.s32 $0xFFFFC000  }
0x2af: {  	[spmem:s1] =	stream.indirect.scatter.add.f32 [tilespmem:s22], [sflag:$0x5], $0x80, s5, s25, $0xb8;
	[tilespmem:$0x1E000] =	vst v63  }
0x2b0: {  	_ =	swait.ge [sflag:s23], $0x4000  }
0x2b1: {  	[sflag:s23] =	ssyncset.done $0x0  }
0x2b2: {  	s6 =	simm.s32 $0x400;
	[sflag:s23] =	ssyncadd.s32 $0xFFFFC000  }
0x2b3: {  	[tilespmem:s22], [sflag:$0x1] =	stream.indirect.gather [hbm4b:s4+s25], $0x80, s6, s25, $0xb8;
	[tilespmem:$0x1E000] =	vst v63  }
0x2b4: {  	_ =	swait.ge [sflag:s0], $0x4000  }
0x2b5: {  	[sflag:s0] =	ssyncset.done $0x0  }
0x2b6: {  	s18 =	simm.s32 $0x1380;
	[sflag:s0] =	ssyncadd.s32 $0xFFFFC000  }
0x2b7: {  	[spmem:s1] =	stream.indirect.scatter.add.f32 [tilespmem:s26], [sflag:$0x5], $0x80, s18, s25, $0xb8;
	[tilespmem:$0x1E000] =	vst v63  }
0x2b8: {  	_ =	swait.ge [sflag:s23], $0x4000  }
0x2b9: {  	[sflag:s23] =	ssyncset.done $0x0  }
0x2ba: {  	s19 =	simm.s32 $0x480;
	[sflag:s23] =	ssyncadd.s32 $0xFFFFC000  }
0x2bb: {  	[tilespmem:s26], [sflag:$0x2] =	stream.indirect.gather [hbm4b:s4+s25], $0x80, s19, s25, $0xb8;
	[tilespmem:$0x1E000] =	vst v63  }
0x2bc: {  	_ =	swait.ge [sflag:s30], $0x4000  }
0x2bd: {  	[sflag:s30] =	ssyncset.done $0x0  }
0x2be: {  	s20 =	simm.s32 $0x1400;
	[sflag:s30] =	ssyncadd.s32 $0xFFFFC000  }
0x2bf: {  	[spmem:s1] =	stream.indirect.scatter.add.f32 [tilespmem:s22], [sflag:$0x5], $0x80, s20, s25, $0xb8;
	[tilespmem:$0x1E000] =	vst v63  }
0x2c0: {  	_ =	swait.ge [sflag:s23], $0x4000  }
0x2c1: {  	[sflag:s23] =	ssyncset.done $0x0  }
0x2c2: {  	s5 =	simm.s32 $0x500;
	[sflag:s23] =	ssyncadd.s32 $0xFFFFC000  }
0x2c3: {  	[tilespmem:s22], [sflag:$0x1] =	stream.indirect.gather [hbm4b:s4+s25], $0x80, s5, s25, $0xb8;
	[tilespmem:$0x1E000] =	vst v63  }
0x2c4: {  	_ =	swait.ge [sflag:s0], $0x4000  }
0x2c5: {  	[sflag:s0] =	ssyncset.done $0x0  }
0x2c6: {  	s6 =	simm.s32 $0x1480;
	[sflag:s0] =	ssyncadd.s32 $0xFFFFC000  }
0x2c7: {  	[spmem:s1] =	stream.indirect.scatter.add.f32 [tilespmem:s26], [sflag:$0x5], $0x80, s6, s25, $0xb8;
	[tilespmem:$0x1E000] =	vst v63  }
0x2c8: {  	_ =	swait.ge [sflag:s23], $0x4000  }
0x2c9: {  	[sflag:s23] =	ssyncset.done $0x0  }
0x2ca: {  	s18 =	simm.s32 $0x580;
	[sflag:s23] =	ssyncadd.s32 $0xFFFFC000  }
0x2cb: {  	[tilespmem:s26], [sflag:$0x2] =	stream.indirect.gather [hbm4b:s4+s25], $0x80, s18, s25, $0xb8;
	[tilespmem:$0x1E000] =	vst v63  }
0x2cc: {  	_ =	swait.ge [sflag:s30], $0x4000  }
0x2cd: {  	[sflag:s30] =	ssyncset.done $0x0  }
0x2ce: {  	s19 =	simm.s32 $0x1500;
	[sflag:s30] =	ssyncadd.s32 $0xFFFFC000  }
0x2cf: {  	[spmem:s1] =	stream.indirect.scatter.add.f32 [tilespmem:s22], [sflag:$0x5], $0x80, s19, s25, $0xb8;
	[tilespmem:$0x1E000] =	vst v63  }
0x2d0: {  	_ =	swait.ge [sflag:s23], $0x4000  }
0x2d1: {  	[sflag:s23] =	ssyncset.done $0x0  }
0x2d2: {  	s20 =	simm.s32 $0x600;
	[sflag:s23] =	ssyncadd.s32 $0xFFFFC000  }
0x2d3: {  	[tilespmem:s22], [sflag:$0x1] =	stream.indirect.gather [hbm4b:s4+s25], $0x80, s20, s25, $0xb8;
	[tilespmem:$0x1E000] =	vst v63  }
0x2d4: {  	_ =	swait.ge [sflag:s0], $0x4000  }
0x2d5: {  	[sflag:s0] =	ssyncset.done $0x0  }
0x2d6: {  	s5 =	simm.s32 $0x1580;
	[sflag:s0] =	ssyncadd.s32 $0xFFFFC000  }
0x2d7: {  	[spmem:s1] =	stream.indirect.scatter.add.f32 [tilespmem:s26], [sflag:$0x5], $0x80, s5, s25, $0xb8;
	[tilespmem:$0x1E000] =	vst v63  }
0x2d8: {  	_ =	swait.ge [sflag:s23], $0x4000  }
0x2d9: {  	[sflag:s23] =	ssyncset.done $0x0  }
0x2da: {  	s6 =	simm.s32 $0x680;
	[sflag:s23] =	ssyncadd.s32 $0xFFFFC000  }
0x2db: {  	[tilespmem:s26], [sflag:$0x2] =	stream.indirect.gather [hbm4b:s4+s25], $0x80, s6, s25, $0xb8;
	[tilespmem:$0x1E000] =	vst v63  }
0x2dc: {  	_ =	swait.ge [sflag:s30], $0x4000  }
0x2dd: {  	[sflag:s30] =	ssyncset.done $0x0  }
0x2de: {  	s18 =	simm.s32 $0x1600;
	[sflag:s30] =	ssyncadd.s32 $0xFFFFC000  }
0x2df: {  	[spmem:s1] =	stream.indirect.scatter.add.f32 [tilespmem:s22], [sflag:$0x5], $0x80, s18, s25, $0xb8;
	[tilespmem:$0x1E000] =	vst v63  }
0x2e0: {  	_ =	swait.ge [sflag:s23], $0x4000  }
0x2e1: {  	[sflag:s23] =	ssyncset.done $0x0  }
0x2e2: {  	s19 =	simm.s32 $0x700;
	[sflag:s23] =	ssyncadd.s32 $0xFFFFC000  }
0x2e3: {  	[tilespmem:s22], [sflag:$0x1] =	stream.indirect.gather [hbm4b:s4+s25], $0x80, s19, s25, $0xb8;
	[tilespmem:$0x1E000] =	vst v63  }
0x2e4: {  	_ =	swait.ge [sflag:s0], $0x4000  }
0x2e5: {  	[sflag:s0] =	ssyncset.done $0x0  }
0x2e6: {  	s20 =	simm.s32 $0x1680;
	[sflag:s0] =	ssyncadd.s32 $0xFFFFC000  }
0x2e7: {  	[spmem:s1] =	stream.indirect.scatter.add.f32 [tilespmem:s26], [sflag:$0x5], $0x80, s20, s25, $0xb8;
	[tilespmem:$0x1E000] =	vst v63  }
0x2e8: {  	_ =	swait.ge [sflag:s23], $0x4000  }
0x2e9: {  	[sflag:s23] =	ssyncset.done $0x0  }
0x2ea: {  	s5 =	simm.s32 $0x780;
	[sflag:s23] =	ssyncadd.s32 $0xFFFFC000  }
0x2eb: {  	[tilespmem:s26], [sflag:$0x2] =	stream.indirect.gather [hbm4b:s4+s25], $0x80, s5, s25, $0xb8;
	[tilespmem:$0x1E000] =	vst v63  }
0x2ec: {  	_ =	swait.ge [sflag:s30], $0x4000  }
0x2ed: {  	[sflag:s30] =	ssyncset.done $0x0  }
0x2ee: {  	s6 =	simm.s32 $0x1700;
	[sflag:s30] =	ssyncadd.s32 $0xFFFFC000  }
0x2ef: {  	[spmem:s1] =	stream.indirect.scatter.add.f32 [tilespmem:s22], [sflag:$0x5], $0x80, s6, s25, $0xb8;
	[tilespmem:$0x1E000] =	vst v63  }
0x2f0: {  	_ =	swait.ge [sflag:s23], $0x4000  }
0x2f1: {  	[sflag:s23] =	ssyncset.done $0x0  }
0x2f2: {  	[sflag:s23] =	ssyncadd.s32 $0xFFFFC000  }
0x2f3: {  	_ =	swait.ge [sflag:s0], $0x4000  }
0x2f4: {  	[sflag:s0] =	ssyncset.done $0x0  }
0x2f5: {  	s18 =	simm.s32 $0x1780;
	[sflag:s0] =	ssyncadd.s32 $0xFFFFC000  }
0x2f6: {  	[spmem:s1] =	stream.indirect.scatter.add.f32 [tilespmem:s26], [sflag:$0x5], $0x80, s18, s25, $0xb8;
	[tilespmem:$0x1E000] =	vst v63  }
0x2f7: {  	_ =	swait.ge [sflag:s23], $0x4000  }
0x2f8: {  	[sflag:s23] =	ssyncset.done $0x0  }
0x2f9: {  	[sflag:s23] =	ssyncadd.s32 $0xFFFFC000  }
0x2fa: {  	s19 =	stileid.u32;
	[bflag:$0x0] =	sbarrier.arrive $0xFFFF  }
0x2fb: {  	s18 =	sshll.u32 s19, $0x6;
	s20 =	rddreg [dreg:$0x13]  }
0x2fc: {  	s18 =	sor.u32 $0x1C05, s18;
	s6 =	rddreg [dreg:$0xd];
	s5 =	sshrl.u32 s20, $0x3  }
0x2fd: {  	[hbm:s6], [sflag:s18] =	dma.local [spmem:s5], $0x2800  }
0x2fe: {  	_ =	swait.ge [sflag:s23], $0x2800  }
0x2ff: {  	s17 =	sadd.s32 $0x1, s17;
	s20 =	rddreg [dreg:$0xe]  }
0x300: {  	p0 =	sne.s32 s17, s20  }
.Ltmp1:
0x301: {  	_ = 	snop;
	(pc) =	sbr.rel @p0 .LBB2_1-.Ltmp1, $3  }
0x302: {  	_ =	sdelay $0x1  }
0x303: {  	[sflag:s23] =	ssyncset.done $0x0  }
0x304: {  	[sflag:s23] =	ssyncadd.s32 $0xFFFFD800  }
0x305: {  	_ =	sfence.sel $0x180000  }
0x306: {  	[bflag:$0x0] =	sbarrier.arrive $0xFFFF  }
0x307: {  	_ =	strace $0x9000004A  }
0x308: {  	s0 =	stileid.u32;
	[bflag:$0x2] =	sbarrier.arrive $0xFFFF  }
0x309: {  	p0 =	sne.s32 s0, $0x0;
	s0 =	rddreg [dreg:$0x2]  }
0x30a: {  	s0 =	sadd.s32 @!p0 $0x100000, s0  }
0x30b: {  	[sflag:s0] =	ssyncadd.tile.s32 @!p0 $0x1;
	_ =	shalt  }
.Lfunc_end2:
_tile_overlayer_lowered:
.L_overlay_start_2:
0x30c: {  	(tag) =	ssettag $0x2  }
0x30d: {  	s0 =	rddreg [dreg:$0x0];
	s2 =	stileid.u32  }
0x30e: {  	s1 =	rddreg [dreg:$0x1];
	p0 =	sne.s32 s2, $0x0  }
0x30f: {  	s3 =	rddreg [dreg:$0x2];
	[bflag:$0x3] =	sbarrier.arrive $0xFFFF;
	s2 =	simm.s32 @!p0 $0x1C05  }
0x310: {  	[timem:s3], [sflag:s2] =	dma.local @!p0 [hbm:s0], s1  }
0x311: {  	s0 =	simm.s32 @!p0 $0x5  }
0x312: {  	_ =	swait.ge @!p0 [sflag:s0], s1  }
0x313: {  	s1 =	ssub.s32 @!p0 $0x0, s1;
	[sflag:s0] =	ssyncset.done @!p0 $0x0  }
0x314: {  	[sflag:s0] =	ssyncadd.s32 @!p0 s1  }
0x315: {  	[bflag:$0x3] =	sbarrier.arrive $0xFFFF  }
0x316: {  	_ =	shalt  }

// kernel: kernel.7.cloned.1.call-start
scs
__scs_entry_jumppad:
0x0: {  	(pc) =	sbr.rel $0x88, $3  }
0x1: {  	(tag) =	ssettag $0x0;
	lr =	simm.s32 $0x1  }
0x2: {  	[smem:$0x3F9B] =	sst lr;
	_ =	strace $0xD0000000  }
0x3: {  	_ = 	snop  }
0x4: {  	_ = 	snop  }
0x5: {  	_ = 	snop  }
0x6: {  	_ = 	snop  }
0x7: {  	_ = 	snop  }
__scs_overlays_trampoline_lowered:
0x8: {  	[smem:$0x3FAA] =	sst s0  }
0x9: {  	[smem:$0x3FAB] =	sst s1  }
0xa: {  	[smem:$0x3FAC] =	sst s2  }
0xb: {  	[smem:$0x3FAD] =	sst s3  }
0xc: {  	[smem:$0x3FAE] =	sst s4  }
0xd: {  	[smem:$0x3FAF] =	sst s5  }
0xe: {  	[smem:$0x3FB0] =	sst s6  }
0xf: {  	[smem:$0x3FB1] =	sst s7  }
0x10: {  	[smem:$0x3FB2] =	sst s8  }
0x11: {  	[smem:$0x3FB3] =	sst s9;
	s0 =	simm.s32 @!p0 $0x0  }
0x12: {  	s1 =	sld [smem:$0x3F99];
	s0 =	simm.s32 @p0 $0x1  }
0x13: {  	[smem:$0x3FB4] =	sst s0;
	s0 =	simm.s32 @!p1 $0x0  }
0x14: {  	s2 =	sld [smem:$0x3F98];
	s0 =	simm.s32 @p1 $0x1  }
0x15: {  	[smem:$0x3FB5] =	sst s0;
	s0 =	simm.s32 @!p2 $0x0  }
0x16: {  	s3 =	sld [smem:$0x3FDB];
	s0 =	simm.s32 @p2 $0x1  }
0x17: {  	s4 =	simm.s32 $0x1BF5;
	[smem:$0x3FB7] =	sst s0  }
0x18: {  	s0 =	sld [smem:$0x3F9A];
	_ =	swait.ge [sflag:s4], $0x0  }
0x19: {  	s7 =	sld [smem:$0x3F9B]  }
0x1a: {  	s8 =	sadd.s32 $0xFFFFE003, lr  }
0x1b: {  	s9 =	sadd.s32 $0xFFFFFEF7, lr;
	s5 =	simm.s32 $0xFFFFFFFF;
	p2 =	slt.u32 s8, $0xFFFFF086  }
0x1c: {  	p1 =	slt.u32 s9, $0xF7A;
	s5 =	simm.s32 @!p2 $0x0  }
0x1d: {  	s5 =	simm.s32 @p1 $0x1;
	p0 =	seq.s32 s7, s2  }
0x1e: {  	s7 =	smul.u32 @!p0 $0xF7A, s2;
	p2 =	seq.s32 @!p0 s5, $0x0  }
0x1f: {  	s9 =	smul.u32 $0xF7A, s1;
	s8 =	simm.s32 @!p0 $0x1BF5;
	p2 =	por !p2, p0  }
0x20: {  	[sflag:s8] =	ssyncset.s32 @!p0 $0xFFFFF086;
	s6 =	sadd.s32 @!p0 s3, s7;
	s7 =	simm.s32 @!p0 $0x108  }
0x21: {  	s3 =	sadd.s32 s3, s9;
	s6 =	sadd.s32 @!p0 $0x88, s6;
	s7 =	simm.s32 @p2 $0x1082  }
0x22: {  	[simem:s7], [sflag:s8] =	dma.local @!p0 [hbm:s6], $0xF7A  }
0x23: {  	s9 =	sor.u32 $0xD0000000, s2;
	s6 =	simm.s32 $0x108;
	_ =	swait.ge @!p0 [sflag:s8], $0x0  }
0x24: {  	s3 =	sadd.s32 $0x88, s3;
	s6 =	simm.s32 @!p1 $0x1082;
	[sflag:s4] =	ssyncset.s32 $0xFFFFF086  }
0x25: {  	[simem:s6], [sflag:s4] =	dma.local [hbm:s3], $0xF7A  }
0x26: {  	[smem:$0x3F9B] =	sst s1;
	(tag) =	ssettag s2;
	_ =	strace s9  }
0x27: {  	s1 =	sld [smem:$0x3FAB]  }
0x28: {  	s2 =	sld [smem:$0x3FAC]  }
0x29: {  	s4 =	sld [smem:$0x3FAE]  }
0x2a: {  	p0 =	seq.s32 s5, $0x0;
	s5 =	sld [smem:$0x3FAF]  }
0x2b: {  	s6 =	sld [smem:$0x3FB0]  }
0x2c: {  	s7 =	sld [smem:$0x3FB1]  }
0x2d: {  	s3 =	simm.s32 $0x108;
	s8 =	sld [smem:$0x3FB2]  }
0x2e: {  	s3 =	simm.s32 @!p0 $0x1082;
	s9 =	sld [smem:$0x3FB3]  }
0x2f: {  	lr =	sadd.s32 s0, s3;
	s0 =	sld [smem:$0x3FAA]  }
0x30: {  	s3 =	sld [smem:$0x3FAD]  }
0x31: {  	[smem:$0x3FB6] =	sst s10  }
0x32: {  	s10 =	sld [smem:$0x3FB4];
	_ =	sdelay $0x3  }
0x33: {  	p0 =	seq.s32 s10, $0x1;
	s10 =	sld [smem:$0x3FB6];
	_ =	sdelay $0x3  }
0x34: {  	[smem:$0x3FB6] =	sst s10  }
0x35: {  	s10 =	sld [smem:$0x3FB5];
	_ =	sdelay $0x3  }
0x36: {  	p1 =	seq.s32 s10, $0x1;
	s10 =	sld [smem:$0x3FB6];
	_ =	sdelay $0x3  }
0x37: {  	[smem:$0x3FB6] =	sst s10  }
0x38: {  	s10 =	sld [smem:$0x3FB7]  }
0x39: {  	_ = 	snop;
	(pc) =	sbr.ind lr, $3  }
0x3a: {  	_ = 	snop  }
0x3b: {  	_ = 	snop  }
0x3c: {  	p2 =	seq.s32 s10, $0x1;
	s10 =	sld [smem:$0x3FB6]  }
0x3d: {  	_ =	shalt  }
0x3e: {  	_ =	shalt  }
0x3f: {  	_ =	shalt  }
0x40: {  	_ =	shalt  }
0x41: {  	_ =	shalt  }
0x42: {  	_ =	shalt  }
0x43: {  	_ =	shalt  }
0x44: {  	_ =	shalt  }
0x45: {  	_ =	shalt  }
0x46: {  	_ =	shalt  }
0x47: {  	_ =	shalt  }
0x48: {  	_ =	shalt  }
0x49: {  	_ =	shalt  }
0x4a: {  	_ =	shalt  }
0x4b: {  	_ =	shalt  }
0x4c: {  	_ =	shalt  }
0x4d: {  	_ =	shalt  }
0x4e: {  	_ =	shalt  }
0x4f: {  	_ =	shalt  }
0x50: {  	_ =	shalt  }
0x51: {  	_ =	shalt  }
0x52: {  	_ =	shalt  }
0x53: {  	_ =	shalt  }
0x54: {  	_ =	shalt  }
0x55: {  	_ =	shalt  }
0x56: {  	_ =	shalt  }
0x57: {  	_ =	shalt  }
0x58: {  	_ =	shalt  }
0x59: {  	_ =	shalt  }
0x5a: {  	_ =	shalt  }
0x5b: {  	_ =	shalt  }
0x5c: {  	_ =	shalt  }
0x5d: {  	_ =	shalt  }
0x5e: {  	_ =	shalt  }
0x5f: {  	_ =	shalt  }
0x60: {  	_ =	shalt  }
0x61: {  	_ =	shalt  }
0x62: {  	_ =	shalt  }
0x63: {  	_ =	shalt  }
0x64: {  	_ =	shalt  }
0x65: {  	_ =	shalt  }
0x66: {  	_ =	shalt  }
0x67: {  	_ =	shalt  }
0x68: {  	_ =	shalt  }
0x69: {  	_ =	shalt  }
0x6a: {  	_ =	shalt  }
0x6b: {  	_ =	shalt  }
0x6c: {  	_ =	shalt  }
0x6d: {  	_ =	shalt  }
0x6e: {  	_ =	shalt  }
0x6f: {  	_ =	shalt  }
0x70: {  	_ =	shalt  }
0x71: {  	_ =	shalt  }
0x72: {  	_ =	shalt  }
0x73: {  	_ =	shalt  }
0x74: {  	_ =	shalt  }
0x75: {  	_ =	shalt  }
0x76: {  	_ =	shalt  }
0x77: {  	_ =	shalt  }
0x78: {  	_ =	shalt  }
0x79: {  	_ =	shalt  }
0x7a: {  	_ =	shalt  }
0x7b: {  	_ =	shalt  }
0x7c: {  	_ =	shalt  }
0x7d: {  	_ =	shalt  }
0x7e: {  	_ =	shalt  }
0x7f: {  	_ =	shalt  }
0x80: {  	_ =	shalt  }
0x81: {  	_ =	shalt  }
0x82: {  	_ =	shalt  }
0x83: {  	_ =	shalt  }
0x84: {  	_ =	shalt  }
0x85: {  	_ =	shalt  }
0x86: {  	_ =	shalt  }
0x87: {  	_ =	shalt  }
.Lfunc_end0:
.L_simem_size_0:
called_computation_lowered:
.L_overlay_start_0:
0x88: {  	s2 =	sld [smem:$0x3FD9]  }
0x89: {  	s3 =	sld [smem:$0x3FFE];
	_ =	sdelay $0x1  }
0x8a: {  	s1 =	srdreg.scid  }
0x8b: {  	s0 =	sand.u32 $0x1, s1  }
0x8c: {  	s16 =	sshll.u32 s0, $0xA;
	s2 =	sadd.s32 s3, s2  }
0x8d: {  	s2 =	sadd.s32 s2, s16  }
0x8e: {  	[smem:$0x3FC2] =	sst s2  }
0x8f: {  	_ = 	snop  }
0x90: {  	(tm) =	ssettm $0x1  }
0x91: {  	s17 =	sld [smem:$0x3FFB];
	_ =	sdelay $0x3  }
0x92: {  	_ =	strace s17  }
0x93: {  	s2 =	sld [smem:$0x3FFC];
	_ =	sdelay $0x3  }
0x94: {  	_ =	strace s2  }
0x95: {  	s2 =	sld [smem:$0x3FFD];
	_ =	sdelay $0x3  }
0x96: {  	_ =	strace s2  }
0x97: {  	_ =	strace $0x8FFFFFFF  }
0x98: {  	s18 =	sld [smem:$0x3FDB];
	_ =	sdelay $0x1  }
0x99: {  	s19 =	simm.s32 $_scs_section_size  }
0x9a: {  	s4 =	simm.s32 $_size__tile_overlayer_lowered;
	s5 =	simm.s32 $_tile_overlayer_lowered  }
0x9b: {  	s22 =	simm.s32 $0x1BFF;
	s21 =	sshll.u32 s5, $0x1;
	s2 =	sadd.s32 s19, s18  }
0x9c: {  	s6 =	simm.s32 $0x0;
	s20 =	sshll.u32 s4, $0x1;
	s4 =	sadd.s32 s21, s2  }
0x9d: {  	[timem:s6], [sflag:s22] =	dma.local [hbm:s4], s20  }
0x9e: {  	_ =	swait.ge [sflag:s22], s20  }
0x9f: {  	s3 =	ssub.s32 $0x0, s20;
	[sflag:s22] =	ssyncset.done $0x0  }
0xa0: {  	[sflag:s22] =	ssyncadd.s32 s3;
	_ =	sdelay $0x1  }
0xa1: {  	s23 =	simm.s32 $0x1B8B  }
0xa2: {  	_ =	swait.ge [sflag:s23], $0x1  }
0xa3: {  	[sflag:s23] =	ssyncset.done $0x0  }
0xa4: {  	s25 =	simm.s32 $0x1B8E;
	s24 =	sld [smem:$0x3FFE];
	[sflag:s23] =	ssyncadd.s32 $0xFFFFFFFF  }
0xa5: {  	s26 =	simm.s32 $execute0_lowered;
	[smem:$0x3FD2] =	sst s25  }
0xa6: {  	s4 =	sshll.u32 s26, $0x1;
	_ =	strace $0x80000046;
	[dreg:$0x1] =	wrdreg $0xFFFFFFFF  }
0xa7: {  	s28 =	simm.s32 $_size_execute0_lowered;
	s2 =	sadd.s32 s2, s4;
	[dreg:$0x0] =	wrdreg $0x0  }
0xa8: {  	s4 =	sshll.u32 s28, $0x1;
	[dreg:$0x2] =	wrdreg s2  }
0xa9: {  	[dreg:$0x3] =	wrdreg s4  }
0xaa: {  	[dreg:$0x4] =	wrdreg $0xC0  }
0xab: {  	_ =	task [dreg:s6], $0x5FFFF  }
0xac: {  	[dreg:$0x1] =	wrdreg $0xFFFFFFFF  }
0xad: {  	[dreg:$0x0] =	wrdreg $0x60  }
0xae: {  	[dreg:$0x2] =	wrdreg s24  }
0xaf: {  	[dreg:$0x3] =	wrdreg $0x2B000  }
0xb0: {  	[dreg:$0x4] =	wrdreg $0x9  }
0xb1: {  	_ =	task.clear_ibuf [dreg:s6], $0x5FFFF;
	_ =	strace $0x90000046  }
0xb2: {  	s29 =	simm.s32 $0x9;
	_ =	strace $0x80000048  }
0xb3: {  	_ =	swait.ge [sflag:s29], $0x1  }
0xb4: {  	[sflag:s29] =	ssyncadd.s32 $0xFFFFFFFF  }
0xb5: {  	_ =	strace $0x90000048  }
0xb6: {  	_ =	sfence  }
0xb7: {  	s30 =	sld [smem:$0x0];
	_ =	sdelay $0x2  }
0xb8: {  	s31 =	sshll.u32 s1, $0xD;
	s1 =	sshrl.u32 s1, $0x2  }
0xb9: {  	s3 =	sand.u32 $0x4000, s31;
	s1 =	sadd.s32 s1, s30  }
0xba: {  	s0 =	sor.u32 s3, s0;
	s1 =	sshll.u32 s1, $0x11  }
0xbb: {  	s0 =	sor.u32 s1, s0  }
0xbc: {  	s0 =	sadd.s32 $0x8F2B, s0  }
0xbd: {  	[sflag:s0] =	ssyncadd.remote.s32 $0x1  }
0xbe: {  	_ =	sfence.sel $0xFFFF  }
0xbf: {  	[dreg:$0x0] =	wrdreg $0xFFFFFFFF;
	(pc) =	sbr.abs _section_cstart, $3  }
0xc0: {  	[dreg:$0x1] =	wrdreg $0xFFFFFFFF  }
0xc1: {  	_ =	task.clear_ibuf [dreg:s6], $0x2FFFF;
	_ =	strace $0x9FFFFFFF  }
0xc2: {  	(tm) =	ssettm $0x7FFFFFFF  }
0xc3: {  	_ =	shalt  }
tec
execute0_lowered:
.L_overlay_start_1:
0x0: {  	(tag) =	ssettag $0x1  }
0x1: {  	s4 =	rddreg [dreg:$0x0]  }
0x2: {  	s2 =	rddreg [dreg:$0x1]  }
0x3: {  	s0 =	rddreg [dreg:$0x2]  }
0x4: {  	s5 =	srdreg.scid;
	s1 =	stileid.u32  }
0x5: {  	s3 =	simm.s32 $0x0;
	s10 =	simm.s32 $0x80;
	s11 =	simm.s32 $0x2800  }
0x6: {  	s12 =	simm.s32 $0x1;
	s15 =	simm.s32 $0x20;
	s16 =	simm.s32 $0x10  }
0x7: {  	s17 =	simm.s32 $0x0;
	s5 =	sand.u32 $0x1, s5;
	s7 =	smul.u32 $0x500, s1  }
0x8: {  	s6 =	sshll.u32 s1, $0x1;
	[smem:$0x7FF] =	sst s3;
	s30 =	smul.u32 $0xA00, s1  }
0x9: {  	s13 =	sshll.u32 s1, $0x6;
	s6 =	sor.u32 s5, s6;
	_ =	strace $0x80000047  }
0xa: {  	s8 =	sshll.u32 s5, $0x7;
	s5 =	ssub.s32 $0x2, s5;
	s13 =	sor.u32 $0x1C02, s13  }
0xb: {  	s6 =	smul.u32 $0x500, s6;
	s7 =	sor.u32 s8, s7;
	s9 =	sshrl.u32 s5, $0x1  }
0xc: {  	s31 =	sshrl.u32 s30, $0x2;
	s8 =	simm.s32 $0x2880;
	s7 =	sshrl.u32 s7, $0x3  }
0xd: {  	s9 =	ssub.s32 s5, s9;
	s6 =	sadd.s32 s6, s4;
	s7 =	sadd.s32 s7, s4  }
0xe: {  	s4 =	sadd.s32 s31, s2;
	s5 =	sadd.s32 $0x2000, s6;
	s6 =	sadd.s32 $0x16000, s7  }
0xf: {  	v0 =	vimm.f32 $1.000000000e+00;
	v1 =	vimm.f32 $0.0e+00;
	s7 =	smax.u32 s9, $0x1;
	s9 =	simm.s32 $0x2;
	s14 =	sshrl.u32 s4, $0x3  }
.LBB2_1:
0x10: {  	[tilespmem:$0x2800] =	vst v0  }
0x11: {  	[tilespmem:$0x2810] =	vst v0  }
0x12: {  	[tilespmem:$0x2820] =	vst v0  }
0x13: {  	[tilespmem:$0x2830] =	vst v0  }
0x14: {  	[tilespmem:$0x2840] =	vst v0  }
0x15: {  	[tilespmem:$0x2850] =	vst v0  }
0x16: {  	[tilespmem:$0x2860] =	vst v0  }
0x17: {  	[tilespmem:$0x2870] =	vst v0  }
0x18: {  	[tilespmem:$0x2880] =	vst v1  }
0x19: {  	[tilespmem:$0x2890] =	vst v1  }
0x1a: {  	[tilespmem:$0x28A0] =	vst v1  }
0x1b: {  	[tilespmem:$0x28B0] =	vst v1  }
0x1c: {  	[tilespmem:$0x28C0] =	vst v1  }
0x1d: {  	[tilespmem:$0x28D0] =	vst v1  }
0x1e: {  	[tilespmem:$0x28E0] =	vst v1  }
0x1f: {  	[tilespmem:$0x28F0] =	vst v1  }
0x20: {  	[tilespmem:$0x2900] =	vst v1  }
0x21: {  	[tilespmem:$0x2910] =	vst v1  }
0x22: {  	[tilespmem:$0x2920] =	vst v1  }
0x23: {  	[tilespmem:$0x2930] =	vst v1  }
0x24: {  	[tilespmem:$0x2940] =	vst v1  }
0x25: {  	[tilespmem:$0x2950] =	vst v1  }
0x26: {  	[tilespmem:$0x2960] =	vst v1  }
0x27: {  	[tilespmem:$0x2970] =	vst v1  }
0x28: {  	[tilespmem:$0x2980] =	vst v1  }
0x29: {  	[tilespmem:$0x2990] =	vst v1  }
0x2a: {  	[tilespmem:$0x29A0] =	vst v1  }
0x2b: {  	[tilespmem:$0x29B0] =	vst v1  }
0x2c: {  	[tilespmem:$0x29C0] =	vst v1  }
0x2d: {  	[tilespmem:$0x29D0] =	vst v1  }
0x2e: {  	[tilespmem:$0x29E0] =	vst v1  }
0x2f: {  	[tilespmem:$0x29F0] =	vst v1  }
0x30: {  	[tilespmem:$0x2A00] =	vst v1  }
0x31: {  	[tilespmem:$0x2A10] =	vst v1  }
0x32: {  	[tilespmem:$0x2A20] =	vst v1  }
0x33: {  	[tilespmem:$0x2A30] =	vst v1  }
0x34: {  	[tilespmem:$0x2A40] =	vst v1  }
0x35: {  	[tilespmem:$0x2A50] =	vst v1  }
0x36: {  	[tilespmem:$0x2A60] =	vst v1  }
0x37: {  	[tilespmem:$0x2A70] =	vst v1  }
0x38: {  	[tilespmem:$0x2A80] =	vst v1  }
0x39: {  	[tilespmem:$0x2A90] =	vst v1  }
0x3a: {  	[tilespmem:$0x2AA0] =	vst v1  }
0x3b: {  	[tilespmem:$0x2AB0] =	vst v1  }
0x3c: {  	[tilespmem:$0x2AC0] =	vst v1  }
0x3d: {  	[tilespmem:$0x2AD0] =	vst v1  }
0x3e: {  	[tilespmem:$0x2AE0] =	vst v1  }
0x3f: {  	[tilespmem:$0x2AF0] =	vst v1  }
0x40: {  	[spmem:s4] =	stream.linear.scatter [tilespmem:s8], [sflag:$0x2], $0x280, $0x38;
	[tilespmem:$0x2D80] =	vst v63  }
0x41: {  	_ =	swait.ge [sflag:s9], $0x280  }
0x42: {  	[sflag:s9] =	ssyncset.done $0x0  }
0x43: {  	[sflag:s9] =	ssyncadd.s32 $0xFFFFFD80  }
0x44: {  	[tilespmem:s3], [sflag:$0x2] =	stream.linear.gather [hbm4b:s5+s3], $0x2800, $0x38;
	[tilespmem:$0x2D80] =	vst v63  }
0x45: {  	_ =	swait.ge [sflag:s9], $0x2800  }
0x46: {  	[sflag:s9] =	ssyncset.done $0x0  }
0x47: {  	[sflag:s9] =	ssyncadd.s32 $0xFFFFD800  }
0x48: {  	s18 =	simm.s32 $0x0;
	[bflag:$0x0] =	sbarrier.arrive $0xFFFF  }
0x49: {  	[spmem:s2] =	stream.indirect.scatter.add.f32 [tilespmem:s11], [sflag:$0x1], $0x1, s18, s10, $0xb8;
	[tilespmem:$0x2D80] =	vst v63  }
0x4a: {  	s29 =	simm.s32 $0x80  }
0x4b: {  	[spmem:s2] =	stream.indirect.scatter.add.f32 [tilespmem:s11], [sflag:$0x1], $0x1, s29, s10, $0xb8;
	[tilespmem:$0x2D80] =	vst v63  }
0x4c: {  	s30 =	simm.s32 $0x100  }
0x4d: {  	[spmem:s2] =	stream.indirect.scatter.add.f32 [tilespmem:s11], [sflag:$0x1], $0x1, s30, s10, $0xb8;
	[tilespmem:$0x2D80] =	vst v63  }
0x4e: {  	s31 =	simm.s32 $0x180  }
0x4f: {  	[spmem:s2] =	stream.indirect.scatter.add.f32 [tilespmem:s11], [sflag:$0x1], $0x1, s31, s10, $0xb8;
	[tilespmem:$0x2D80] =	vst v63  }
0x50: {  	s19 =	simm.s32 $0x200  }
0x51: {  	[spmem:s2] =	stream.indirect.scatter.add.f32 [tilespmem:s11], [sflag:$0x1], $0x1, s19, s10, $0xb8;
	[tilespmem:$0x2D80] =	vst v63  }
0x52: {  	s20 =	simm.s32 $0x280  }
0x53: {  	[spmem:s2] =	stream.indirect.scatter.add.f32 [tilespmem:s11], [sflag:$0x1], $0x1, s20, s10, $0xb8;
	[tilespmem:$0x2D80] =	vst v63  }
0x54: {  	s21 =	simm.s32 $0x300  }
0x55: {  	[spmem:s2] =	stream.indirect.scatter.add.f32 [tilespmem:s11], [sflag:$0x1], $0x1, s21, s10, $0xb8;
	[tilespmem:$0x2D80] =	vst v63  }
0x56: {  	s22 =	simm.s32 $0x380  }
0x57: {  	[spmem:s2] =	stream.indirect.scatter.add.f32 [tilespmem:s11], [sflag:$0x1], $0x1, s22, s10, $0xb8;
	[tilespmem:$0x2D80] =	vst v63  }
0x58: {  	s23 =	simm.s32 $0x400  }
0x59: {  	[spmem:s2] =	stream.indirect.scatter.add.f32 [tilespmem:s11], [sflag:$0x1], $0x1, s23, s10, $0xb8;
	[tilespmem:$0x2D80] =	vst v63  }
0x5a: {  	s24 =	simm.s32 $0x480  }
0x5b: {  	[spmem:s2] =	stream.indirect.scatter.add.f32 [tilespmem:s11], [sflag:$0x1], $0x1, s24, s10, $0xb8;
	[tilespmem:$0x2D80] =	vst v63  }
0x5c: {  	s25 =	simm.s32 $0x500  }
0x5d: {  	[spmem:s2] =	stream.indirect.scatter.add.f32 [tilespmem:s11], [sflag:$0x1], $0x1, s25, s10, $0xb8;
	[tilespmem:$0x2D80] =	vst v63  }
0x5e: {  	s26 =	simm.s32 $0x580  }
0x5f: {  	[spmem:s2] =	stream.indirect.scatter.add.f32 [tilespmem:s11], [sflag:$0x1], $0x1, s26, s10, $0xb8;
	[tilespmem:$0x2D80] =	vst v63  }
0x60: {  	s28 =	simm.s32 $0x600  }
0x61: {  	[spmem:s2] =	stream.indirect.scatter.add.f32 [tilespmem:s11], [sflag:$0x1], $0x1, s28, s10, $0xb8;
	[tilespmem:$0x2D80] =	vst v63  }
0x62: {  	s29 =	simm.s32 $0x680  }
0x63: {  	[spmem:s2] =	stream.indirect.scatter.add.f32 [tilespmem:s11], [sflag:$0x1], $0x1, s29, s10, $0xb8;
	[tilespmem:$0x2D80] =	vst v63  }
0x64: {  	s30 =	simm.s32 $0x700  }
0x65: {  	[spmem:s2] =	stream.indirect.scatter.add.f32 [tilespmem:s11], [sflag:$0x1], $0x1, s30, s10, $0xb8;
	[tilespmem:$0x2D80] =	vst v63  }
0x66: {  	s31 =	simm.s32 $0x780  }
0x67: {  	[spmem:s2] =	stream.indirect.scatter.add.f32 [tilespmem:s11], [sflag:$0x1], $0x1, s31, s10, $0xb8;
	[tilespmem:$0x2D80] =	vst v63  }
0x68: {  	_ =	swait.ge [sflag:s12], $0x80  }
0x69: {  	[sflag:s12] =	ssyncset.done $0x0  }
0x6a: {  	[sflag:s12] =	ssyncadd.s32 $0xFFFFFF80  }
0x6b: {  	_ =	swait.ge [sflag:s12], $0x80  }
0x6c: {  	[sflag:s12] =	ssyncset.done $0x0  }
0x6d: {  	[sflag:s12] =	ssyncadd.s32 $0xFFFFFF80  }
0x6e: {  	_ =	swait.ge [sflag:s12], $0x80  }
0x6f: {  	[sflag:s12] =	ssyncset.done $0x0  }
0x70: {  	[sflag:s12] =	ssyncadd.s32 $0xFFFFFF80  }
0x71: {  	_ =	swait.ge [sflag:s12], $0x80  }
0x72: {  	[sflag:s12] =	ssyncset.done $0x0  }
0x73: {  	[sflag:s12] =	ssyncadd.s32 $0xFFFFFF80  }
0x74: {  	_ =	swait.ge [sflag:s12], $0x80  }
0x75: {  	[sflag:s12] =	ssyncset.done $0x0  }
0x76: {  	[sflag:s12] =	ssyncadd.s32 $0xFFFFFF80  }
0x77: {  	_ =	swait.ge [sflag:s12], $0x80  }
0x78: {  	[sflag:s12] =	ssyncset.done $0x0  }
0x79: {  	[sflag:s12] =	ssyncadd.s32 $0xFFFFFF80  }
0x7a: {  	_ =	swait.ge [sflag:s12], $0x80  }
0x7b: {  	[sflag:s12] =	ssyncset.done $0x0  }
0x7c: {  	[sflag:s12] =	ssyncadd.s32 $0xFFFFFF80  }
0x7d: {  	_ =	swait.ge [sflag:s12], $0x80  }
0x7e: {  	[sflag:s12] =	ssyncset.done $0x0  }
0x7f: {  	[sflag:s12] =	ssyncadd.s32 $0xFFFFFF80  }
0x80: {  	_ =	swait.ge [sflag:s12], $0x80  }
0x81: {  	[sflag:s12] =	ssyncset.done $0x0  }
0x82: {  	[sflag:s12] =	ssyncadd.s32 $0xFFFFFF80  }
0x83: {  	_ =	swait.ge [sflag:s12], $0x80  }
0x84: {  	[sflag:s12] =	ssyncset.done $0x0  }
0x85: {  	[sflag:s12] =	ssyncadd.s32 $0xFFFFFF80  }
0x86: {  	_ =	swait.ge [sflag:s12], $0x80  }
0x87: {  	[sflag:s12] =	ssyncset.done $0x0  }
0x88: {  	[sflag:s12] =	ssyncadd.s32 $0xFFFFFF80  }
0x89: {  	_ =	swait.ge [sflag:s12], $0x80  }
0x8a: {  	[sflag:s12] =	ssyncset.done $0x0  }
0x8b: {  	[sflag:s12] =	ssyncadd.s32 $0xFFFFFF80  }
0x8c: {  	_ =	swait.ge [sflag:s12], $0x80  }
0x8d: {  	[sflag:s12] =	ssyncset.done $0x0  }
0x8e: {  	[sflag:s12] =	ssyncadd.s32 $0xFFFFFF80  }
0x8f: {  	_ =	swait.ge [sflag:s12], $0x80  }
0x90: {  	[sflag:s12] =	ssyncset.done $0x0  }
0x91: {  	[sflag:s12] =	ssyncadd.s32 $0xFFFFFF80  }
0x92: {  	_ =	swait.ge [sflag:s12], $0x80  }
0x93: {  	[sflag:s12] =	ssyncset.done $0x0  }
0x94: {  	[sflag:s12] =	ssyncadd.s32 $0xFFFFFF80  }
0x95: {  	_ =	swait.ge [sflag:s12], $0x80  }
0x96: {  	s18 =	simm.s32 $0x2000;
	s21 =	simm.s32 $0x4000;
	[sflag:s12] =	ssyncset.done $0x0  }
.LBB2_2:
0x97: {  	s20 =	sshra.s32 s18, $0x2  }
0x98: {  	[sflag:s12] =	ssyncadd.s32 $0xFFFFFF80;
	s18 =	smov.u32 s21;
	s19 =	sadd.s32 $0x2000, s21  }
0x99: {  	[spmem:s2] =	stream.indirect.scatter.add.f32 [tilespmem:s11], [sflag:$0x1], $0x1, s20, s10, $0xb8;
	[tilespmem:$0x2D80] =	vst v63  }
0x9a: {  	p0 =	sne.s32 s21, $0x8000;
	s21 =	sadd.s32 $0x80, s20  }
0x9b: {  	[spmem:s2] =	stream.indirect.scatter.add.f32 [tilespmem:s11], [sflag:$0x1], $0x1, s21, s10, $0xb8;
	[tilespmem:$0x2D80] =	vst v63  }
0x9c: {  	s21 =	sadd.s32 $0x100, s20  }
0x9d: {  	[spmem:s2] =	stream.indirect.scatter.add.f32 [tilespmem:s11], [sflag:$0x1], $0x1, s21, s10, $0xb8;
	[tilespmem:$0x2D80] =	vst v63  }
0x9e: {  	s21 =	sadd.s32 $0x180, s20  }
0x9f: {  	[spmem:s2] =	stream.indirect.scatter.add.f32 [tilespmem:s11], [sflag:$0x1], $0x1, s21, s10, $0xb8;
	[tilespmem:$0x2D80] =	vst v63  }
0xa0: {  	s21 =	sadd.s32 $0x200, s20  }
0xa1: {  	[spmem:s2] =	stream.indirect.scatter.add.f32 [tilespmem:s11], [sflag:$0x1], $0x1, s21, s10, $0xb8;
	[tilespmem:$0x2D80] =	vst v63  }
0xa2: {  	s21 =	sadd.s32 $0x280, s20  }
0xa3: {  	[spmem:s2] =	stream.indirect.scatter.add.f32 [tilespmem:s11], [sflag:$0x1], $0x1, s21, s10, $0xb8;
	[tilespmem:$0x2D80] =	vst v63  }
0xa4: {  	s21 =	sadd.s32 $0x300, s20  }
0xa5: {  	[spmem:s2] =	stream.indirect.scatter.add.f32 [tilespmem:s11], [sflag:$0x1], $0x1, s21, s10, $0xb8;
	[tilespmem:$0x2D80] =	vst v63  }
0xa6: {  	s21 =	sadd.s32 $0x380, s20  }
0xa7: {  	[spmem:s2] =	stream.indirect.scatter.add.f32 [tilespmem:s11], [sflag:$0x1], $0x1, s21, s10, $0xb8;
	[tilespmem:$0x2D80] =	vst v63  }
0xa8: {  	s21 =	sadd.s32 $0x400, s20  }
0xa9: {  	[spmem:s2] =	stream.indirect.scatter.add.f32 [tilespmem:s11], [sflag:$0x1], $0x1, s21, s10, $0xb8;
	[tilespmem:$0x2D80] =	vst v63  }
0xaa: {  	s21 =	sadd.s32 $0x480, s20  }
0xab: {  	[spmem:s2] =	stream.indirect.scatter.add.f32 [tilespmem:s11], [sflag:$0x1], $0x1, s21, s10, $0xb8;
	[tilespmem:$0x2D80] =	vst v63  }
0xac: {  	s21 =	sadd.s32 $0x500, s20  }
0xad: {  	[spmem:s2] =	stream.indirect.scatter.add.f32 [tilespmem:s11], [sflag:$0x1], $0x1, s21, s10, $0xb8;
	[tilespmem:$0x2D80] =	vst v63  }
0xae: {  	s21 =	sadd.s32 $0x580, s20  }
0xaf: {  	[spmem:s2] =	stream.indirect.scatter.add.f32 [tilespmem:s11], [sflag:$0x1], $0x1, s21, s10, $0xb8;
	[tilespmem:$0x2D80] =	vst v63  }
0xb0: {  	s21 =	sadd.s32 $0x600, s20  }
0xb1: {  	[spmem:s2] =	stream.indirect.scatter.add.f32 [tilespmem:s11], [sflag:$0x1], $0x1, s21, s10, $0xb8;
	[tilespmem:$0x2D80] =	vst v63  }
0xb2: {  	s21 =	sadd.s32 $0x680, s20  }
0xb3: {  	[spmem:s2] =	stream.indirect.scatter.add.f32 [tilespmem:s11], [sflag:$0x1], $0x1, s21, s10, $0xb8;
	[tilespmem:$0x2D80] =	vst v63  }
0xb4: {  	s21 =	sadd.s32 $0x700, s20  }
0xb5: {  	[spmem:s2] =	stream.indirect.scatter.add.f32 [tilespmem:s11], [sflag:$0x1], $0x1, s21, s10, $0xb8;
	[tilespmem:$0x2D80] =	vst v63  }
0xb6: {  	s20 =	sadd.s32 $0x780, s20  }
0xb7: {  	[spmem:s2] =	stream.indirect.scatter.add.f32 [tilespmem:s11], [sflag:$0x1], $0x1, s20, s10, $0xb8;
	[tilespmem:$0x2D80] =	vst v63  }
0xb8: {  	_ =	swait.ge [sflag:s12], $0x80  }
0xb9: {  	[sflag:s12] =	ssyncset.done $0x0  }
0xba: {  	[sflag:s12] =	ssyncadd.s32 $0xFFFFFF80  }
0xbb: {  	_ =	swait.ge [sflag:s12], $0x80  }
0xbc: {  	[sflag:s12] =	ssyncset.done $0x0  }
0xbd: {  	[sflag:s12] =	ssyncadd.s32 $0xFFFFFF80  }
0xbe: {  	_ =	swait.ge [sflag:s12], $0x80  }
0xbf: {  	[sflag:s12] =	ssyncset.done $0x0  }
0xc0: {  	[sflag:s12] =	ssyncadd.s32 $0xFFFFFF80  }
0xc1: {  	_ =	swait.ge [sflag:s12], $0x80  }
0xc2: {  	[sflag:s12] =	ssyncset.done $0x0  }
0xc3: {  	[sflag:s12] =	ssyncadd.s32 $0xFFFFFF80  }
0xc4: {  	_ =	swait.ge [sflag:s12], $0x80  }
0xc5: {  	[sflag:s12] =	ssyncset.done $0x0  }
0xc6: {  	[sflag:s12] =	ssyncadd.s32 $0xFFFFFF80  }
0xc7: {  	_ =	swait.ge [sflag:s12], $0x80  }
0xc8: {  	[sflag:s12] =	ssyncset.done $0x0  }
0xc9: {  	[sflag:s12] =	ssyncadd.s32 $0xFFFFFF80  }
0xca: {  	_ =	swait.ge [sflag:s12], $0x80  }
0xcb: {  	[sflag:s12] =	ssyncset.done $0x0  }
0xcc: {  	[sflag:s12] =	ssyncadd.s32 $0xFFFFFF80  }
0xcd: {  	_ =	swait.ge [sflag:s12], $0x80  }
0xce: {  	[sflag:s12] =	ssyncset.done $0x0  }
0xcf: {  	[sflag:s12] =	ssyncadd.s32 $0xFFFFFF80  }
0xd0: {  	_ =	swait.ge [sflag:s12], $0x80  }
0xd1: {  	[sflag:s12] =	ssyncset.done $0x0  }
0xd2: {  	[sflag:s12] =	ssyncadd.s32 $0xFFFFFF80  }
0xd3: {  	_ =	swait.ge [sflag:s12], $0x80  }
0xd4: {  	[sflag:s12] =	ssyncset.done $0x0  }
0xd5: {  	[sflag:s12] =	ssyncadd.s32 $0xFFFFFF80  }
0xd6: {  	_ =	swait.ge [sflag:s12], $0x80  }
0xd7: {  	[sflag:s12] =	ssyncset.done $0x0  }
0xd8: {  	[sflag:s12] =	ssyncadd.s32 $0xFFFFFF80  }
0xd9: {  	_ =	swait.ge [sflag:s12], $0x80  }
0xda: {  	[sflag:s12] =	ssyncset.done $0x0  }
0xdb: {  	[sflag:s12] =	ssyncadd.s32 $0xFFFFFF80  }
0xdc: {  	_ =	swait.ge [sflag:s12], $0x80  }
0xdd: {  	[sflag:s12] =	ssyncset.done $0x0  }
0xde: {  	[sflag:s12] =	ssyncadd.s32 $0xFFFFFF80  }
0xdf: {  	_ =	swait.ge [sflag:s12], $0x80  }
0xe0: {  	[sflag:s12] =	ssyncset.done $0x0  }
0xe1: {  	[sflag:s12] =	ssyncadd.s32 $0xFFFFFF80  }
.Ltmp0:
0xe2: {  	_ =	swait.ge [sflag:s12], $0x80;
	(pc) =	sbr.rel @p0 .LBB2_2-.Ltmp0, $4  }
0xe3: {  	[sflag:s12] =	ssyncset.done $0x0  }
0xe4: {  	[sflag:s12] =	ssyncadd.s32 $0xFFFFFF80  }
0xe5: {  	_ =	swait.ge [sflag:s12], $0x80  }
0xe6: {  	s21 =	smov.u32 s19;
	[sflag:s12] =	ssyncset.done $0x0  }
0xe7: {  	s18 =	sshra.s32 s18, $0x2;
	[sflag:s12] =	ssyncadd.s32 $0xFFFFFF80  }
0xe8: {  	[spmem:s2] =	stream.indirect.scatter.add.f32 [tilespmem:s11], [sflag:$0x1], $0x1, s18, s10, $0xb8;
	[tilespmem:$0x2D80] =	vst v63  }
0xe9: {  	s19 =	sadd.s32 $0x80, s18  }
0xea: {  	[spmem:s2] =	stream.indirect.scatter.add.f32 [tilespmem:s11], [sflag:$0x1], $0x1, s19, s10, $0xb8;
	[tilespmem:$0x2D80] =	vst v63  }
0xeb: {  	s30 =	sadd.s32 $0x100, s18  }
0xec: {  	[spmem:s2] =	stream.indirect.scatter.add.f32 [tilespmem:s11], [sflag:$0x1], $0x1, s30, s10, $0xb8;
	[tilespmem:$0x2D80] =	vst v63  }
0xed: {  	s31 =	sadd.s32 $0x180, s18  }
0xee: {  	[spmem:s2] =	stream.indirect.scatter.add.f32 [tilespmem:s11], [sflag:$0x1], $0x1, s31, s10, $0xb8;
	[tilespmem:$0x2D80] =	vst v63  }
0xef: {  	s20 =	sadd.s32 $0x200, s18  }
0xf0: {  	[spmem:s2] =	stream.indirect.scatter.add.f32 [tilespmem:s11], [sflag:$0x1], $0x1, s20, s10, $0xb8;
	[tilespmem:$0x2D80] =	vst v63  }
0xf1: {  	s21 =	sadd.s32 $0x280, s18  }
0xf2: {  	[spmem:s2] =	stream.indirect.scatter.add.f32 [tilespmem:s11], [sflag:$0x1], $0x1, s21, s10, $0xb8;
	[tilespmem:$0x2D80] =	vst v63  }
0xf3: {  	s22 =	sadd.s32 $0x300, s18  }
0xf4: {  	[spmem:s2] =	stream.indirect.scatter.add.f32 [tilespmem:s11], [sflag:$0x1], $0x1, s22, s10, $0xb8;
	[tilespmem:$0x2D80] =	vst v63  }
0xf5: {  	s23 =	sadd.s32 $0x380, s18  }
0xf6: {  	[spmem:s2] =	stream.indirect.scatter.add.f32 [tilespmem:s11], [sflag:$0x1], $0x1, s23, s10, $0xb8;
	[tilespmem:$0x2D80] =	vst v63  }
0xf7: {  	s24 =	sadd.s32 $0x400, s18  }
0xf8: {  	[spmem:s2] =	stream.indirect.scatter.add.f32 [tilespmem:s11], [sflag:$0x1], $0x1, s24, s10, $0xb8;
	[tilespmem:$0x2D80] =	vst v63  }
0xf9: {  	s25 =	sadd.s32 $0x480, s18  }
0xfa: {  	[spmem:s2] =	stream.indirect.scatter.add.f32 [tilespmem:s11], [sflag:$0x1], $0x1, s25, s10, $0xb8;
	[tilespmem:$0x2D80] =	vst v63  }
0xfb: {  	s26 =	sadd.s32 $0x500, s18  }
0xfc: {  	[spmem:s2] =	stream.indirect.scatter.add.f32 [tilespmem:s11], [sflag:$0x1], $0x1, s26, s10, $0xb8;
	[tilespmem:$0x2D80] =	vst v63  }
0xfd: {  	s28 =	sadd.s32 $0x580, s18  }
0xfe: {  	[spmem:s2] =	stream.indirect.scatter.add.f32 [tilespmem:s11], [sflag:$0x1], $0x1, s28, s10, $0xb8;
	[tilespmem:$0x2D80] =	vst v63  }
0xff: {  	s29 =	sadd.s32 $0x600, s18  }
0x100: {  	[spmem:s2] =	stream.indirect.scatter.add.f32 [tilespmem:s11], [sflag:$0x1], $0x1, s29, s10, $0xb8;
	[tilespmem:$0x2D80] =	vst v63  }
0x101: {  	s30 =	sadd.s32 $0x680, s18  }
0x102: {  	[spmem:s2] =	stream.indirect.scatter.add.f32 [tilespmem:s11], [sflag:$0x1], $0x1, s30, s10, $0xb8;
	[tilespmem:$0x2D80] =	vst v63  }
0x103: {  	s31 =	sadd.s32 $0x700, s18  }
0x104: {  	[spmem:s2] =	stream.indirect.scatter.add.f32 [tilespmem:s11], [sflag:$0x1], $0x1, s31, s10, $0xb8;
	[tilespmem:$0x2D80] =	vst v63  }
0x105: {  	s18 =	sadd.s32 $0x780, s18  }
0x106: {  	[spmem:s2] =	stream.indirect.scatter.add.f32 [tilespmem:s11], [sflag:$0x1], $0x1, s18, s10, $0xb8;
	[tilespmem:$0x2D80] =	vst v63  }
0x107: {  	_ =	swait.ge [sflag:s12], $0x80  }
0x108: {  	[sflag:s12] =	ssyncset.done $0x0  }
0x109: {  	[sflag:s12] =	ssyncadd.s32 $0xFFFFFF80  }
0x10a: {  	_ =	swait.ge [sflag:s12], $0x80  }
0x10b: {  	[sflag:s12] =	ssyncset.done $0x0  }
0x10c: {  	[sflag:s12] =	ssyncadd.s32 $0xFFFFFF80  }
0x10d: {  	_ =	swait.ge [sflag:s12], $0x80  }
0x10e: {  	[sflag:s12] =	ssyncset.done $0x0  }
0x10f: {  	[sflag:s12] =	ssyncadd.s32 $0xFFFFFF80  }
0x110: {  	_ =	swait.ge [sflag:s12], $0x80  }
0x111: {  	[sflag:s12] =	ssyncset.done $0x0  }
0x112: {  	[sflag:s12] =	ssyncadd.s32 $0xFFFFFF80  }
0x113: {  	_ =	swait.ge [sflag:s12], $0x80  }
0x114: {  	[sflag:s12] =	ssyncset.done $0x0  }
0x115: {  	[sflag:s12] =	ssyncadd.s32 $0xFFFFFF80  }
0x116: {  	_ =	swait.ge [sflag:s12], $0x80  }
0x117: {  	[sflag:s12] =	ssyncset.done $0x0  }
0x118: {  	[sflag:s12] =	ssyncadd.s32 $0xFFFFFF80  }
0x119: {  	_ =	swait.ge [sflag:s12], $0x80  }
0x11a: {  	[sflag:s12] =	ssyncset.done $0x0  }
0x11b: {  	[sflag:s12] =	ssyncadd.s32 $0xFFFFFF80  }
0x11c: {  	_ =	swait.ge [sflag:s12], $0x80  }
0x11d: {  	[sflag:s12] =	ssyncset.done $0x0  }
0x11e: {  	[sflag:s12] =	ssyncadd.s32 $0xFFFFFF80  }
0x11f: {  	_ =	swait.ge [sflag:s12], $0x80  }
0x120: {  	[sflag:s12] =	ssyncset.done $0x0  }
0x121: {  	[sflag:s12] =	ssyncadd.s32 $0xFFFFFF80  }
0x122: {  	_ =	swait.ge [sflag:s12], $0x80  }
0x123: {  	[sflag:s12] =	ssyncset.done $0x0  }
0x124: {  	[sflag:s12] =	ssyncadd.s32 $0xFFFFFF80  }
0x125: {  	_ =	swait.ge [sflag:s12], $0x80  }
0x126: {  	[sflag:s12] =	ssyncset.done $0x0  }
0x127: {  	[sflag:s12] =	ssyncadd.s32 $0xFFFFFF80  }
0x128: {  	_ =	swait.ge [sflag:s12], $0x80  }
0x129: {  	[sflag:s12] =	ssyncset.done $0x0  }
0x12a: {  	[sflag:s12] =	ssyncadd.s32 $0xFFFFFF80  }
0x12b: {  	_ =	swait.ge [sflag:s12], $0x80  }
0x12c: {  	[sflag:s12] =	ssyncset.done $0x0  }
0x12d: {  	[sflag:s12] =	ssyncadd.s32 $0xFFFFFF80  }
0x12e: {  	_ =	swait.ge [sflag:s12], $0x80  }
0x12f: {  	[sflag:s12] =	ssyncset.done $0x0  }
0x130: {  	[sflag:s12] =	ssyncadd.s32 $0xFFFFFF80  }
0x131: {  	_ =	swait.ge [sflag:s12], $0x80  }
0x132: {  	[sflag:s12] =	ssyncset.done $0x0  }
0x133: {  	[sflag:s12] =	ssyncadd.s32 $0xFFFFFF80  }
0x134: {  	_ =	swait.ge [sflag:s12], $0x80  }
0x135: {  	s17 =	sadd.s32 $0x1, s17;
	[sflag:s12] =	ssyncset.done $0x0  }
0x136: {  	p0 =	sne.s32 s17, s7;
	[sflag:s12] =	ssyncadd.s32 $0xFFFFFF80  }
.Ltmp1:
0x137: {  	[bflag:$0x0] =	sbarrier.arrive $0xFFFF;
	(pc) =	sbr.rel @p0 .LBB2_1-.Ltmp1, $4  }
0x138: {  	[hbm:s6@s15], [sflag:s13] =	dma.strided [spmem:s14@s16], $0x50, s12, $0x10   }
0x139: {  	_ =	swait.ge [sflag:s9], $0x50  }
0x13a: {  	[sflag:s9] =	ssyncset.done $0x0  }
0x13b: {  	[sflag:s9] =	ssyncadd.s32 $0xFFFFFFB0  }
0x13c: {  	_ =	sfence.sel $0x180000  }
0x13d: {  	[bflag:$0x0] =	sbarrier.arrive $0xFFFF  }
0x13e: {  	p0 =	sne.s32 s1, $0x0;
	_ =	strace $0x90000047  }
0x13f: {  	s0 =	sadd.s32 @!p0 $0x100000, s0;
	[bflag:$0x2] =	sbarrier.arrive $0xFFFF  }
0x140: {  	[sflag:s0] =	ssyncadd.tile.s32 @!p0 $0x1;
	_ =	shalt  }
.Lfunc_end2:
_tile_overlayer_lowered:
.L_overlay_start_2:
0x141: {  	(tag) =	ssettag $0x2  }
0x142: {  	s0 =	rddreg [dreg:$0x0];
	s2 =	stileid.u32  }
0x143: {  	s1 =	rddreg [dreg:$0x1];
	p0 =	sne.s32 s2, $0x0  }
0x144: {  	s3 =	rddreg [dreg:$0x2];
	[bflag:$0x3] =	sbarrier.arrive $0xFFFF;
	s2 =	simm.s32 @!p0 $0x1C02  }
0x145: {  	[timem:s3], [sflag:s2] =	dma.local @!p0 [hbm:s0], s1  }
0x146: {  	s0 =	simm.s32 @!p0 $0x2  }
0x147: {  	_ =	swait.ge @!p0 [sflag:s0], s1  }
0x148: {  	s1 =	ssub.s32 @!p0 $0x0, s1;
	[sflag:s0] =	ssyncset.done @!p0 $0x0  }
0x149: {  	[sflag:s0] =	ssyncadd.s32 @!p0 s1  }
0x14a: {  	[bflag:$0x3] =	sbarrier.arrive $0xFFFF  }
0x14b: {  	_ =	shalt  }

</sc_bundles>
